<compile_context>
chip_gen: v7x
topology: tpu7x:2x2x1
jax: 0.10.2.dev20260603
libtpu: 0.0.44.dev20260713+nightly
codegen_flags: <defaults>
</compile_context>

<pallas_src>
import functools

import jax
import jax.numpy as jnp
from jax import lax
from jax.experimental import pallas as pl
from jax.experimental.pallas import tpu as pltpu
from jax.experimental.pallas import tpu_sc as plsc

B, C, N, K, OUT = 4, 128, 4096, 16, 128
RT = 256
R3 = 256
NEG_BIG = -3.0e38
CNT = B * N * K

_NW = 32
_CHUNK = 128


def _prep_kernel(x_ref, wyb_ref, wc_ref, b1_ref, y_ref, hc_ref, xx_ref):
    xb = x_ref[0]
    y = lax.dot_general(xb, wyb_ref[...], (((0,), (1,)), ((), ())),
                        preferred_element_type=jnp.float32)
    hc = lax.dot_general(xb, wc_ref[...], (((0,), (1,)), ((), ())),
                         preferred_element_type=jnp.float32)
    y_ref[0] = y
    hc_ref[0] = hc + b1_ref[...]
    xx_ref[0] = jnp.sum(xb * xb, axis=0, keepdims=True)


def _prep(x, w1b, wc, b1r):
    return pl.pallas_call(
        _prep_kernel,
        grid=(B,),
        in_specs=[
            pl.BlockSpec((1, C, N), lambda b: (b, 0, 0)),
            pl.BlockSpec((OUT, C), lambda b: (0, 0)),
            pl.BlockSpec((OUT, C), lambda b: (0, 0)),
            pl.BlockSpec((1, OUT), lambda b: (0, 0)),
        ],
        out_specs=[
            pl.BlockSpec((1, N, OUT), lambda b: (b, 0, 0)),
            pl.BlockSpec((1, N, OUT), lambda b: (b, 0, 0)),
            pl.BlockSpec((1, 1, N), lambda b: (b, 0, 0)),
        ],
        out_shape=[
            jax.ShapeDtypeStruct((B, N, OUT), jnp.float32),
            jax.ShapeDtypeStruct((B, N, OUT), jnp.float32),
            jax.ShapeDtypeStruct((B, 1, N), jnp.float32),
        ],
    )(x, w1b, wc, b1r)


def _knn_kernel(xr_ref, xall_ref, xxc_ref, idx_ref):
    xr = xr_ref[...]
    xa = xall_ref[...]
    xxc = xxc_ref[...]
    dot = lax.dot_general(xr, xa, (((0,), (0,)), ((), ())),
                          preferred_element_type=jnp.float32)
    ones = jnp.ones((C, 1), jnp.float32)
    xxr = lax.dot_general(xr * xr, ones, (((0,), (0,)), ((), ())),
                          preferred_element_type=jnp.float32)
    neg = 2.0 * dot - (xxr + xxc)
    bits = lax.bitcast_convert_type(neg, jnp.int32)
    si = jnp.where(bits < 0, bits ^ 0x7FFFFFFF, bits)
    iot = lax.broadcasted_iota(jnp.int32, (RT, N), 1)
    nch = N // 128
    key = (si & (-32)) | ((nch - 1) - (iot >> 7))
    iot128 = lax.broadcasted_iota(jnp.int32, (RT, 128), 1)
    cols = []
    for _ in range(K):
        lmk = key[:, 0:128]
        for c in range(1, nch):
            lmk = jnp.maximum(lmk, key[:, c * 128:(c + 1) * 128])
        mk = jnp.max(lmk, axis=1, keepdims=True)
        cj = (nch - 1) - (mk & (nch - 1))
        le = jnp.min(jnp.where(lmk == mk, iot128, 128), axis=1,
                     keepdims=True)
        am = cj * 128 + le
        cols.append(am)
        key = jnp.where(iot == am, -2147483648, key)
    idx_ref[...] = jnp.concatenate(cols, axis=1)


def _knn_b(xb, xxb):
    return pl.pallas_call(
        _knn_kernel,
        grid=(N // RT,),
        in_specs=[
            pl.BlockSpec((C, RT), lambda j: (0, j)),
            pl.BlockSpec((C, N), lambda j: (0, 0)),
            pl.BlockSpec((1, N), lambda j: (0, 0)),
        ],
        out_specs=pl.BlockSpec((RT, K), lambda j: (j, 0)),
        out_shape=jax.ShapeDtypeStruct((N, K), jnp.int32),
    )(xb, xb, xxb)


def _sc_gather_body(y_hbm, idx_hbm, out_hbm, idx_v, rows_v, sem):
    wid = lax.axis_index("s") * 2 + lax.axis_index("c")
    per = (N * K) // _NW
    base0 = wid * per

    def body(i, carry):
        base = base0 + i * _CHUNK
        pltpu.sync_copy(idx_hbm.at[pl.ds(base, _CHUNK)], idx_v)
        pltpu.async_copy(y_hbm.at[idx_v], rows_v, sem).wait()
        pltpu.sync_copy(rows_v, out_hbm.at[pl.ds(base, _CHUNK)])
        return carry

    lax.fori_loop(0, per // _CHUNK, body, 0)


def _sc_gather_b(y2d, idxg):
    mesh = plsc.VectorSubcoreMesh(core_axis_name="c", subcore_axis_name="s")
    fn = functools.partial(
        pl.kernel,
        out_type=jax.ShapeDtypeStruct((N * K, OUT), jnp.float32),
        mesh=mesh,
        scratch_types=[
            pltpu.VMEM((_CHUNK,), jnp.int32),
            pltpu.VMEM((_CHUNK, OUT), jnp.float32),
            pltpu.SemaphoreType.DMA,
        ],
    )(_sc_gather_body)
    return fn(y2d, idxg)


def _stats1_kernel(g_ref, hc_ref, st_ref):
    step = pl.program_id(0)
    hc = hc_ref[...]
    acc = jnp.zeros((R3, OUT), jnp.float32)
    acc2 = jnp.zeros((R3, OUT), jnp.float32)
    for k in range(K):
        h = g_ref[k] + hc
        acc = acc + h
        acc2 = acc2 + h * h

    @pl.when(step == 0)
    def _():
        st_ref[...] = jnp.zeros_like(st_ref)

    st_ref[0:1, :] += jnp.sum(acc, axis=0, keepdims=True)
    st_ref[1:2, :] += jnp.sum(acc2, axis=0, keepdims=True)


def _stats1_b(g3, hc2):
    return pl.pallas_call(
        _stats1_kernel,
        grid=(N // R3,),
        in_specs=[
            pl.BlockSpec((K, R3, OUT), lambda i: (0, i, 0)),
            pl.BlockSpec((R3, OUT), lambda i: (i, 0)),
        ],
        out_specs=pl.BlockSpec((2, OUT), lambda i: (0, 0)),
        out_shape=jax.ShapeDtypeStruct((2, OUT), jnp.float32),
    )(g3, hc2)


def _main_kernel(g_ref, hc_ref, s1_ref, t1_ref, w2t_ref,
                 hmax_ref, hmin_ref, st_ref):
    step = pl.program_id(0)
    hcs = hc_ref[...] * s1_ref[...] + t1_ref[...]
    s1 = s1_ref[...]
    w2t = w2t_ref[...]
    acc = jnp.zeros((R3, OUT), jnp.float32)
    acc2 = jnp.zeros((R3, OUT), jnp.float32)
    hm = None
    hn = None
    for k in range(K):
        a = jnp.maximum(g_ref[k] * s1 + hcs, 0.0)
        h2 = lax.dot_general(a, w2t, (((1,), (0,)), ((), ())),
                             preferred_element_type=jnp.float32)
        acc = acc + h2
        acc2 = acc2 + h2 * h2
        hm = h2 if hm is None else jnp.maximum(hm, h2)
        hn = h2 if hn is None else jnp.minimum(hn, h2)
    hmax_ref[...] = hm
    hmin_ref[...] = hn

    @pl.when(step == 0)
    def _():
        st_ref[...] = jnp.zeros_like(st_ref)

    st_ref[0:1, :] += jnp.sum(acc, axis=0, keepdims=True)
    st_ref[1:2, :] += jnp.sum(acc2, axis=0, keepdims=True)


def _main_b(g3, hc2, s1r, t1r, w2t):
    return pl.pallas_call(
        _main_kernel,
        grid=(N // R3,),
        in_specs=[
            pl.BlockSpec((K, R3, OUT), lambda i: (0, i, 0)),
            pl.BlockSpec((R3, OUT), lambda i: (i, 0)),
            pl.BlockSpec((1, OUT), lambda i: (0, 0)),
            pl.BlockSpec((1, OUT), lambda i: (0, 0)),
            pl.BlockSpec((OUT, OUT), lambda i: (0, 0)),
        ],
        out_specs=[
            pl.BlockSpec((R3, OUT), lambda i: (i, 0)),
            pl.BlockSpec((R3, OUT), lambda i: (i, 0)),
            pl.BlockSpec((2, OUT), lambda i: (0, 0)),
        ],
        out_shape=[
            jax.ShapeDtypeStruct((N, OUT), jnp.float32),
            jax.ShapeDtypeStruct((N, OUT), jnp.float32),
            jax.ShapeDtypeStruct((2, OUT), jnp.float32),
        ],
    )(g3, hc2, s1r, t1r, w2t)


def _epi_kernel(hmax_ref, hmin_ref, s2_ref, t2_ref, out_ref):
    s2 = s2_ref[...]
    t2 = t2_ref[...]
    sel = jnp.where(s2 >= 0.0, hmax_ref[...], hmin_ref[...])
    out_ref[...] = jnp.maximum(sel * s2 + t2, 0.0)


def _epi_b(hmax, hmin, s2r, t2r):
    RE = 512
    return pl.pallas_call(
        _epi_kernel,
        grid=(N // RE,),
        in_specs=[
            pl.BlockSpec((RE, OUT), lambda i: (i, 0)),
            pl.BlockSpec((RE, OUT), lambda i: (i, 0)),
            pl.BlockSpec((1, OUT), lambda i: (0, 0)),
            pl.BlockSpec((1, OUT), lambda i: (0, 0)),
        ],
        out_specs=pl.BlockSpec((RE, OUT), lambda i: (i, 0)),
        out_shape=jax.ShapeDtypeStruct((N, OUT), jnp.float32),
    )(hmax, hmin, s2r, t2r)


def kernel(x, W1, b1, g1, be1, W2, b2, g2, be2):
    w1b = W1[:, C:]
    wc = W1[:, :C] - w1b
    y3, hc3, xx3 = _prep(x, w1b, wc, b1.reshape(1, OUT))
    y2d = y3.reshape(B * N, OUT)

    gs = []
    for b in range(B):
        idx_b = _knn_b(x[b], xx3[b])
        idxg_b = jnp.transpose(idx_b + b * N, (1, 0)).reshape(N * K)
        gs.append(_sc_gather_b(y2d, idxg_b).reshape(K, N, OUT))

    st1 = sum(_stats1_b(gs[b], hc3[b]) for b in range(B))
    mu1 = st1[0] / CNT
    var1 = st1[1] / CNT - mu1 * mu1
    s1 = g1 / jnp.sqrt(var1 + 1e-5)
    t1 = be1 - mu1 * s1

    s1r = s1.reshape(1, OUT)
    t1r = t1.reshape(1, OUT)
    w2t = W2.T
    res = [_main_b(gs[b], hc3[b], s1r, t1r, w2t) for b in range(B)]
    st2 = sum(r[2] for r in res)
    e2 = st2[0] / CNT
    var2 = st2[1] / CNT - e2 * e2
    s2 = g2 / jnp.sqrt(var2 + 1e-5)
    t2 = be2 - e2 * s2

    s2r = s2.reshape(1, OUT)
    t2r = t2.reshape(1, OUT)
    outs = [_epi_b(res[b][0], res[b][1], s2r, t2r) for b in range(B)]
    return jnp.stack(outs, axis=0).transpose(0, 2, 1)

# --- scband reference (transcript-rebuilt; emitter-appended) ---
"""Pipeline reference for scband-edge-conv-2817498546872 (READ-ONLY COPY).

The authoritative reference and input builder live on the scoring server;
editing this copy changes nothing except your own understanding.
"""

import jax, jax.numpy as jnp
import numpy as np

B, C, N, K, OUT = 4, 128, 4096, 16, 128


def setup_inputs(seed: int = 0) -> dict:
    key = jax.random.key(seed)
    ks = jax.random.split(key, 4)
    x = jax.random.normal(ks[0], (B, C, N), dtype=jnp.float32)
    W1 = jax.random.normal(ks[1], (OUT, 2 * C), dtype=jnp.float32) * (1.0 / np.sqrt(2 * C))
    b1 = jnp.zeros((OUT,), jnp.float32)
    g1 = jnp.ones((OUT,), jnp.float32)
    be1 = jnp.zeros((OUT,), jnp.float32)
    W2 = jax.random.normal(ks[2], (OUT, OUT), dtype=jnp.float32) * (1.0 / np.sqrt(OUT))
    b2 = jnp.zeros((OUT,), jnp.float32)
    g2 = jnp.ones((OUT,), jnp.float32)
    be2 = jnp.zeros((OUT,), jnp.float32)
    return {"x": x, "W1": W1, "b1": b1, "g1": g1, "be1": be1, "W2": W2, "b2": b2, "g2": g2, "be2": be2}


def _bn_train(h, gamma, beta, eps=1e-5):
    # BatchNorm2d in training mode: normalize per-channel over (batch, spatial) dims.
    # h: [B, N, K, OUT]; channel is last axis here.
    mean = jnp.mean(h, axis=(0, 1, 2), keepdims=True)
    var = jnp.mean((h - mean) ** 2, axis=(0, 1, 2), keepdims=True)  # biased var, as torch uses for normalization
    return gamma * (h - mean) / jnp.sqrt(var + eps) + beta


def reference(x, W1, b1, g1, be1, W2, b2, g2, be2):
    # x: [B, C, N]
    x_t = jnp.transpose(x, (0, 2, 1))  # [B, N, C]
    xx = jnp.sum(x_t ** 2, axis=-1, keepdims=True)  # [B, N, 1]
    dist = xx + jnp.transpose(xx, (0, 2, 1)) - 2.0 * jnp.einsum('bnc,bmc->bnm', x_t, x_t)  # [B, N, N]
    # k smallest distances -> top_k of negated distance (indices are non-differentiable, matching torch no_grad)
    _, idx = jax.lax.top_k(-dist, K)  # [B, N, K]
    # gather neighbor features: neighbors[b, n, j, c] = x_t[b, idx[b, n, j], c]
    nbr = jax.vmap(lambda xt, id_: xt[id_])(x_t, idx)  # [B, N, K, C]
    central = jnp.broadcast_to(x_t[:, :, None, :], nbr.shape)  # [B, N, K, C]
    feat = jnp.concatenate([central, nbr - central], axis=-1)  # [B, N, K, 2C]
    # 1x1 Conv2d == per-position linear over channel dim
    h = feat @ W1.T + b1  # [B, N, K, OUT]
    h = jax.nn.relu(_bn_train(h, g1, be1))
    h = h @ W2.T + b2  # [B, N, K, OUT]
    h = jax.nn.relu(_bn_train(h, g2, be2))
    out = jnp.max(h, axis=2)  # [B, N, OUT]  (max over neighbors)
    return jnp.transpose(out, (0, 2, 1))  # [B, OUT, N]

if __name__ == "__main__":
    import jax
    _d = setup_inputs()
    print(jax.jit(kernel)(*tuple(_d.values())))

</pallas_src>

<mosaic_0001>
#map = affine_map<(d0, d1) -> (0, 0)>
#map1 = affine_map<(d0, d1) -> (0)>
module attributes {stable_mosaic.version = 14 : i64} {
  func.func @_sc_gather_body(%arg0: i32, %arg1: i32, %arg2: memref<16384x128xf32, #tpu.memory_space<hbm>>, %arg3: memref<65536xi32, #tpu.memory_space<hbm>>, %arg4: memref<65536x128xf32, #tpu.memory_space<hbm>>, %arg5: memref<128xi32, #tpu.memory_space<vmem>>, %arg6: memref<128x128xf32, #tpu.memory_space<vmem>>, %arg7: memref<!tpu.dma_semaphore, #tpu.memory_space<semaphore_mem>>) attributes {dimension_semantics = [#tpu.dimension_semantics<core_parallel>, #tpu.dimension_semantics<subcore_parallel>], iteration_bounds = array<i64: 2, 16>, scalar_prefetch = 0 : i64, scratch_operands = 3 : i64, tpu.core_type = #tpu.core_type<sc_vector_subcore>, window_params = [{transform_indices = #map}, {transform_indices = #map1}, {transform_indices = #map}]} {
    %mul3A = arith.constant 2 : i32
    %mul3A_0 = arith.muli %arg1, %mul3A : i32
    %add3A = arith.addi %mul3A_0, %arg0 : i32
    %mul3A_1 = arith.constant 2048 : i32
    %mul3A_2 = arith.muli %add3A, %mul3A_1 : i32
    %scan3A = arith.constant 0 : i32
    %scan3A_3 = arith.constant 0 : i32
    %scan3A_4 = arith.constant 16 : i32
    %scan3A_5 = arith.addi %scan3A_3, %scan3A_4 : i32
    %scan3A_6 = arith.constant 1 : i32
    scf.for %scan3A_8 = %scan3A_3 to %scan3A_5 step %scan3A_6  : i32 {
      %mul3A_9 = arith.constant 128 : i32
      %mul3A_10 = arith.muli %scan3A_8, %mul3A_9 : i32
      %add3A_11 = arith.addi %mul3A_2, %mul3A_10 : i32
      "tpu.region"() ({
        %run_scoped3A = tpu.sem_alloc : memref<!tpu.dma_semaphore, #tpu.memory_space<semaphore_mem>>
        %dma_start3A_16 = tpu.memref_slice %arg3[%add3A_11] : memref<65536xi32, #tpu.memory_space<hbm>> -> memref<128xi32, #tpu.memory_space<hbm>>
        %dma_start3A_17 = tpu.memref_slice %arg3[%add3A_11] : memref<65536xi32, #tpu.memory_space<hbm>> -> memref<128xi32, #tpu.memory_space<hbm>>
        tpu.enqueue_dma source(%dma_start3A_17 : memref<128xi32, #tpu.memory_space<hbm>>) target(%arg5 : memref<128xi32, #tpu.memory_space<vmem>>) target_semaphore(%run_scoped3A : memref<!tpu.dma_semaphore, #tpu.memory_space<semaphore_mem>>)
        %dma_wait3A_18 = tpu.memref_slice %arg3[%add3A_11] : memref<65536xi32, #tpu.memory_space<hbm>> -> memref<128xi32, #tpu.memory_space<hbm>>
        %dma_wait3A_19 = tpu.memref_slice %arg3[%add3A_11] : memref<65536xi32, #tpu.memory_space<hbm>> -> memref<128xi32, #tpu.memory_space<hbm>>
        tpu.wait_dma2 semaphore(%run_scoped3A : memref<!tpu.dma_semaphore, #tpu.memory_space<semaphore_mem>>) src(%dma_wait3A_19 : memref<128xi32, #tpu.memory_space<hbm>>) dst(%arg5 : memref<128xi32, #tpu.memory_space<vmem>>)
        tpu.yield
      }) : () -> ()
      %dma_start3A = arith.constant 0 : i32
      %dma_start3A_12 = arith.constant 0 : i32
      %dma_start3A_13 = tpu.memref_slice %arg2[%dma_start3A, %dma_start3A_12] : memref<16384x128xf32, #tpu.memory_space<hbm>> -> memref<16384x128xf32, #tpu.memory_space<hbm>>
      tpu.enqueue_indirect_dma source(%dma_start3A_13 : memref<16384x128xf32, #tpu.memory_space<hbm>>) target(%arg6 : memref<128x128xf32, #tpu.memory_space<vmem>>) offsets(%arg5 : memref<128xi32, #tpu.memory_space<vmem>>) semaphore(%arg7 : memref<!tpu.dma_semaphore, #tpu.memory_space<semaphore_mem>>)
      %dma_wait3A = arith.constant 0 : i32
      %dma_wait3A_14 = arith.constant 0 : i32
      %dma_wait3A_15 = tpu.memref_slice %arg2[%dma_wait3A, %dma_wait3A_14] : memref<16384x128xf32, #tpu.memory_space<hbm>> -> memref<16384x128xf32, #tpu.memory_space<hbm>>
      tpu.wait_indirect_dma semaphore(%arg7 : memref<!tpu.dma_semaphore, #tpu.memory_space<semaphore_mem>>) src(%dma_wait3A_15 : memref<16384x128xf32, #tpu.memory_space<hbm>>) dst(%arg6 : memref<128x128xf32, #tpu.memory_space<vmem>>)
      "tpu.region"() ({
        %run_scoped3A = tpu.sem_alloc : memref<!tpu.dma_semaphore, #tpu.memory_space<semaphore_mem>>
        %dma_start3A_16 = arith.constant 0 : i32
        %dma_start3A_17 = tpu.memref_slice %arg4[%add3A_11, %dma_start3A_16] : memref<65536x128xf32, #tpu.memory_space<hbm>> -> memref<128x128xf32, #tpu.memory_space<hbm>>
        %dma_start3A_18 = arith.constant 0 : i32
        %dma_start3A_19 = tpu.memref_slice %arg4[%add3A_11, %dma_start3A_18] : memref<65536x128xf32, #tpu.memory_space<hbm>> -> memref<128x128xf32, #tpu.memory_space<hbm>>
        tpu.enqueue_dma source(%arg6 : memref<128x128xf32, #tpu.memory_space<vmem>>) target(%dma_start3A_19 : memref<128x128xf32, #tpu.memory_space<hbm>>) target_semaphore(%run_scoped3A : memref<!tpu.dma_semaphore, #tpu.memory_space<semaphore_mem>>)
        %dma_wait3A_20 = arith.constant 0 : i32
        %dma_wait3A_21 = tpu.memref_slice %arg4[%add3A_11, %dma_wait3A_20] : memref<65536x128xf32, #tpu.memory_space<hbm>> -> memref<128x128xf32, #tpu.memory_space<hbm>>
        %dma_wait3A_22 = arith.constant 0 : i32
        %dma_wait3A_23 = tpu.memref_slice %arg4[%add3A_11, %dma_wait3A_22] : memref<65536x128xf32, #tpu.memory_space<hbm>> -> memref<128x128xf32, #tpu.memory_space<hbm>>
        tpu.wait_dma2 semaphore(%run_scoped3A : memref<!tpu.dma_semaphore, #tpu.memory_space<semaphore_mem>>) src(%arg6 : memref<128x128xf32, #tpu.memory_space<vmem>>) dst(%dma_wait3A_23 : memref<128x128xf32, #tpu.memory_space<hbm>>)
        tpu.yield
      }) : () -> ()
    }
    %scan3A_7 = arith.constant 16 : i32
    return
  }
}

#map = affine_map<(d0, d1) -> (0, 0)>
#map1 = affine_map<(d0, d1) -> (0)>
module attributes {stable_mosaic.version = 14 : i64} {
  func.func @_sc_gather_body(%arg0: i32, %arg1: i32, %arg2: memref<16384x128xf32, #tpu.memory_space<hbm>>, %arg3: memref<65536xi32, #tpu.memory_space<hbm>>, %arg4: memref<65536x128xf32, #tpu.memory_space<hbm>>, %arg5: memref<128xi32, #tpu.memory_space<vmem>>, %arg6: memref<128x128xf32, #tpu.memory_space<vmem>>, %arg7: memref<!tpu.dma_semaphore, #tpu.memory_space<semaphore_mem>>) attributes {dimension_semantics = [#tpu.dimension_semantics<core_parallel>, #tpu.dimension_semantics<subcore_parallel>], iteration_bounds = array<i64: 2, 16>, scalar_prefetch = 0 : i64, scratch_operands = 3 : i64, tpu.core_type = #tpu.core_type<sc_vector_subcore>, window_params = [{transform_indices = #map}, {transform_indices = #map1}, {transform_indices = #map}]} {
    %mul3A = arith.constant 2 : i32
    %mul3A_0 = arith.muli %arg1, %mul3A : i32
    %add3A = arith.addi %mul3A_0, %arg0 : i32
    %mul3A_1 = arith.constant 2048 : i32
    %mul3A_2 = arith.muli %add3A, %mul3A_1 : i32
    %scan3A = arith.constant 0 : i32
    %scan3A_3 = arith.constant 0 : i32
    %scan3A_4 = arith.constant 16 : i32
    %scan3A_5 = arith.addi %scan3A_3, %scan3A_4 : i32
    %scan3A_6 = arith.constant 1 : i32
    scf.for %scan3A_8 = %scan3A_3 to %scan3A_5 step %scan3A_6  : i32 {
      %mul3A_9 = arith.constant 128 : i32
      %mul3A_10 = arith.muli %scan3A_8, %mul3A_9 : i32
      %add3A_11 = arith.addi %mul3A_2, %mul3A_10 : i32
      "tpu.region"() ({
        %run_scoped3A = tpu.sem_alloc : memref<!tpu.dma_semaphore, #tpu.memory_space<semaphore_mem>>
        %dma_start3A_16 = tpu.memref_slice %arg3[%add3A_11] : memref<65536xi32, #tpu.memory_space<hbm>> -> memref<128xi32, #tpu.memory_space<hbm>>
        %dma_start3A_17 = tpu.memref_slice %arg3[%add3A_11] : memref<65536xi32, #tpu.memory_space<hbm>> -> memref<128xi32, #tpu.memory_space<hbm>>
        tpu.enqueue_dma source(%dma_start3A_17 : memref<128xi32, #tpu.memory_space<hbm>>) target(%arg5 : memref<128xi32, #tpu.memory_space<vmem>>) target_semaphore(%run_scoped3A : memref<!tpu.dma_semaphore, #tpu.memory_space<semaphore_mem>>)
        %dma_wait3A_18 = tpu.memref_slice %arg3[%add3A_11] : memref<65536xi32, #tpu.memory_space<hbm>> -> memref<128xi32, #tpu.memory_space<hbm>>
        %dma_wait3A_19 = tpu.memref_slice %arg3[%add3A_11] : memref<65536xi32, #tpu.memory_space<hbm>> -> memref<128xi32, #tpu.memory_space<hbm>>
        tpu.wait_dma2 semaphore(%run_scoped3A : memref<!tpu.dma_semaphore, #tpu.memory_space<semaphore_mem>>) src(%dma_wait3A_19 : memref<128xi32, #tpu.memory_space<hbm>>) dst(%arg5 : memref<128xi32, #tpu.memory_space<vmem>>)
        tpu.yield
      }) : () -> ()
      %dma_start3A = arith.constant 0 : i32
      %dma_start3A_12 = arith.constant 0 : i32
      %dma_start3A_13 = tpu.memref_slice %arg2[%dma_start3A, %dma_start3A_12] : memref<16384x128xf32, #tpu.memory_space<hbm>> -> memref<16384x128xf32, #tpu.memory_space<hbm>>
      tpu.enqueue_indirect_dma source(%dma_start3A_13 : memref<16384x128xf32, #tpu.memory_space<hbm>>) target(%arg6 : memref<128x128xf32, #tpu.memory_space<vmem>>) offsets(%arg5 : memref<128xi32, #tpu.memory_space<vmem>>) semaphore(%arg7 : memref<!tpu.dma_semaphore, #tpu.memory_space<semaphore_mem>>)
      %dma_wait3A = arith.constant 0 : i32
      %dma_wait3A_14 = arith.constant 0 : i32
      %dma_wait3A_15 = tpu.memref_slice %arg2[%dma_wait3A, %dma_wait3A_14] : memref<16384x128xf32, #tpu.memory_space<hbm>> -> memref<16384x128xf32, #tpu.memory_space<hbm>>
      tpu.wait_indirect_dma semaphore(%arg7 : memref<!tpu.dma_semaphore, #tpu.memory_space<semaphore_mem>>) src(%dma_wait3A_15 : memref<16384x128xf32, #tpu.memory_space<hbm>>) dst(%arg6 : memref<128x128xf32, #tpu.memory_space<vmem>>)
      "tpu.region"() ({
        %run_scoped3A = tpu.sem_alloc : memref<!tpu.dma_semaphore, #tpu.memory_space<semaphore_mem>>
        %dma_start3A_16 = arith.constant 0 : i32
        %dma_start3A_17 = tpu.memref_slice %arg4[%add3A_11, %dma_start3A_16] : memref<65536x128xf32, #tpu.memory_space<hbm>> -> memref<128x128xf32, #tpu.memory_space<hbm>>
        %dma_start3A_18 = arith.constant 0 : i32
        %dma_start3A_19 = tpu.memref_slice %arg4[%add3A_11, %dma_start3A_18] : memref<65536x128xf32, #tpu.memory_space<hbm>> -> memref<128x128xf32, #tpu.memory_space<hbm>>
        tpu.enqueue_dma source(%arg6 : memref<128x128xf32, #tpu.memory_space<vmem>>) target(%dma_start3A_19 : memref<128x128xf32, #tpu.memory_space<hbm>>) target_semaphore(%run_scoped3A : memref<!tpu.dma_semaphore, #tpu.memory_space<semaphore_mem>>)
        %dma_wait3A_20 = arith.constant 0 : i32
        %dma_wait3A_21 = tpu.memref_slice %arg4[%add3A_11, %dma_wait3A_20] : memref<65536x128xf32, #tpu.memory_space<hbm>> -> memref<128x128xf32, #tpu.memory_space<hbm>>
        %dma_wait3A_22 = arith.constant 0 : i32
        %dma_wait3A_23 = tpu.memref_slice %arg4[%add3A_11, %dma_wait3A_22] : memref<65536x128xf32, #tpu.memory_space<hbm>> -> memref<128x128xf32, #tpu.memory_space<hbm>>
        tpu.wait_dma2 semaphore(%run_scoped3A : memref<!tpu.dma_semaphore, #tpu.memory_space<semaphore_mem>>) src(%arg6 : memref<128x128xf32, #tpu.memory_space<vmem>>) dst(%dma_wait3A_23 : memref<128x128xf32, #tpu.memory_space<hbm>>)
        tpu.yield
      }) : () -> ()
    }
    %scan3A_7 = arith.constant 16 : i32
    return
  }
}

#map = affine_map<(d0, d1) -> (0, 0)>
#map1 = affine_map<(d0, d1) -> (0)>
module attributes {stable_mosaic.version = 14 : i64} {
  func.func @_sc_gather_body(%arg0: i32, %arg1: i32, %arg2: memref<16384x128xf32, #tpu.memory_space<hbm>>, %arg3: memref<65536xi32, #tpu.memory_space<hbm>>, %arg4: memref<65536x128xf32, #tpu.memory_space<hbm>>, %arg5: memref<128xi32, #tpu.memory_space<vmem>>, %arg6: memref<128x128xf32, #tpu.memory_space<vmem>>, %arg7: memref<!tpu.dma_semaphore, #tpu.memory_space<semaphore_mem>>) attributes {dimension_semantics = [#tpu.dimension_semantics<core_parallel>, #tpu.dimension_semantics<subcore_parallel>], iteration_bounds = array<i64: 2, 16>, scalar_prefetch = 0 : i64, scratch_operands = 3 : i64, tpu.core_type = #tpu.core_type<sc_vector_subcore>, window_params = [{transform_indices = #map}, {transform_indices = #map1}, {transform_indices = #map}]} {
    %mul3A = arith.constant 2 : i32
    %mul3A_0 = arith.muli %arg1, %mul3A : i32
    %add3A = arith.addi %mul3A_0, %arg0 : i32
    %mul3A_1 = arith.constant 2048 : i32
    %mul3A_2 = arith.muli %add3A, %mul3A_1 : i32
    %scan3A = arith.constant 0 : i32
    %scan3A_3 = arith.constant 0 : i32
    %scan3A_4 = arith.constant 16 : i32
    %scan3A_5 = arith.addi %scan3A_3, %scan3A_4 : i32
    %scan3A_6 = arith.constant 1 : i32
    scf.for %scan3A_8 = %scan3A_3 to %scan3A_5 step %scan3A_6  : i32 {
      %mul3A_9 = arith.constant 128 : i32
      %mul3A_10 = arith.muli %scan3A_8, %mul3A_9 : i32
      %add3A_11 = arith.addi %mul3A_2, %mul3A_10 : i32
      "tpu.region"() ({
        %run_scoped3A = tpu.sem_alloc : memref<!tpu.dma_semaphore, #tpu.memory_space<semaphore_mem>>
        %dma_start3A_16 = tpu.memref_slice %arg3[%add3A_11] : memref<65536xi32, #tpu.memory_space<hbm>> -> memref<128xi32, #tpu.memory_space<hbm>>
        %dma_start3A_17 = tpu.memref_slice %arg3[%add3A_11] : memref<65536xi32, #tpu.memory_space<hbm>> -> memref<128xi32, #tpu.memory_space<hbm>>
        tpu.enqueue_dma source(%dma_start3A_17 : memref<128xi32, #tpu.memory_space<hbm>>) target(%arg5 : memref<128xi32, #tpu.memory_space<vmem>>) target_semaphore(%run_scoped3A : memref<!tpu.dma_semaphore, #tpu.memory_space<semaphore_mem>>)
        %dma_wait3A_18 = tpu.memref_slice %arg3[%add3A_11] : memref<65536xi32, #tpu.memory_space<hbm>> -> memref<128xi32, #tpu.memory_space<hbm>>
        %dma_wait3A_19 = tpu.memref_slice %arg3[%add3A_11] : memref<65536xi32, #tpu.memory_space<hbm>> -> memref<128xi32, #tpu.memory_space<hbm>>
        tpu.wait_dma2 semaphore(%run_scoped3A : memref<!tpu.dma_semaphore, #tpu.memory_space<semaphore_mem>>) src(%dma_wait3A_19 : memref<128xi32, #tpu.memory_space<hbm>>) dst(%arg5 : memref<128xi32, #tpu.memory_space<vmem>>)
        tpu.yield
      }) : () -> ()
      %dma_start3A = arith.constant 0 : i32
      %dma_start3A_12 = arith.constant 0 : i32
      %dma_start3A_13 = tpu.memref_slice %arg2[%dma_start3A, %dma_start3A_12] : memref<16384x128xf32, #tpu.memory_space<hbm>> -> memref<16384x128xf32, #tpu.memory_space<hbm>>
      tpu.enqueue_indirect_dma source(%dma_start3A_13 : memref<16384x128xf32, #tpu.memory_space<hbm>>) target(%arg6 : memref<128x128xf32, #tpu.memory_space<vmem>>) offsets(%arg5 : memref<128xi32, #tpu.memory_space<vmem>>) semaphore(%arg7 : memref<!tpu.dma_semaphore, #tpu.memory_space<semaphore_mem>>)
      %dma_wait3A = arith.constant 0 : i32
      %dma_wait3A_14 = arith.constant 0 : i32
      %dma_wait3A_15 = tpu.memref_slice %arg2[%dma_wait3A, %dma_wait3A_14] : memref<16384x128xf32, #tpu.memory_space<hbm>> -> memref<16384x128xf32, #tpu.memory_space<hbm>>
      tpu.wait_indirect_dma semaphore(%arg7 : memref<!tpu.dma_semaphore, #tpu.memory_space<semaphore_mem>>) src(%dma_wait3A_15 : memref<16384x128xf32, #tpu.memory_space<hbm>>) dst(%arg6 : memref<128x128xf32, #tpu.memory_space<vmem>>)
      "tpu.region"() ({
        %run_scoped3A = tpu.sem_alloc : memref<!tpu.dma_semaphore, #tpu.memory_space<semaphore_mem>>
        %dma_start3A_16 = arith.constant 0 : i32
        %dma_start3A_17 = tpu.memref_slice %arg4[%add3A_11, %dma_start3A_16] : memref<65536x128xf32, #tpu.memory_space<hbm>> -> memref<128x128xf32, #tpu.memory_space<hbm>>
        %dma_start3A_18 = arith.constant 0 : i32
        %dma_start3A_19 = tpu.memref_slice %arg4[%add3A_11, %dma_start3A_18] : memref<65536x128xf32, #tpu.memory_space<hbm>> -> memref<128x128xf32, #tpu.memory_space<hbm>>
        tpu.enqueue_dma source(%arg6 : memref<128x128xf32, #tpu.memory_space<vmem>>) target(%dma_start3A_19 : memref<128x128xf32, #tpu.memory_space<hbm>>) target_semaphore(%run_scoped3A : memref<!tpu.dma_semaphore, #tpu.memory_space<semaphore_mem>>)
        %dma_wait3A_20 = arith.constant 0 : i32
        %dma_wait3A_21 = tpu.memref_slice %arg4[%add3A_11, %dma_wait3A_20] : memref<65536x128xf32, #tpu.memory_space<hbm>> -> memref<128x128xf32, #tpu.memory_space<hbm>>
        %dma_wait3A_22 = arith.constant 0 : i32
        %dma_wait3A_23 = tpu.memref_slice %arg4[%add3A_11, %dma_wait3A_22] : memref<65536x128xf32, #tpu.memory_space<hbm>> -> memref<128x128xf32, #tpu.memory_space<hbm>>
        tpu.wait_dma2 semaphore(%run_scoped3A : memref<!tpu.dma_semaphore, #tpu.memory_space<semaphore_mem>>) src(%arg6 : memref<128x128xf32, #tpu.memory_space<vmem>>) dst(%dma_wait3A_23 : memref<128x128xf32, #tpu.memory_space<hbm>>)
        tpu.yield
      }) : () -> ()
    }
    %scan3A_7 = arith.constant 16 : i32
    return
  }
}

#map = affine_map<(d0, d1) -> (0, 0)>
#map1 = affine_map<(d0, d1) -> (0)>
module attributes {stable_mosaic.version = 14 : i64} {
  func.func @_sc_gather_body(%arg0: i32, %arg1: i32, %arg2: memref<16384x128xf32, #tpu.memory_space<hbm>>, %arg3: memref<65536xi32, #tpu.memory_space<hbm>>, %arg4: memref<65536x128xf32, #tpu.memory_space<hbm>>, %arg5: memref<128xi32, #tpu.memory_space<vmem>>, %arg6: memref<128x128xf32, #tpu.memory_space<vmem>>, %arg7: memref<!tpu.dma_semaphore, #tpu.memory_space<semaphore_mem>>) attributes {dimension_semantics = [#tpu.dimension_semantics<core_parallel>, #tpu.dimension_semantics<subcore_parallel>], iteration_bounds = array<i64: 2, 16>, scalar_prefetch = 0 : i64, scratch_operands = 3 : i64, tpu.core_type = #tpu.core_type<sc_vector_subcore>, window_params = [{transform_indices = #map}, {transform_indices = #map1}, {transform_indices = #map}]} {
    %mul3A = arith.constant 2 : i32
    %mul3A_0 = arith.muli %arg1, %mul3A : i32
    %add3A = arith.addi %mul3A_0, %arg0 : i32
    %mul3A_1 = arith.constant 2048 : i32
    %mul3A_2 = arith.muli %add3A, %mul3A_1 : i32
    %scan3A = arith.constant 0 : i32
    %scan3A_3 = arith.constant 0 : i32
    %scan3A_4 = arith.constant 16 : i32
    %scan3A_5 = arith.addi %scan3A_3, %scan3A_4 : i32
    %scan3A_6 = arith.constant 1 : i32
    scf.for %scan3A_8 = %scan3A_3 to %scan3A_5 step %scan3A_6  : i32 {
      %mul3A_9 = arith.constant 128 : i32
      %mul3A_10 = arith.muli %scan3A_8, %mul3A_9 : i32
      %add3A_11 = arith.addi %mul3A_2, %mul3A_10 : i32
      "tpu.region"() ({
        %run_scoped3A = tpu.sem_alloc : memref<!tpu.dma_semaphore, #tpu.memory_space<semaphore_mem>>
        %dma_start3A_16 = tpu.memref_slice %arg3[%add3A_11] : memref<65536xi32, #tpu.memory_space<hbm>> -> memref<128xi32, #tpu.memory_space<hbm>>
        %dma_start3A_17 = tpu.memref_slice %arg3[%add3A_11] : memref<65536xi32, #tpu.memory_space<hbm>> -> memref<128xi32, #tpu.memory_space<hbm>>
        tpu.enqueue_dma source(%dma_start3A_17 : memref<128xi32, #tpu.memory_space<hbm>>) target(%arg5 : memref<128xi32, #tpu.memory_space<vmem>>) target_semaphore(%run_scoped3A : memref<!tpu.dma_semaphore, #tpu.memory_space<semaphore_mem>>)
        %dma_wait3A_18 = tpu.memref_slice %arg3[%add3A_11] : memref<65536xi32, #tpu.memory_space<hbm>> -> memref<128xi32, #tpu.memory_space<hbm>>
        %dma_wait3A_19 = tpu.memref_slice %arg3[%add3A_11] : memref<65536xi32, #tpu.memory_space<hbm>> -> memref<128xi32, #tpu.memory_space<hbm>>
        tpu.wait_dma2 semaphore(%run_scoped3A : memref<!tpu.dma_semaphore, #tpu.memory_space<semaphore_mem>>) src(%dma_wait3A_19 : memref<128xi32, #tpu.memory_space<hbm>>) dst(%arg5 : memref<128xi32, #tpu.memory_space<vmem>>)
        tpu.yield
      }) : () -> ()
      %dma_start3A = arith.constant 0 : i32
      %dma_start3A_12 = arith.constant 0 : i32
      %dma_start3A_13 = tpu.memref_slice %arg2[%dma_start3A, %dma_start3A_12] : memref<16384x128xf32, #tpu.memory_space<hbm>> -> memref<16384x128xf32, #tpu.memory_space<hbm>>
      tpu.enqueue_indirect_dma source(%dma_start3A_13 : memref<16384x128xf32, #tpu.memory_space<hbm>>) target(%arg6 : memref<128x128xf32, #tpu.memory_space<vmem>>) offsets(%arg5 : memref<128xi32, #tpu.memory_space<vmem>>) semaphore(%arg7 : memref<!tpu.dma_semaphore, #tpu.memory_space<semaphore_mem>>)
      %dma_wait3A = arith.constant 0 : i32
      %dma_wait3A_14 = arith.constant 0 : i32
      %dma_wait3A_15 = tpu.memref_slice %arg2[%dma_wait3A, %dma_wait3A_14] : memref<16384x128xf32, #tpu.memory_space<hbm>> -> memref<16384x128xf32, #tpu.memory_space<hbm>>
      tpu.wait_indirect_dma semaphore(%arg7 : memref<!tpu.dma_semaphore, #tpu.memory_space<semaphore_mem>>) src(%dma_wait3A_15 : memref<16384x128xf32, #tpu.memory_space<hbm>>) dst(%arg6 : memref<128x128xf32, #tpu.memory_space<vmem>>)
      "tpu.region"() ({
        %run_scoped3A = tpu.sem_alloc : memref<!tpu.dma_semaphore, #tpu.memory_space<semaphore_mem>>
        %dma_start3A_16 = arith.constant 0 : i32
        %dma_start3A_17 = tpu.memref_slice %arg4[%add3A_11, %dma_start3A_16] : memref<65536x128xf32, #tpu.memory_space<hbm>> -> memref<128x128xf32, #tpu.memory_space<hbm>>
        %dma_start3A_18 = arith.constant 0 : i32
        %dma_start3A_19 = tpu.memref_slice %arg4[%add3A_11, %dma_start3A_18] : memref<65536x128xf32, #tpu.memory_space<hbm>> -> memref<128x128xf32, #tpu.memory_space<hbm>>
        tpu.enqueue_dma source(%arg6 : memref<128x128xf32, #tpu.memory_space<vmem>>) target(%dma_start3A_19 : memref<128x128xf32, #tpu.memory_space<hbm>>) target_semaphore(%run_scoped3A : memref<!tpu.dma_semaphore, #tpu.memory_space<semaphore_mem>>)
        %dma_wait3A_20 = arith.constant 0 : i32
        %dma_wait3A_21 = tpu.memref_slice %arg4[%add3A_11, %dma_wait3A_20] : memref<65536x128xf32, #tpu.memory_space<hbm>> -> memref<128x128xf32, #tpu.memory_space<hbm>>
        %dma_wait3A_22 = arith.constant 0 : i32
        %dma_wait3A_23 = tpu.memref_slice %arg4[%add3A_11, %dma_wait3A_22] : memref<65536x128xf32, #tpu.memory_space<hbm>> -> memref<128x128xf32, #tpu.memory_space<hbm>>
        tpu.wait_dma2 semaphore(%run_scoped3A : memref<!tpu.dma_semaphore, #tpu.memory_space<semaphore_mem>>) src(%arg6 : memref<128x128xf32, #tpu.memory_space<vmem>>) dst(%dma_wait3A_23 : memref<128x128xf32, #tpu.memory_space<hbm>>)
        tpu.yield
      }) : () -> ()
    }
    %scan3A_7 = arith.constant 16 : i32
    return
  }
}

module attributes {stable_mosaic.version = 14 : i64} {
  func.func @_prep_kernel(%arg0: i32, %arg1: memref<1x128x4096xf32, #tpu.memory_space<vmem>>, %arg2: memref<128x128xf32, #tpu.memory_space<vmem>>, %arg3: memref<128x128xf32, #tpu.memory_space<vmem>>, %arg4: memref<1x128xf32, #tpu.memory_space<vmem>>, %arg5: memref<1x4096x128xf32, #tpu.memory_space<vmem>>, %arg6: memref<1x4096x128xf32, #tpu.memory_space<vmem>>, %arg7: memref<1x1x4096xf32, #tpu.memory_space<vmem>>) attributes {dimension_semantics = [#tpu.dimension_semantics<arbitrary>], iteration_bounds = array<i64: 4>, scalar_prefetch = 0 : i64, scratch_operands = 0 : i64, tpu.core_type = #tpu.core_type<tc>, window_params = [{transform_indices = @transform_0, window_bounds = array<i64: 1, 128, 4096>}, {pipeline_mode = #tpu.pipeline_mode<synchronous>, transform_indices = @transform_1, window_bounds = array<i64: 128, 128>}, {pipeline_mode = #tpu.pipeline_mode<synchronous>, transform_indices = @transform_2, window_bounds = array<i64: 128, 128>}, {pipeline_mode = #tpu.pipeline_mode<synchronous>, transform_indices = @transform_3, window_bounds = array<i64: 1, 128>}, {transform_indices = @transform_4, window_bounds = array<i64: 1, 4096, 128>}, {transform_indices = @transform_5, window_bounds = array<i64: 1, 4096, 128>}, {transform_indices = @transform_6, window_bounds = array<i64: 1, 1, 4096>}]} {
    %get3A = arith.constant 0 : index
    %get3A_0 = arith.constant 0 : index
    %get3A_1 = arith.constant 0 : index
    %get3A_2 = vector.load %arg1[%get3A, %get3A_0, %get3A_1] : memref<1x128x4096xf32, #tpu.memory_space<vmem>>, vector<1x128x4096xf32>
    %get3A_3 = vector.shape_cast %get3A_2 : vector<1x128x4096xf32> to vector<128x4096xf32>
    %get3A_4 = arith.constant 0 : index
    %get3A_5 = arith.constant 0 : index
    %get3A_6 = vector.load %arg2[%get3A_4, %get3A_5] : memref<128x128xf32, #tpu.memory_space<vmem>>, vector<128x128xf32>
    %dot_general3A = arith.constant dense<0.000000e+00> : vector<4096x128xf32>
    %dot_general3A_7 = tpu.matmul %get3A_3, %get3A_6, %dot_general3A {dimension_numbers = #tpu.dot_dimension_numbers<[0], [1], [1], [0], [0, 1, 1, 0], [], []>, transpose_lhs_hint = false} : vector<128x4096xf32>, vector<128x128xf32>, vector<4096x128xf32> -> vector<4096x128xf32>
    %get3A_8 = arith.constant 0 : index
    %get3A_9 = arith.constant 0 : index
    %get3A_10 = vector.load %arg3[%get3A_8, %get3A_9] : memref<128x128xf32, #tpu.memory_space<vmem>>, vector<128x128xf32>
    %dot_general3A_11 = arith.constant dense<0.000000e+00> : vector<4096x128xf32>
    %dot_general3A_12 = tpu.matmul %get3A_3, %get3A_10, %dot_general3A_11 {dimension_numbers = #tpu.dot_dimension_numbers<[0], [1], [1], [0], [0, 1, 1, 0], [], []>, transpose_lhs_hint = false} : vector<128x4096xf32>, vector<128x128xf32>, vector<4096x128xf32> -> vector<4096x128xf32>
    %swap3A = arith.constant 0 : index
    %swap3A_13 = arith.constant 0 : index
    %swap3A_14 = arith.constant 0 : index
    %swap3A_15 = vector.load %arg5[%swap3A, %swap3A_13, %swap3A_14] : memref<1x4096x128xf32, #tpu.memory_space<vmem>>, vector<1x4096x128xf32>
    %swap3A_16 = vector.shape_cast %swap3A_15 : vector<1x4096x128xf32> to vector<4096x128xf32>
    %swap3A_17 = vector.shape_cast %dot_general3A_7 : vector<4096x128xf32> to vector<1x4096x128xf32>
    tpu.vector_store %arg5[%swap3A, %swap3A_13, %swap3A_14], %swap3A_17 {strides = array<i32>} : memref<1x4096x128xf32, #tpu.memory_space<vmem>>, vector<1x4096x128xf32>,
    %get3A_18 = arith.constant 0 : index
    %get3A_19 = arith.constant 0 : index
    %get3A_20 = vector.load %arg4[%get3A_18, %get3A_19] : memref<1x128xf32, #tpu.memory_space<vmem>>, vector<1x128xf32>
    %add3A = vector.broadcast %get3A_20 : vector<1x128xf32> to vector<4096x128xf32>
    %add3A_21 = arith.addf %dot_general3A_12, %add3A : vector<4096x128xf32>
    %swap3A_22 = arith.constant 0 : index
    %swap3A_23 = arith.constant 0 : index
    %swap3A_24 = arith.constant 0 : index
    %swap3A_25 = vector.load %arg6[%swap3A_22, %swap3A_23, %swap3A_24] : memref<1x4096x128xf32, #tpu.memory_space<vmem>>, vector<1x4096x128xf32>
    %swap3A_26 = vector.shape_cast %swap3A_25 : vector<1x4096x128xf32> to vector<4096x128xf32>
    %swap3A_27 = vector.shape_cast %add3A_21 : vector<4096x128xf32> to vector<1x4096x128xf32>
    tpu.vector_store %arg6[%swap3A_22, %swap3A_23, %swap3A_24], %swap3A_27 {strides = array<i32>} : memref<1x4096x128xf32, #tpu.memory_space<vmem>>, vector<1x4096x128xf32>,
    %mul3A = arith.mulf %get3A_3, %get3A_3 : vector<128x4096xf32>
    %reduce_sum3A = arith.constant dense<0.000000e+00> : vector<4096xf32>
    %reduce_sum3A_28 = vector.multi_reduction <add>, %mul3A, %reduce_sum3A [0] : vector<128x4096xf32> to vector<4096xf32>
    %broadcast_in_dim3A = vector.shape_cast %reduce_sum3A_28 : vector<4096xf32> to vector<1x4096xf32>
    %swap3A_29 = arith.constant 0 : index
    %swap3A_30 = arith.constant 0 : index
    %swap3A_31 = arith.constant 0 : index
    %swap3A_32 = vector.load %arg7[%swap3A_29, %swap3A_30, %swap3A_31] : memref<1x1x4096xf32, #tpu.memory_space<vmem>>, vector<1x1x4096xf32>
    %swap3A_33 = vector.shape_cast %swap3A_32 : vector<1x1x4096xf32> to vector<1x4096xf32>
    %swap3A_34 = vector.shape_cast %broadcast_in_dim3A : vector<1x4096xf32> to vector<1x1x4096xf32>
    tpu.vector_store %arg7[%swap3A_29, %swap3A_30, %swap3A_31], %swap3A_34 {strides = array<i32>} : memref<1x1x4096xf32, #tpu.memory_space<vmem>>, vector<1x1x4096xf32>,
    return
  }
  func.func @transform_0(%arg0: i32) -> (i32, i32, i32) {
    %c0_i32 = arith.constant 0 : i32
    %c0_i32_0 = arith.constant 0 : i32
    %c0_i32_1 = arith.constant 0 : i32
    return %arg0, %c0_i32, %c0_i32_0 : i32, i32, i32
  }
  func.func @transform_1(%arg0: i32) -> (i32, i32) {
    %c0_i32 = arith.constant 0 : i32
    %c0_i32_0 = arith.constant 0 : i32
    %c0_i32_1 = arith.constant 0 : i32
    return %c0_i32, %c0_i32_0 : i32, i32
  }
  func.func @transform_2(%arg0: i32) -> (i32, i32) {
    %c0_i32 = arith.constant 0 : i32
    %c0_i32_0 = arith.constant 0 : i32
    %c0_i32_1 = arith.constant 0 : i32
    return %c0_i32, %c0_i32_0 : i32, i32
  }
  func.func @transform_3(%arg0: i32) -> (i32, i32) {
    %c0_i32 = arith.constant 0 : i32
    %c0_i32_0 = arith.constant 0 : i32
    %c0_i32_1 = arith.constant 0 : i32
    return %c0_i32, %c0_i32_0 : i32, i32
  }
  func.func @transform_4(%arg0: i32) -> (i32, i32, i32) {
    %c0_i32 = arith.constant 0 : i32
    %c0_i32_0 = arith.constant 0 : i32
    %c0_i32_1 = arith.constant 0 : i32
    return %arg0, %c0_i32, %c0_i32_0 : i32, i32, i32
  }
  func.func @transform_5(%arg0: i32) -> (i32, i32, i32) {
    %c0_i32 = arith.constant 0 : i32
    %c0_i32_0 = arith.constant 0 : i32
    %c0_i32_1 = arith.constant 0 : i32
    return %arg0, %c0_i32, %c0_i32_0 : i32, i32, i32
  }
  func.func @transform_6(%arg0: i32) -> (i32, i32, i32) {
    %c0_i32 = arith.constant 0 : i32
    %c0_i32_0 = arith.constant 0 : i32
    %c0_i32_1 = arith.constant 0 : i32
    return %arg0, %c0_i32, %c0_i32_0 : i32, i32, i32
  }
}

module attributes {stable_mosaic.version = 14 : i64} {
  func.func @_knn_kernel(%arg0: i32, %arg1: memref<128x256xf32, #tpu.memory_space<vmem>>, %arg2: memref<128x4096xf32, #tpu.memory_space<vmem>>, %arg3: memref<1x4096xf32, #tpu.memory_space<vmem>>, %arg4: memref<256x16xi32, #tpu.memory_space<vmem>>) attributes {dimension_semantics = [#tpu.dimension_semantics<arbitrary>], iteration_bounds = array<i64: 16>, scalar_prefetch = 0 : i64, scratch_operands = 0 : i64, tpu.core_type = #tpu.core_type<tc>, window_params = [{transform_indices = @transform_0, window_bounds = array<i64: 128, 256>}, {pipeline_mode = #tpu.pipeline_mode<synchronous>, transform_indices = @transform_1, window_bounds = array<i64: 128, 4096>}, {pipeline_mode = #tpu.pipeline_mode<synchronous>, transform_indices = @transform_2, window_bounds = array<i64: 1, 4096>}, {transform_indices = @transform_3, window_bounds = array<i64: 256, 16>}]} {
    %get3A = arith.constant 0 : index
    %get3A_0 = arith.constant 0 : index
    %get3A_1 = vector.load %arg1[%get3A, %get3A_0] : memref<128x256xf32, #tpu.memory_space<vmem>>, vector<128x256xf32>
    %get3A_2 = arith.constant 0 : index
    %get3A_3 = arith.constant 0 : index
    %get3A_4 = vector.load %arg2[%get3A_2, %get3A_3] : memref<128x4096xf32, #tpu.memory_space<vmem>>, vector<128x4096xf32>
    %get3A_5 = arith.constant 0 : index
    %get3A_6 = arith.constant 0 : index
    %get3A_7 = vector.load %arg3[%get3A_5, %get3A_6] : memref<1x4096xf32, #tpu.memory_space<vmem>>, vector<1x4096xf32>
    %dot_general3A = arith.constant dense<0.000000e+00> : vector<256x4096xf32>
    %dot_general3A_8 = tpu.matmul %get3A_1, %get3A_4, %dot_general3A {dimension_numbers = #tpu.dot_dimension_numbers<[0], [0], [1], [1], [0, 1, 1, 1], [], []>, transpose_lhs_hint = false} : vector<128x256xf32>, vector<128x4096xf32>, vector<256x4096xf32> -> vector<256x4096xf32>
    %broadcast_in_dim3A = arith.constant 1.000000e+00 : f32
    %broadcast_in_dim3A_9 = vector.broadcast %broadcast_in_dim3A : f32 to vector<128x1xf32>
    %mul3A = arith.mulf %get3A_1, %get3A_1 : vector<128x256xf32>
    %dot_general3A_10 = arith.constant dense<0.000000e+00> : vector<256x1xf32>
    %dot_general3A_11 = tpu.matmul %mul3A, %broadcast_in_dim3A_9, %dot_general3A_10 {dimension_numbers = #tpu.dot_dimension_numbers<[0], [0], [1], [1], [0, 1, 1, 1], [], []>, transpose_lhs_hint = false} : vector<128x256xf32>, vector<128x1xf32>, vector<256x1xf32> -> vector<256x1xf32>
    %mul3A_12 = arith.constant 2.000000e+00 : f32
    %mul3A_13 = vector.broadcast %mul3A_12 : f32 to vector<256x4096xf32>
    %mul3A_14 = arith.mulf %mul3A_13, %dot_general3A_8 : vector<256x4096xf32>
    %add3A = vector.broadcast %dot_general3A_11 : vector<256x1xf32> to vector<256x4096xf32>
    %add3A_15 = vector.broadcast %get3A_7 : vector<1x4096xf32> to vector<256x4096xf32>
    %add3A_16 = arith.addf %add3A, %add3A_15 : vector<256x4096xf32>
    %sub3A = arith.subf %mul3A_14, %add3A_16 : vector<256x4096xf32>
    %bitcast_convert_type3A = tpu.bitcast %sub3A : vector<256x4096xf32> -> vector<256x4096xi32>
    %lt3A = arith.constant 0 : i32
    %lt3A_17 = vector.broadcast %lt3A : i32 to vector<256x4096xi32>
    %lt3A_18 = arith.cmpi slt, %bitcast_convert_type3A, %lt3A_17 : vector<256x4096xi32>
    %xor3A = arith.constant 2147483647 : i32
    %xor3A_19 = vector.broadcast %xor3A : i32 to vector<256x4096xi32>
    %xor3A_20 = arith.xori %bitcast_convert_type3A, %xor3A_19 : vector<256x4096xi32>
    %select_n3A = arith.select %lt3A_18, %xor3A_20, %bitcast_convert_type3A : vector<256x4096xi1>, vector<256x4096xi32>
    %iota3A = tpu.iota {dimensions = array<i32: 1>} : vector<256x4096xi32>
    %and3A = arith.constant -32 : i32
    %and3A_21 = vector.broadcast %and3A : i32 to vector<256x4096xi32>
    %and3A_22 = arith.andi %select_n3A, %and3A_21 : vector<256x4096xi32>
    %shift_right_arithmetic3A = arith.constant 7 : i32
    %shift_right_arithmetic3A_23 = vector.broadcast %shift_right_arithmetic3A : i32 to vector<256x4096xi32>
    %shift_right_arithmetic3A_24 = arith.shrsi %iota3A, %shift_right_arithmetic3A_23 : vector<256x4096xi32>
    %sub3A_25 = arith.constant 31 : i32
    %sub3A_26 = vector.broadcast %sub3A_25 : i32 to vector<256x4096xi32>
    %sub3A_27 = arith.subi %sub3A_26, %shift_right_arithmetic3A_24 : vector<256x4096xi32>
    %or3A = arith.ori %and3A_22, %sub3A_27 : vector<256x4096xi32>
    %iota3A_28 = tpu.iota {dimensions = array<i32: 1>} : vector<256x128xi32>
    %slice3A = vector.extract_strided_slice %or3A {offsets = [0, 0], sizes = [256, 128], strides = [1, 1]} : vector<256x4096xi32> to vector<256x128xi32>
    %slice3A_29 = vector.extract_strided_slice %or3A {offsets = [0, 128], sizes = [256, 128], strides = [1, 1]} : vector<256x4096xi32> to vector<256x128xi32>
    %max3A = arith.maxsi %slice3A, %slice3A_29 : vector<256x128xi32>
    %slice3A_30 = vector.extract_strided_slice %or3A {offsets = [0, 256], sizes = [256, 128], strides = [1, 1]} : vector<256x4096xi32> to vector<256x128xi32>
    %max3A_31 = arith.maxsi %max3A, %slice3A_30 : vector<256x128xi32>
    %slice3A_32 = vector.extract_strided_slice %or3A {offsets = [0, 384], sizes = [256, 128], strides = [1, 1]} : vector<256x4096xi32> to vector<256x128xi32>
    %max3A_33 = arith.maxsi %max3A_31, %slice3A_32 : vector<256x128xi32>
    %slice3A_34 = vector.extract_strided_slice %or3A {offsets = [0, 512], sizes = [256, 128], strides = [1, 1]} : vector<256x4096xi32> to vector<256x128xi32>
    %max3A_35 = arith.maxsi %max3A_33, %slice3A_34 : vector<256x128xi32>
    %slice3A_36 = vector.extract_strided_slice %or3A {offsets = [0, 640], sizes = [256, 128], strides = [1, 1]} : vector<256x4096xi32> to vector<256x128xi32>
    %max3A_37 = arith.maxsi %max3A_35, %slice3A_36 : vector<256x128xi32>
    %slice3A_38 = vector.extract_strided_slice %or3A {offsets = [0, 768], sizes = [256, 128], strides = [1, 1]} : vector<256x4096xi32> to vector<256x128xi32>
    %max3A_39 = arith.maxsi %max3A_37, %slice3A_38 : vector<256x128xi32>
    %slice3A_40 = vector.extract_strided_slice %or3A {offsets = [0, 896], sizes = [256, 128], strides = [1, 1]} : vector<256x4096xi32> to vector<256x128xi32>
    %max3A_41 = arith.maxsi %max3A_39, %slice3A_40 : vector<256x128xi32>
    %slice3A_42 = vector.extract_strided_slice %or3A {offsets = [0, 1024], sizes = [256, 128], strides = [1, 1]} : vector<256x4096xi32> to vector<256x128xi32>
    %max3A_43 = arith.maxsi %max3A_41, %slice3A_42 : vector<256x128xi32>
    %slice3A_44 = vector.extract_strided_slice %or3A {offsets = [0, 1152], sizes = [256, 128], strides = [1, 1]} : vector<256x4096xi32> to vector<256x128xi32>
    %max3A_45 = arith.maxsi %max3A_43, %slice3A_44 : vector<256x128xi32>
    %slice3A_46 = vector.extract_strided_slice %or3A {offsets = [0, 1280], sizes = [256, 128], strides = [1, 1]} : vector<256x4096xi32> to vector<256x128xi32>
    %max3A_47 = arith.maxsi %max3A_45, %slice3A_46 : vector<256x128xi32>
    %slice3A_48 = vector.extract_strided_slice %or3A {offsets = [0, 1408], sizes = [256, 128], strides = [1, 1]} : vector<256x4096xi32> to vector<256x128xi32>
    %max3A_49 = arith.maxsi %max3A_47, %slice3A_48 : vector<256x128xi32>
    %slice3A_50 = vector.extract_strided_slice %or3A {offsets = [0, 1536], sizes = [256, 128], strides = [1, 1]} : vector<256x4096xi32> to vector<256x128xi32>
    %max3A_51 = arith.maxsi %max3A_49, %slice3A_50 : vector<256x128xi32>
    %slice3A_52 = vector.extract_strided_slice %or3A {offsets = [0, 1664], sizes = [256, 128], strides = [1, 1]} : vector<256x4096xi32> to vector<256x128xi32>
    %max3A_53 = arith.maxsi %max3A_51, %slice3A_52 : vector<256x128xi32>
    %slice3A_54 = vector.extract_strided_slice %or3A {offsets = [0, 1792], sizes = [256, 128], strides = [1, 1]} : vector<256x4096xi32> to vector<256x128xi32>
    %max3A_55 = arith.maxsi %max3A_53, %slice3A_54 : vector<256x128xi32>
    %slice3A_56 = vector.extract_strided_slice %or3A {offsets = [0, 1920], sizes = [256, 128], strides = [1, 1]} : vector<256x4096xi32> to vector<256x128xi32>
    %max3A_57 = arith.maxsi %max3A_55, %slice3A_56 : vector<256x128xi32>
    %slice3A_58 = vector.extract_strided_slice %or3A {offsets = [0, 2048], sizes = [256, 128], strides = [1, 1]} : vector<256x4096xi32> to vector<256x128xi32>
    %max3A_59 = arith.maxsi %max3A_57, %slice3A_58 : vector<256x128xi32>
    %slice3A_60 = vector.extract_strided_slice %or3A {offsets = [0, 2176], sizes = [256, 128], strides = [1, 1]} : vector<256x4096xi32> to vector<256x128xi32>
    %max3A_61 = arith.maxsi %max3A_59, %slice3A_60 : vector<256x128xi32>
    %slice3A_62 = vector.extract_strided_slice %or3A {offsets = [0, 2304], sizes = [256, 128], strides = [1, 1]} : vector<256x4096xi32> to vector<256x128xi32>
    %max3A_63 = arith.maxsi %max3A_61, %slice3A_62 : vector<256x128xi32>
    %slice3A_64 = vector.extract_strided_slice %or3A {offsets = [0, 2432], sizes = [256, 128], strides = [1, 1]} : vector<256x4096xi32> to vector<256x128xi32>
    %max3A_65 = arith.maxsi %max3A_63, %slice3A_64 : vector<256x128xi32>
    %slice3A_66 = vector.extract_strided_slice %or3A {offsets = [0, 2560], sizes = [256, 128], strides = [1, 1]} : vector<256x4096xi32> to vector<256x128xi32>
    %max3A_67 = arith.maxsi %max3A_65, %slice3A_66 : vector<256x128xi32>
    %slice3A_68 = vector.extract_strided_slice %or3A {offsets = [0, 2688], sizes = [256, 128], strides = [1, 1]} : vector<256x4096xi32> to vector<256x128xi32>
    %max3A_69 = arith.maxsi %max3A_67, %slice3A_68 : vector<256x128xi32>
    %slice3A_70 = vector.extract_strided_slice %or3A {offsets = [0, 2816], sizes = [256, 128], strides = [1, 1]} : vector<256x4096xi32> to vector<256x128xi32>
    %max3A_71 = arith.maxsi %max3A_69, %slice3A_70 : vector<256x128xi32>
    %slice3A_72 = vector.extract_strided_slice %or3A {offsets = [0, 2944], sizes = [256, 128], strides = [1, 1]} : vector<256x4096xi32> to vector<256x128xi32>
    %max3A_73 = arith.maxsi %max3A_71, %slice3A_72 : vector<256x128xi32>
    %slice3A_74 = vector.extract_strided_slice %or3A {offsets = [0, 3072], sizes = [256, 128], strides = [1, 1]} : vector<256x4096xi32> to vector<256x128xi32>
    %max3A_75 = arith.maxsi %max3A_73, %slice3A_74 : vector<256x128xi32>
    %slice3A_76 = vector.extract_strided_slice %or3A {offsets = [0, 3200], sizes = [256, 128], strides = [1, 1]} : vector<256x4096xi32> to vector<256x128xi32>
    %max3A_77 = arith.maxsi %max3A_75, %slice3A_76 : vector<256x128xi32>
    %slice3A_78 = vector.extract_strided_slice %or3A {offsets = [0, 3328], sizes = [256, 128], strides = [1, 1]} : vector<256x4096xi32> to vector<256x128xi32>
    %max3A_79 = arith.maxsi %max3A_77, %slice3A_78 : vector<256x128xi32>
    %slice3A_80 = vector.extract_strided_slice %or3A {offsets = [0, 3456], sizes = [256, 128], strides = [1, 1]} : vector<256x4096xi32> to vector<256x128xi32>
    %max3A_81 = arith.maxsi %max3A_79, %slice3A_80 : vector<256x128xi32>
    %slice3A_82 = vector.extract_strided_slice %or3A {offsets = [0, 3584], sizes = [256, 128], strides = [1, 1]} : vector<256x4096xi32> to vector<256x128xi32>
    %max3A_83 = arith.maxsi %max3A_81, %slice3A_82 : vector<256x128xi32>
    %slice3A_84 = vector.extract_strided_slice %or3A {offsets = [0, 3712], sizes = [256, 128], strides = [1, 1]} : vector<256x4096xi32> to vector<256x128xi32>
    %max3A_85 = arith.maxsi %max3A_83, %slice3A_84 : vector<256x128xi32>
    %slice3A_86 = vector.extract_strided_slice %or3A {offsets = [0, 3840], sizes = [256, 128], strides = [1, 1]} : vector<256x4096xi32> to vector<256x128xi32>
    %max3A_87 = arith.maxsi %max3A_85, %slice3A_86 : vector<256x128xi32>
    %slice3A_88 = vector.extract_strided_slice %or3A {offsets = [0, 3968], sizes = [256, 128], strides = [1, 1]} : vector<256x4096xi32> to vector<256x128xi32>
    %max3A_89 = arith.maxsi %max3A_87, %slice3A_88 : vector<256x128xi32>
    %reduce_max3A = arith.constant dense<-2147483648> : vector<256xi32>
    %reduce_max3A_90 = vector.multi_reduction <maxsi>, %max3A_89, %reduce_max3A [1] : vector<256x128xi32> to vector<256xi32>
    %broadcast_in_dim3A_91 = vector.shape_cast %reduce_max3A_90 : vector<256xi32> to vector<256x1xi32>
    %and3A_92 = arith.constant 31 : i32
    %and3A_93 = vector.broadcast %and3A_92 : i32 to vector<256x1xi32>
    %and3A_94 = arith.andi %broadcast_in_dim3A_91, %and3A_93 : vector<256x1xi32>
    %sub3A_95 = arith.constant 31 : i32
    %sub3A_96 = vector.broadcast %sub3A_95 : i32 to vector<256x1xi32>
    %sub3A_97 = arith.subi %sub3A_96, %and3A_94 : vector<256x1xi32>
    %eq3A = vector.broadcast %broadcast_in_dim3A_91 : vector<256x1xi32> to vector<256x128xi32>
    %eq3A_98 = arith.cmpi eq, %max3A_89, %eq3A : vector<256x128xi32>
    %jit3A = arith.constant 128 : i32
    %broadcast_in_dim3A_99 = vector.broadcast %jit3A : i32 to vector<256x128xi32>
    %select_n3A_100 = arith.select %eq3A_98, %iota3A_28, %broadcast_in_dim3A_99 : vector<256x128xi1>, vector<256x128xi32>
    %reduce_min3A = arith.constant dense<2147483647> : vector<256xi32>
    %reduce_min3A_101 = vector.multi_reduction <minsi>, %select_n3A_100, %reduce_min3A [1] : vector<256x128xi32> to vector<256xi32>
    %broadcast_in_dim3A_102 = vector.shape_cast %reduce_min3A_101 : vector<256xi32> to vector<256x1xi32>
    %mul3A_103 = arith.constant 128 : i32
    %mul3A_104 = vector.broadcast %mul3A_103 : i32 to vector<256x1xi32>
    %mul3A_105 = arith.muli %sub3A_97, %mul3A_104 : vector<256x1xi32>
    %add3A_106 = arith.addi %mul3A_105, %broadcast_in_dim3A_102 : vector<256x1xi32>
    %eq3A_107 = vector.broadcast %add3A_106 : vector<256x1xi32> to vector<256x4096xi32>
    %eq3A_108 = arith.cmpi eq, %iota3A, %eq3A_107 : vector<256x4096xi32>
    %jit3A_109 = arith.constant -2147483648 : i32
    %broadcast_in_dim3A_110 = vector.broadcast %jit3A_109 : i32 to vector<256x4096xi32>
    %select_n3A_111 = arith.select %eq3A_108, %broadcast_in_dim3A_110, %or3A : vector<256x4096xi1>, vector<256x4096xi32>
    %slice3A_112 = vector.extract_strided_slice %select_n3A_111 {offsets = [0, 0], sizes = [256, 128], strides = [1, 1]} : vector<256x4096xi32> to vector<256x128xi32>
    %slice3A_113 = vector.extract_strided_slice %select_n3A_111 {offsets = [0, 128], sizes = [256, 128], strides = [1, 1]} : vector<256x4096xi32> to vector<256x128xi32>
    %max3A_114 = arith.maxsi %slice3A_112, %slice3A_113 : vector<256x128xi32>
    %slice3A_115 = vector.extract_strided_slice %select_n3A_111 {offsets = [0, 256], sizes = [256, 128], strides = [1, 1]} : vector<256x4096xi32> to vector<256x128xi32>
    %max3A_116 = arith.maxsi %max3A_114, %slice3A_115 : vector<256x128xi32>
    %slice3A_117 = vector.extract_strided_slice %select_n3A_111 {offsets = [0, 384], sizes = [256, 128], strides = [1, 1]} : vector<256x4096xi32> to vector<256x128xi32>
    %max3A_118 = arith.maxsi %max3A_116, %slice3A_117 : vector<256x128xi32>
    %slice3A_119 = vector.extract_strided_slice %select_n3A_111 {offsets = [0, 512], sizes = [256, 128], strides = [1, 1]} : vector<256x4096xi32> to vector<256x128xi32>
    %max3A_120 = arith.maxsi %max3A_118, %slice3A_119 : vector<256x128xi32>
    %slice3A_121 = vector.extract_strided_slice %select_n3A_111 {offsets = [0, 640], sizes = [256, 128], strides = [1, 1]} : vector<256x4096xi32> to vector<256x128xi32>
    %max3A_122 = arith.maxsi %max3A_120, %slice3A_121 : vector<256x128xi32>
    %slice3A_123 = vector.extract_strided_slice %select_n3A_111 {offsets = [0, 768], sizes = [256, 128], strides = [1, 1]} : vector<256x4096xi32> to vector<256x128xi32>
    %max3A_124 = arith.maxsi %max3A_122, %slice3A_123 : vector<256x128xi32>
    %slice3A_125 = vector.extract_strided_slice %select_n3A_111 {offsets = [0, 896], sizes = [256, 128], strides = [1, 1]} : vector<256x4096xi32> to vector<256x128xi32>
    %max3A_126 = arith.maxsi %max3A_124, %slice3A_125 : vector<256x128xi32>
    %slice3A_127 = vector.extract_strided_slice %select_n3A_111 {offsets = [0, 1024], sizes = [256, 128], strides = [1, 1]} : vector<256x4096xi32> to vector<256x128xi32>
    %max3A_128 = arith.maxsi %max3A_126, %slice3A_127 : vector<256x128xi32>
    %slice3A_129 = vector.extract_strided_slice %select_n3A_111 {offsets = [0, 1152], sizes = [256, 128], strides = [1, 1]} : vector<256x4096xi32> to vector<256x128xi32>
    %max3A_130 = arith.maxsi %max3A_128, %slice3A_129 : vector<256x128xi32>
    %slice3A_131 = vector.extract_strided_slice %select_n3A_111 {offsets = [0, 1280], sizes = [256, 128], strides = [1, 1]} : vector<256x4096xi32> to vector<256x128xi32>
    %max3A_132 = arith.maxsi %max3A_130, %slice3A_131 : vector<256x128xi32>
    %slice3A_133 = vector.extract_strided_slice %select_n3A_111 {offsets = [0, 1408], sizes = [256, 128], strides = [1, 1]} : vector<256x4096xi32> to vector<256x128xi32>
    %max3A_134 = arith.maxsi %max3A_132, %slice3A_133 : vector<256x128xi32>
    %slice3A_135 = vector.extract_strided_slice %select_n3A_111 {offsets = [0, 1536], sizes = [256, 128], strides = [1, 1]} : vector<256x4096xi32> to vector<256x128xi32>
    %max3A_136 = arith.maxsi %max3A_134, %slice3A_135 : vector<256x128xi32>
    %slice3A_137 = vector.extract_strided_slice %select_n3A_111 {offsets = [0, 1664], sizes = [256, 128], strides = [1, 1]} : vector<256x4096xi32> to vector<256x128xi32>
    %max3A_138 = arith.maxsi %max3A_136, %slice3A_137 : vector<256x128xi32>
    %slice3A_139 = vector.extract_strided_slice %select_n3A_111 {offsets = [0, 1792], sizes = [256, 128], strides = [1, 1]} : vector<256x4096xi32> to vector<256x128xi32>
    %max3A_140 = arith.maxsi %max3A_138, %slice3A_139 : vector<256x128xi32>
    %slice3A_141 = vector.extract_strided_slice %select_n3A_111 {offsets = [0, 1920], sizes = [256, 128], strides = [1, 1]} : vector<256x4096xi32> to vector<256x128xi32>
    %max3A_142 = arith.maxsi %max3A_140, %slice3A_141 : vector<256x128xi32>
    %slice3A_143 = vector.extract_strided_slice %select_n3A_111 {offsets = [0, 2048], sizes = [256, 128], strides = [1, 1]} : vector<256x4096xi32> to vector<256x128xi32>
    %max3A_144 = arith.maxsi %max3A_142, %slice3A_143 : vector<256x128xi32>
    %slice3A_145 = vector.extract_strided_slice %select_n3A_111 {offsets = [0, 2176], sizes = [256, 128], strides = [1, 1]} : vector<256x4096xi32> to vector<256x128xi32>
    %max3A_146 = arith.maxsi %max3A_144, %slice3A_145 : vector<256x128xi32>
    %slice3A_147 = vector.extract_strided_slice %select_n3A_111 {offsets = [0, 2304], sizes = [256, 128], strides = [1, 1]} : vector<256x4096xi32> to vector<256x128xi32>
    %max3A_148 = arith.maxsi %max3A_146, %slice3A_147 : vector<256x128xi32>
    %slice3A_149 = vector.extract_strided_slice %select_n3A_111 {offsets = [0, 2432], sizes = [256, 128], strides = [1, 1]} : vector<256x4096xi32> to vector<256x128xi32>
    %max3A_150 = arith.maxsi %max3A_148, %slice3A_149 : vector<256x128xi32>
    %slice3A_151 = vector.extract_strided_slice %select_n3A_111 {offsets = [0, 2560], sizes = [256, 128], strides = [1, 1]} : vector<256x4096xi32> to vector<256x128xi32>
    %max3A_152 = arith.maxsi %max3A_150, %slice3A_151 : vector<256x128xi32>
    %slice3A_153 = vector.extract_strided_slice %select_n3A_111 {offsets = [0, 2688], sizes = [256, 128], strides = [1, 1]} : vector<256x4096xi32> to vector<256x128xi32>
    %max3A_154 = arith.maxsi %max3A_152, %slice3A_153 : vector<256x128xi32>
    %slice3A_155 = vector.extract_strided_slice %select_n3A_111 {offsets = [0, 2816], sizes = [256, 128], strides = [1, 1]} : vector<256x4096xi32> to vector<256x128xi32>
    %max3A_156 = arith.maxsi %max3A_154, %slice3A_155 : vector<256x128xi32>
    %slice3A_157 = vector.extract_strided_slice %select_n3A_111 {offsets = [0, 2944], sizes = [256, 128], strides = [1, 1]} : vector<256x4096xi32> to vector<256x128xi32>
    %max3A_158 = arith.maxsi %max3A_156, %slice3A_157 : vector<256x128xi32>
    %slice3A_159 = vector.extract_strided_slice %select_n3A_111 {offsets = [0, 3072], sizes = [256, 128], strides = [1, 1]} : vector<256x4096xi32> to vector<256x128xi32>
    %max3A_160 = arith.maxsi %max3A_158, %slice3A_159 : vector<256x128xi32>
    %slice3A_161 = vector.extract_strided_slice %select_n3A_111 {offsets = [0, 3200], sizes = [256, 128], strides = [1, 1]} : vector<256x4096xi32> to vector<256x128xi32>
    %max3A_162 = arith.maxsi %max3A_160, %slice3A_161 : vector<256x128xi32>
    %slice3A_163 = vector.extract_strided_slice %select_n3A_111 {offsets = [0, 3328], sizes = [256, 128], strides = [1, 1]} : vector<256x4096xi32> to vector<256x128xi32>
    %max3A_164 = arith.maxsi %max3A_162, %slice3A_163 : vector<256x128xi32>
    %slice3A_165 = vector.extract_strided_slice %select_n3A_111 {offsets = [0, 3456], sizes = [256, 128], strides = [1, 1]} : vector<256x4096xi32> to vector<256x128xi32>
    %max3A_166 = arith.maxsi %max3A_164, %slice3A_165 : vector<256x128xi32>
    %slice3A_167 = vector.extract_strided_slice %select_n3A_111 {offsets = [0, 3584], sizes = [256, 128], strides = [1, 1]} : vector<256x4096xi32> to vector<256x128xi32>
    %max3A_168 = arith.maxsi %max3A_166, %slice3A_167 : vector<256x128xi32>
    %slice3A_169 = vector.extract_strided_slice %select_n3A_111 {offsets = [0, 3712], sizes = [256, 128], strides = [1, 1]} : vector<256x4096xi32> to vector<256x128xi32>
    %max3A_170 = arith.maxsi %max3A_168, %slice3A_169 : vector<256x128xi32>
    %slice3A_171 = vector.extract_strided_slice %select_n3A_111 {offsets = [0, 3840], sizes = [256, 128], strides = [1, 1]} : vector<256x4096xi32> to vector<256x128xi32>
    %max3A_172 = arith.maxsi %max3A_170, %slice3A_171 : vector<256x128xi32>
    %slice3A_173 = vector.extract_strided_slice %select_n3A_111 {offsets = [0, 3968], sizes = [256, 128], strides = [1, 1]} : vector<256x4096xi32> to vector<256x128xi32>
    %max3A_174 = arith.maxsi %max3A_172, %slice3A_173 : vector<256x128xi32>
    %reduce_max3A_175 = arith.constant dense<-2147483648> : vector<256xi32>
    %reduce_max3A_176 = vector.multi_reduction <maxsi>, %max3A_174, %reduce_max3A_175 [1] : vector<256x128xi32> to vector<256xi32>
    %broadcast_in_dim3A_177 = vector.shape_cast %reduce_max3A_176 : vector<256xi32> to vector<256x1xi32>
    %and3A_178 = arith.constant 31 : i32
    %and3A_179 = vector.broadcast %and3A_178 : i32 to vector<256x1xi32>
    %and3A_180 = arith.andi %broadcast_in_dim3A_177, %and3A_179 : vector<256x1xi32>
    %sub3A_181 = arith.constant 31 : i32
    %sub3A_182 = vector.broadcast %sub3A_181 : i32 to vector<256x1xi32>
    %sub3A_183 = arith.subi %sub3A_182, %and3A_180 : vector<256x1xi32>
    %eq3A_184 = vector.broadcast %broadcast_in_dim3A_177 : vector<256x1xi32> to vector<256x128xi32>
    %eq3A_185 = arith.cmpi eq, %max3A_174, %eq3A_184 : vector<256x128xi32>
    %jit3A_186 = arith.constant 128 : i32
    %broadcast_in_dim3A_187 = vector.broadcast %jit3A_186 : i32 to vector<256x128xi32>
    %select_n3A_188 = arith.select %eq3A_185, %iota3A_28, %broadcast_in_dim3A_187 : vector<256x128xi1>, vector<256x128xi32>
    %reduce_min3A_189 = arith.constant dense<2147483647> : vector<256xi32>
    %reduce_min3A_190 = vector.multi_reduction <minsi>, %select_n3A_188, %reduce_min3A_189 [1] : vector<256x128xi32> to vector<256xi32>
    %broadcast_in_dim3A_191 = vector.shape_cast %reduce_min3A_190 : vector<256xi32> to vector<256x1xi32>
    %mul3A_192 = arith.constant 128 : i32
    %mul3A_193 = vector.broadcast %mul3A_192 : i32 to vector<256x1xi32>
    %mul3A_194 = arith.muli %sub3A_183, %mul3A_193 : vector<256x1xi32>
    %add3A_195 = arith.addi %mul3A_194, %broadcast_in_dim3A_191 : vector<256x1xi32>
    %eq3A_196 = vector.broadcast %add3A_195 : vector<256x1xi32> to vector<256x4096xi32>
    %eq3A_197 = arith.cmpi eq, %iota3A, %eq3A_196 : vector<256x4096xi32>
    %jit3A_198 = arith.constant -2147483648 : i32
    %broadcast_in_dim3A_199 = vector.broadcast %jit3A_198 : i32 to vector<256x4096xi32>
    %select_n3A_200 = arith.select %eq3A_197, %broadcast_in_dim3A_199, %select_n3A_111 : vector<256x4096xi1>, vector<256x4096xi32>
    %slice3A_201 = vector.extract_strided_slice %select_n3A_200 {offsets = [0, 0], sizes = [256, 128], strides = [1, 1]} : vector<256x4096xi32> to vector<256x128xi32>
    %slice3A_202 = vector.extract_strided_slice %select_n3A_200 {offsets = [0, 128], sizes = [256, 128], strides = [1, 1]} : vector<256x4096xi32> to vector<256x128xi32>
    %max3A_203 = arith.maxsi %slice3A_201, %slice3A_202 : vector<256x128xi32>
    %slice3A_204 = vector.extract_strided_slice %select_n3A_200 {offsets = [0, 256], sizes = [256, 128], strides = [1, 1]} : vector<256x4096xi32> to vector<256x128xi32>
    %max3A_205 = arith.maxsi %max3A_203, %slice3A_204 : vector<256x128xi32>
    %slice3A_206 = vector.extract_strided_slice %select_n3A_200 {offsets = [0, 384], sizes = [256, 128], strides = [1, 1]} : vector<256x4096xi32> to vector<256x128xi32>
    %max3A_207 = arith.maxsi %max3A_205, %slice3A_206 : vector<256x128xi32>
    %slice3A_208 = vector.extract_strided_slice %select_n3A_200 {offsets = [0, 512], sizes = [256, 128], strides = [1, 1]} : vector<256x4096xi32> to vector<256x128xi32>
    %max3A_209 = arith.maxsi %max3A_207, %slice3A_208 : vector<256x128xi32>
    %slice3A_210 = vector.extract_strided_slice %select_n3A_200 {offsets = [0, 640], sizes = [256, 128], strides = [1, 1]} : vector<256x4096xi32> to vector<256x128xi32>
    %max3A_211 = arith.maxsi %max3A_209, %slice3A_210 : vector<256x128xi32>
    %slice3A_212 = vector.extract_strided_slice %select_n3A_200 {offsets = [0, 768], sizes = [256, 128], strides = [1, 1]} : vector<256x4096xi32> to vector<256x128xi32>
    %max3A_213 = arith.maxsi %max3A_211, %slice3A_212 : vector<256x128xi32>
    %slice3A_214 = vector.extract_strided_slice %select_n3A_200 {offsets = [0, 896], sizes = [256, 128], strides = [1, 1]} : vector<256x4096xi32> to vector<256x128xi32>
    %max3A_215 = arith.maxsi %max3A_213, %slice3A_214 : vector<256x128xi32>
    %slice3A_216 = vector.extract_strided_slice %select_n3A_200 {offsets = [0, 1024], sizes = [256, 128], strides = [1, 1]} : vector<256x4096xi32> to vector<256x128xi32>
    %max3A_217 = arith.maxsi %max3A_215, %slice3A_216 : vector<256x128xi32>
    %slice3A_218 = vector.extract_strided_slice %select_n3A_200 {offsets = [0, 1152], sizes = [256, 128], strides = [1, 1]} : vector<256x4096xi32> to vector<256x128xi32>
    %max3A_219 = arith.maxsi %max3A_217, %slice3A_218 : vector<256x128xi32>
    %slice3A_220 = vector.extract_strided_slice %select_n3A_200 {offsets = [0, 1280], sizes = [256, 128], strides = [1, 1]} : vector<256x4096xi32> to vector<256x128xi32>
    %max3A_221 = arith.maxsi %max3A_219, %slice3A_220 : vector<256x128xi32>
    %slice3A_222 = vector.extract_strided_slice %select_n3A_200 {offsets = [0, 1408], sizes = [256, 128], strides = [1, 1]} : vector<256x4096xi32> to vector<256x128xi32>
    %max3A_223 = arith.maxsi %max3A_221, %slice3A_222 : vector<256x128xi32>
    %slice3A_224 = vector.extract_strided_slice %select_n3A_200 {offsets = [0, 1536], sizes = [256, 128], strides = [1, 1]} : vector<256x4096xi32> to vector<256x128xi32>
    %max3A_225 = arith.maxsi %max3A_223, %slice3A_224 : vector<256x128xi32>
    %slice3A_226 = vector.extract_strided_slice %select_n3A_200 {offsets = [0, 1664], sizes = [256, 128], strides = [1, 1]} : vector<256x4096xi32> to vector<256x128xi32>
    %max3A_227 = arith.maxsi %max3A_225, %slice3A_226 : vector<256x128xi32>
    %slice3A_228 = vector.extract_strided_slice %select_n3A_200 {offsets = [0, 1792], sizes = [256, 128], strides = [1, 1]} : vector<256x4096xi32> to vector<256x128xi32>
    %max3A_229 = arith.maxsi %max3A_227, %slice3A_228 : vector<256x128xi32>
    %slice3A_230 = vector.extract_strided_slice %select_n3A_200 {offsets = [0, 1920], sizes = [256, 128], strides = [1, 1]} : vector<256x4096xi32> to vector<256x128xi32>
    %max3A_231 = arith.maxsi %max3A_229, %slice3A_230 : vector<256x128xi32>
    %slice3A_232 = vector.extract_strided_slice %select_n3A_200 {offsets = [0, 2048], sizes = [256, 128], strides = [1, 1]} : vector<256x4096xi32> to vector<256x128xi32>
    %max3A_233 = arith.maxsi %max3A_231, %slice3A_232 : vector<256x128xi32>
    %slice3A_234 = vector.extract_strided_slice %select_n3A_200 {offsets = [0, 2176], sizes = [256, 128], strides = [1, 1]} : vector<256x4096xi32> to vector<256x128xi32>
    %max3A_235 = arith.maxsi %max3A_233, %slice3A_234 : vector<256x128xi32>
    %slice3A_236 = vector.extract_strided_slice %select_n3A_200 {offsets = [0, 2304], sizes = [256, 128], strides = [1, 1]} : vector<256x4096xi32> to vector<256x128xi32>
    %max3A_237 = arith.maxsi %max3A_235, %slice3A_236 : vector<256x128xi32>
    %slice3A_238 = vector.extract_strided_slice %select_n3A_200 {offsets = [0, 2432], sizes = [256, 128], strides = [1, 1]} : vector<256x4096xi32> to vector<256x128xi32>
    %max3A_239 = arith.maxsi %max3A_237, %slice3A_238 : vector<256x128xi32>
    %slice3A_240 = vector.extract_strided_slice %select_n3A_200 {offsets = [0, 2560], sizes = [256, 128], strides = [1, 1]} : vector<256x4096xi32> to vector<256x128xi32>
    %max3A_241 = arith.maxsi %max3A_239, %slice3A_240 : vector<256x128xi32>
    %slice3A_242 = vector.extract_strided_slice %select_n3A_200 {offsets = [0, 2688], sizes = [256, 128], strides = [1, 1]} : vector<256x4096xi32> to vector<256x128xi32>
    %max3A_243 = arith.maxsi %max3A_241, %slice3A_242 : vector<256x128xi32>
    %slice3A_244 = vector.extract_strided_slice %select_n3A_200 {offsets = [0, 2816], sizes = [256, 128], strides = [1, 1]} : vector<256x4096xi32> to vector<256x128xi32>
    %max3A_245 = arith.maxsi %max3A_243, %slice3A_244 : vector<256x128xi32>
    %slice3A_246 = vector.extract_strided_slice %select_n3A_200 {offsets = [0, 2944], sizes = [256, 128], strides = [1, 1]} : vector<256x4096xi32> to vector<256x128xi32>
    %max3A_247 = arith.maxsi %max3A_245, %slice3A_246 : vector<256x128xi32>
    %slice3A_248 = vector.extract_strided_slice %select_n3A_200 {offsets = [0, 3072], sizes = [256, 128], strides = [1, 1]} : vector<256x4096xi32> to vector<256x128xi32>
    %max3A_249 = arith.maxsi %max3A_247, %slice3A_248 : vector<256x128xi32>
    %slice3A_250 = vector.extract_strided_slice %select_n3A_200 {offsets = [0, 3200], sizes = [256, 128], strides = [1, 1]} : vector<256x4096xi32> to vector<256x128xi32>
    %max3A_251 = arith.maxsi %max3A_249, %slice3A_250 : vector<256x128xi32>
    %slice3A_252 = vector.extract_strided_slice %select_n3A_200 {offsets = [0, 3328], sizes = [256, 128], strides = [1, 1]} : vector<256x4096xi32> to vector<256x128xi32>
    %max3A_253 = arith.maxsi %max3A_251, %slice3A_252 : vector<256x128xi32>
    %slice3A_254 = vector.extract_strided_slice %select_n3A_200 {offsets = [0, 3456], sizes = [256, 128], strides = [1, 1]} : vector<256x4096xi32> to vector<256x128xi32>
    %max3A_255 = arith.maxsi %max3A_253, %slice3A_254 : vector<256x128xi32>
    %slice3A_256 = vector.extract_strided_slice %select_n3A_200 {offsets = [0, 3584], sizes = [256, 128], strides = [1, 1]} : vector<256x4096xi32> to vector<256x128xi32>
    %max3A_257 = arith.maxsi %max3A_255, %slice3A_256 : vector<256x128xi32>
    %slice3A_258 = vector.extract_strided_slice %select_n3A_200 {offsets = [0, 3712], sizes = [256, 128], strides = [1, 1]} : vector<256x4096xi32> to vector<256x128xi32>
    %max3A_259 = arith.maxsi %max3A_257, %slice3A_258 : vector<256x128xi32>
    %slice3A_260 = vector.extract_strided_slice %select_n3A_200 {offsets = [0, 3840], sizes = [256, 128], strides = [1, 1]} : vector<256x4096xi32> to vector<256x128xi32>
    %max3A_261 = arith.maxsi %max3A_259, %slice3A_260 : vector<256x128xi32>
    %slice3A_262 = vector.extract_strided_slice %select_n3A_200 {offsets = [0, 3968], sizes = [256, 128], strides = [1, 1]} : vector<256x4096xi32> to vector<256x128xi32>
    %max3A_263 = arith.maxsi %max3A_261, %slice3A_262 : vector<256x128xi32>
    %reduce_max3A_264 = arith.constant dense<-2147483648> : vector<256xi32>
    %reduce_max3A_265 = vector.multi_reduction <maxsi>, %max3A_263, %reduce_max3A_264 [1] : vector<256x128xi32> to vector<256xi32>
    %broadcast_in_dim3A_266 = vector.shape_cast %reduce_max3A_265 : vector<256xi32> to vector<256x1xi32>
    %and3A_267 = arith.constant 31 : i32
    %and3A_268 = vector.broadcast %and3A_267 : i32 to vector<256x1xi32>
    %and3A_269 = arith.andi %broadcast_in_dim3A_266, %and3A_268 : vector<256x1xi32>
    %sub3A_270 = arith.constant 31 : i32
    %sub3A_271 = vector.broadcast %sub3A_270 : i32 to vector<256x1xi32>
    %sub3A_272 = arith.subi %sub3A_271, %and3A_269 : vector<256x1xi32>
    %eq3A_273 = vector.broadcast %broadcast_in_dim3A_266 : vector<256x1xi32> to vector<256x128xi32>
    %eq3A_274 = arith.cmpi eq, %max3A_263, %eq3A_273 : vector<256x128xi32>
    %jit3A_275 = arith.constant 128 : i32
    %broadcast_in_dim3A_276 = vector.broadcast %jit3A_275 : i32 to vector<256x128xi32>
    %select_n3A_277 = arith.select %eq3A_274, %iota3A_28, %broadcast_in_dim3A_276 : vector<256x128xi1>, vector<256x128xi32>
    %reduce_min3A_278 = arith.constant dense<2147483647> : vector<256xi32>
    %reduce_min3A_279 = vector.multi_reduction <minsi>, %select_n3A_277, %reduce_min3A_278 [1] : vector<256x128xi32> to vector<256xi32>
    %broadcast_in_dim3A_280 = vector.shape_cast %reduce_min3A_279 : vector<256xi32> to vector<256x1xi32>
    %mul3A_281 = arith.constant 128 : i32
    %mul3A_282 = vector.broadcast %mul3A_281 : i32 to vector<256x1xi32>
    %mul3A_283 = arith.muli %sub3A_272, %mul3A_282 : vector<256x1xi32>
    %add3A_284 = arith.addi %mul3A_283, %broadcast_in_dim3A_280 : vector<256x1xi32>
    %eq3A_285 = vector.broadcast %add3A_284 : vector<256x1xi32> to vector<256x4096xi32>
    %eq3A_286 = arith.cmpi eq, %iota3A, %eq3A_285 : vector<256x4096xi32>
    %jit3A_287 = arith.constant -2147483648 : i32
    %broadcast_in_dim3A_288 = vector.broadcast %jit3A_287 : i32 to vector<256x4096xi32>
    %select_n3A_289 = arith.select %eq3A_286, %broadcast_in_dim3A_288, %select_n3A_200 : vector<256x4096xi1>, vector<256x4096xi32>
    %slice3A_290 = vector.extract_strided_slice %select_n3A_289 {offsets = [0, 0], sizes = [256, 128], strides = [1, 1]} : vector<256x4096xi32> to vector<256x128xi32>
    %slice3A_291 = vector.extract_strided_slice %select_n3A_289 {offsets = [0, 128], sizes = [256, 128], strides = [1, 1]} : vector<256x4096xi32> to vector<256x128xi32>
    %max3A_292 = arith.maxsi %slice3A_290, %slice3A_291 : vector<256x128xi32>
    %slice3A_293 = vector.extract_strided_slice %select_n3A_289 {offsets = [0, 256], sizes = [256, 128], strides = [1, 1]} : vector<256x4096xi32> to vector<256x128xi32>
    %max3A_294 = arith.maxsi %max3A_292, %slice3A_293 : vector<256x128xi32>
    %slice3A_295 = vector.extract_strided_slice %select_n3A_289 {offsets = [0, 384], sizes = [256, 128], strides = [1, 1]} : vector<256x4096xi32> to vector<256x128xi32>
    %max3A_296 = arith.maxsi %max3A_294, %slice3A_295 : vector<256x128xi32>
    %slice3A_297 = vector.extract_strided_slice %select_n3A_289 {offsets = [0, 512], sizes = [256, 128], strides = [1, 1]} : vector<256x4096xi32> to vector<256x128xi32>
    %max3A_298 = arith.maxsi %max3A_296, %slice3A_297 : vector<256x128xi32>
    %slice3A_299 = vector.extract_strided_slice %select_n3A_289 {offsets = [0, 640], sizes = [256, 128], strides = [1, 1]} : vector<256x4096xi32> to vector<256x128xi32>
    %max3A_300 = arith.maxsi %max3A_298, %slice3A_299 : vector<256x128xi32>
    %slice3A_301 = vector.extract_strided_slice %select_n3A_289 {offsets = [0, 768], sizes = [256, 128], strides = [1, 1]} : vector<256x4096xi32> to vector<256x128xi32>
    %max3A_302 = arith.maxsi %max3A_300, %slice3A_301 : vector<256x128xi32>
    %slice3A_303 = vector.extract_strided_slice %select_n3A_289 {offsets = [0, 896], sizes = [256, 128], strides = [1, 1]} : vector<256x4096xi32> to vector<256x128xi32>
    %max3A_304 = arith.maxsi %max3A_302, %slice3A_303 : vector<256x128xi32>
    %slice3A_305 = vector.extract_strided_slice %select_n3A_289 {offsets = [0, 1024], sizes = [256, 128], strides = [1, 1]} : vector<256x4096xi32> to vector<256x128xi32>
    %max3A_306 = arith.maxsi %max3A_304, %slice3A_305 : vector<256x128xi32>
    %slice3A_307 = vector.extract_strided_slice %select_n3A_289 {offsets = [0, 1152], sizes = [256, 128], strides = [1, 1]} : vector<256x4096xi32> to vector<256x128xi32>
    %max3A_308 = arith.maxsi %max3A_306, %slice3A_307 : vector<256x128xi32>
    %slice3A_309 = vector.extract_strided_slice %select_n3A_289 {offsets = [0, 1280], sizes = [256, 128], strides = [1, 1]} : vector<256x4096xi32> to vector<256x128xi32>
    %max3A_310 = arith.maxsi %max3A_308, %slice3A_309 : vector<256x128xi32>
    %slice3A_311 = vector.extract_strided_slice %select_n3A_289 {offsets = [0, 1408], sizes = [256, 128], strides = [1, 1]} : vector<256x4096xi32> to vector<256x128xi32>
    %max3A_312 = arith.maxsi %max3A_310, %slice3A_311 : vector<256x128xi32>
    %slice3A_313 = vector.extract_strided_slice %select_n3A_289 {offsets = [0, 1536], sizes = [256, 128], strides = [1, 1]} : vector<256x4096xi32> to vector<256x128xi32>
    %max3A_314 = arith.maxsi %max3A_312, %slice3A_313 : vector<256x128xi32>
    %slice3A_315 = vector.extract_strided_slice %select_n3A_289 {offsets = [0, 1664], sizes = [256, 128], strides = [1, 1]} : vector<256x4096xi32> to vector<256x128xi32>
    %max3A_316 = arith.maxsi %max3A_314, %slice3A_315 : vector<256x128xi32>
    %slice3A_317 = vector.extract_strided_slice %select_n3A_289 {offsets = [0, 1792], sizes = [256, 128], strides = [1, 1]} : vector<256x4096xi32> to vector<256x128xi32>
    %max3A_318 = arith.maxsi %max3A_316, %slice3A_317 : vector<256x128xi32>
    %slice3A_319 = vector.extract_strided_slice %select_n3A_289 {offsets = [0, 1920], sizes = [256, 128], strides = [1, 1]} : vector<256x4096xi32> to vector<256x128xi32>
    %max3A_320 = arith.maxsi %max3A_318, %slice3A_319 : vector<256x128xi32>
    %slice3A_321 = vector.extract_strided_slice %select_n3A_289 {offsets = [0, 2048], sizes = [256, 128], strides = [1, 1]} : vector<256x4096xi32> to vector<256x128xi32>
    %max3A_322 = arith.maxsi %max3A_320, %slice3A_321 : vector<256x128xi32>
    %slice3A_323 = vector.extract_strided_slice %select_n3A_289 {offsets = [0, 2176], sizes = [256, 128], strides = [1, 1]} : vector<256x4096xi32> to vector<256x128xi32>
    %max3A_324 = arith.maxsi %max3A_322, %slice3A_323 : vector<256x128xi32>
    %slice3A_325 = vector.extract_strided_slice %select_n3A_289 {offsets = [0, 2304], sizes = [256, 128], strides = [1, 1]} : vector<256x4096xi32> to vector<256x128xi32>
    %max3A_326 = arith.maxsi %max3A_324, %slice3A_325 : vector<256x128xi32>
    %slice3A_327 = vector.extract_strided_slice %select_n3A_289 {offsets = [0, 2432], sizes = [256, 128], strides = [1, 1]} : vector<256x4096xi32> to vector<256x128xi32>
    %max3A_328 = arith.maxsi %max3A_326, %slice3A_327 : vector<256x128xi32>
    %slice3A_329 = vector.extract_strided_slice %select_n3A_289 {offsets = [0, 2560], sizes = [256, 128], strides = [1, 1]} : vector<256x4096xi32> to vector<256x128xi32>
    %max3A_330 = arith.maxsi %max3A_328, %slice3A_329 : vector<256x128xi32>
    %slice3A_331 = vector.extract_strided_slice %select_n3A_289 {offsets = [0, 2688], sizes = [256, 128], strides = [1, 1]} : vector<256x4096xi32> to vector<256x128xi32>
    %max3A_332 = arith.maxsi %max3A_330, %slice3A_331 : vector<256x128xi32>
    %slice3A_333 = vector.extract_strided_slice %select_n3A_289 {offsets = [0, 2816], sizes = [256, 128], strides = [1, 1]} : vector<256x4096xi32> to vector<256x128xi32>
    %max3A_334 = arith.maxsi %max3A_332, %slice3A_333 : vector<256x128xi32>
    %slice3A_335 = vector.extract_strided_slice %select_n3A_289 {offsets = [0, 2944], sizes = [256, 128], strides = [1, 1]} : vector<256x4096xi32> to vector<256x128xi32>
    %max3A_336 = arith.maxsi %max3A_334, %slice3A_335 : vector<256x128xi32>
    %slice3A_337 = vector.extract_strided_slice %select_n3A_289 {offsets = [0, 3072], sizes = [256, 128], strides = [1, 1]} : vector<256x4096xi32> to vector<256x128xi32>
    %max3A_338 = arith.maxsi %max3A_336, %slice3A_337 : vector<256x128xi32>
    %slice3A_339 = vector.extract_strided_slice %select_n3A_289 {offsets = [0, 3200], sizes = [256, 128], strides = [1, 1]} : vector<256x4096xi32> to vector<256x128xi32>
    %max3A_340 = arith.maxsi %max3A_338, %slice3A_339 : vector<256x128xi32>
    %slice3A_341 = vector.extract_strided_slice %select_n3A_289 {offsets = [0, 3328], sizes = [256, 128], strides = [1, 1]} : vector<256x4096xi32> to vector<256x128xi32>
    %max3A_342 = arith.maxsi %max3A_340, %slice3A_341 : vector<256x128xi32>
    %slice3A_343 = vector.extract_strided_slice %select_n3A_289 {offsets = [0, 3456], sizes = [256, 128], strides = [1, 1]} : vector<256x4096xi32> to vector<256x128xi32>
    %max3A_344 = arith.maxsi %max3A_342, %slice3A_343 : vector<256x128xi32>
    %slice3A_345 = vector.extract_strided_slice %select_n3A_289 {offsets = [0, 3584], sizes = [256, 128], strides = [1, 1]} : vector<256x4096xi32> to vector<256x128xi32>
    %max3A_346 = arith.maxsi %max3A_344, %slice3A_345 : vector<256x128xi32>
    %slice3A_347 = vector.extract_strided_slice %select_n3A_289 {offsets = [0, 3712], sizes = [256, 128], strides = [1, 1]} : vector<256x4096xi32> to vector<256x128xi32>
    %max3A_348 = arith.maxsi %max3A_346, %slice3A_347 : vector<256x128xi32>
    %slice3A_349 = vector.extract_strided_slice %select_n3A_289 {offsets = [0, 3840], sizes = [256, 128], strides = [1, 1]} : vector<256x4096xi32> to vector<256x128xi32>
    %max3A_350 = arith.maxsi %max3A_348, %slice3A_349 : vector<256x128xi32>
    %slice3A_351 = vector.extract_strided_slice %select_n3A_289 {offsets = [0, 3968], sizes = [256, 128], strides = [1, 1]} : vector<256x4096xi32> to vector<256x128xi32>
    %max3A_352 = arith.maxsi %max3A_350, %slice3A_351 : vector<256x128xi32>
    %reduce_max3A_353 = arith.constant dense<-2147483648> : vector<256xi32>
    %reduce_max3A_354 = vector.multi_reduction <maxsi>, %max3A_352, %reduce_max3A_353 [1] : vector<256x128xi32> to vector<256xi32>
    %broadcast_in_dim3A_355 = vector.shape_cast %reduce_max3A_354 : vector<256xi32> to vector<256x1xi32>
    %and3A_356 = arith.constant 31 : i32
    %and3A_357 = vector.broadcast %and3A_356 : i32 to vector<256x1xi32>
    %and3A_358 = arith.andi %broadcast_in_dim3A_355, %and3A_357 : vector<256x1xi32>
    %sub3A_359 = arith.constant 31 : i32
    %sub3A_360 = vector.broadcast %sub3A_359 : i32 to vector<256x1xi32>
    %sub3A_361 = arith.subi %sub3A_360, %and3A_358 : vector<256x1xi32>
    %eq3A_362 = vector.broadcast %broadcast_in_dim3A_355 : vector<256x1xi32> to vector<256x128xi32>
    %eq3A_363 = arith.cmpi eq, %max3A_352, %eq3A_362 : vector<256x128xi32>
    %jit3A_364 = arith.constant 128 : i32
    %broadcast_in_dim3A_365 = vector.broadcast %jit3A_364 : i32 to vector<256x128xi32>
    %select_n3A_366 = arith.select %eq3A_363, %iota3A_28, %broadcast_in_dim3A_365 : vector<256x128xi1>, vector<256x128xi32>
    %reduce_min3A_367 = arith.constant dense<2147483647> : vector<256xi32>
    %reduce_min3A_368 = vector.multi_reduction <minsi>, %select_n3A_366, %reduce_min3A_367 [1] : vector<256x128xi32> to vector<256xi32>
    %broadcast_in_dim3A_369 = vector.shape_cast %reduce_min3A_368 : vector<256xi32> to vector<256x1xi32>
    %mul3A_370 = arith.constant 128 : i32
    %mul3A_371 = vector.broadcast %mul3A_370 : i32 to vector<256x1xi32>
    %mul3A_372 = arith.muli %sub3A_361, %mul3A_371 : vector<256x1xi32>
    %add3A_373 = arith.addi %mul3A_372, %broadcast_in_dim3A_369 : vector<256x1xi32>
    %eq3A_374 = vector.broadcast %add3A_373 : vector<256x1xi32> to vector<256x4096xi32>
    %eq3A_375 = arith.cmpi eq, %iota3A, %eq3A_374 : vector<256x4096xi32>
    %jit3A_376 = arith.constant -2147483648 : i32
    %broadcast_in_dim3A_377 = vector.broadcast %jit3A_376 : i32 to vector<256x4096xi32>
    %select_n3A_378 = arith.select %eq3A_375, %broadcast_in_dim3A_377, %select_n3A_289 : vector<256x4096xi1>, vector<256x4096xi32>
    %slice3A_379 = vector.extract_strided_slice %select_n3A_378 {offsets = [0, 0], sizes = [256, 128], strides = [1, 1]} : vector<256x4096xi32> to vector<256x128xi32>
    %slice3A_380 = vector.extract_strided_slice %select_n3A_378 {offsets = [0, 128], sizes = [256, 128], strides = [1, 1]} : vector<256x4096xi32> to vector<256x128xi32>
    %max3A_381 = arith.maxsi %slice3A_379, %slice3A_380 : vector<256x128xi32>
    %slice3A_382 = vector.extract_strided_slice %select_n3A_378 {offsets = [0, 256], sizes = [256, 128], strides = [1, 1]} : vector<256x4096xi32> to vector<256x128xi32>
    %max3A_383 = arith.maxsi %max3A_381, %slice3A_382 : vector<256x128xi32>
    %slice3A_384 = vector.extract_strided_slice %select_n3A_378 {offsets = [0, 384], sizes = [256, 128], strides = [1, 1]} : vector<256x4096xi32> to vector<256x128xi32>
    %max3A_385 = arith.maxsi %max3A_383, %slice3A_384 : vector<256x128xi32>
    %slice3A_386 = vector.extract_strided_slice %select_n3A_378 {offsets = [0, 512], sizes = [256, 128], strides = [1, 1]} : vector<256x4096xi32> to vector<256x128xi32>
    %max3A_387 = arith.maxsi %max3A_385, %slice3A_386 : vector<256x128xi32>
    %slice3A_388 = vector.extract_strided_slice %select_n3A_378 {offsets = [0, 640], sizes = [256, 128], strides = [1, 1]} : vector<256x4096xi32> to vector<256x128xi32>
    %max3A_389 = arith.maxsi %max3A_387, %slice3A_388 : vector<256x128xi32>
    %slice3A_390 = vector.extract_strided_slice %select_n3A_378 {offsets = [0, 768], sizes = [256, 128], strides = [1, 1]} : vector<256x4096xi32> to vector<256x128xi32>
    %max3A_391 = arith.maxsi %max3A_389, %slice3A_390 : vector<256x128xi32>
    %slice3A_392 = vector.extract_strided_slice %select_n3A_378 {offsets = [0, 896], sizes = [256, 128], strides = [1, 1]} : vector<256x4096xi32> to vector<256x128xi32>
    %max3A_393 = arith.maxsi %max3A_391, %slice3A_392 : vector<256x128xi32>
    %slice3A_394 = vector.extract_strided_slice %select_n3A_378 {offsets = [0, 1024], sizes = [256, 128], strides = [1, 1]} : vector<256x4096xi32> to vector<256x128xi32>
    %max3A_395 = arith.maxsi %max3A_393, %slice3A_394 : vector<256x128xi32>
    %slice3A_396 = vector.extract_strided_slice %select_n3A_378 {offsets = [0, 1152], sizes = [256, 128], strides = [1, 1]} : vector<256x4096xi32> to vector<256x128xi32>
    %max3A_397 = arith.maxsi %max3A_395, %slice3A_396 : vector<256x128xi32>
    %slice3A_398 = vector.extract_strided_slice %select_n3A_378 {offsets = [0, 1280], sizes = [256, 128], strides = [1, 1]} : vector<256x4096xi32> to vector<256x128xi32>
    %max3A_399 = arith.maxsi %max3A_397, %slice3A_398 : vector<256x128xi32>
    %slice3A_400 = vector.extract_strided_slice %select_n3A_378 {offsets = [0, 1408], sizes = [256, 128], strides = [1, 1]} : vector<256x4096xi32> to vector<256x128xi32>
    %max3A_401 = arith.maxsi %max3A_399, %slice3A_400 : vector<256x128xi32>
    %slice3A_402 = vector.extract_strided_slice %select_n3A_378 {offsets = [0, 1536], sizes = [256, 128], strides = [1, 1]} : vector<256x4096xi32> to vector<256x128xi32>
    %max3A_403 = arith.maxsi %max3A_401, %slice3A_402 : vector<256x128xi32>
    %slice3A_404 = vector.extract_strided_slice %select_n3A_378 {offsets = [0, 1664], sizes = [256, 128], strides = [1, 1]} : vector<256x4096xi32> to vector<256x128xi32>
    %max3A_405 = arith.maxsi %max3A_403, %slice3A_404 : vector<256x128xi32>
    %slice3A_406 = vector.extract_strided_slice %select_n3A_378 {offsets = [0, 1792], sizes = [256, 128], strides = [1, 1]} : vector<256x4096xi32> to vector<256x128xi32>
    %max3A_407 = arith.maxsi %max3A_405, %slice3A_406 : vector<256x128xi32>
    %slice3A_408 = vector.extract_strided_slice %select_n3A_378 {offsets = [0, 1920], sizes = [256, 128], strides = [1, 1]} : vector<256x4096xi32> to vector<256x128xi32>
    %max3A_409 = arith.maxsi %max3A_407, %slice3A_408 : vector<256x128xi32>
    %slice3A_410 = vector.extract_strided_slice %select_n3A_378 {offsets = [0, 2048], sizes = [256, 128], strides = [1, 1]} : vector<256x4096xi32> to vector<256x128xi32>
    %max3A_411 = arith.maxsi %max3A_409, %slice3A_410 : vector<256x128xi32>
    %slice3A_412 = vector.extract_strided_slice %select_n3A_378 {offsets = [0, 2176], sizes = [256, 128], strides = [1, 1]} : vector<256x4096xi32> to vector<256x128xi32>
    %max3A_413 = arith.maxsi %max3A_411, %slice3A_412 : vector<256x128xi32>
    %slice3A_414 = vector.extract_strided_slice %select_n3A_378 {offsets = [0, 2304], sizes = [256, 128], strides = [1, 1]} : vector<256x4096xi32> to vector<256x128xi32>
    %max3A_415 = arith.maxsi %max3A_413, %slice3A_414 : vector<256x128xi32>
    %slice3A_416 = vector.extract_strided_slice %select_n3A_378 {offsets = [0, 2432], sizes = [256, 128], strides = [1, 1]} : vector<256x4096xi32> to vector<256x128xi32>
    %max3A_417 = arith.maxsi %max3A_415, %slice3A_416 : vector<256x128xi32>
    %slice3A_418 = vector.extract_strided_slice %select_n3A_378 {offsets = [0, 2560], sizes = [256, 128], strides = [1, 1]} : vector<256x4096xi32> to vector<256x128xi32>
    %max3A_419 = arith.maxsi %max3A_417, %slice3A_418 : vector<256x128xi32>
    %slice3A_420 = vector.extract_strided_slice %select_n3A_378 {offsets = [0, 2688], sizes = [256, 128], strides = [1, 1]} : vector<256x4096xi32> to vector<256x128xi32>
    %max3A_421 = arith.maxsi %max3A_419, %slice3A_420 : vector<256x128xi32>
    %slice3A_422 = vector.extract_strided_slice %select_n3A_378 {offsets = [0, 2816], sizes = [256, 128], strides = [1, 1]} : vector<256x4096xi32> to vector<256x128xi32>
    %max3A_423 = arith.maxsi %max3A_421, %slice3A_422 : vector<256x128xi32>
    %slice3A_424 = vector.extract_strided_slice %select_n3A_378 {offsets = [0, 2944], sizes = [256, 128], strides = [1, 1]} : vector<256x4096xi32> to vector<256x128xi32>
    %max3A_425 = arith.maxsi %max3A_423, %slice3A_424 : vector<256x128xi32>
    %slice3A_426 = vector.extract_strided_slice %select_n3A_378 {offsets = [0, 3072], sizes = [256, 128], strides = [1, 1]} : vector<256x4096xi32> to vector<256x128xi32>
    %max3A_427 = arith.maxsi %max3A_425, %slice3A_426 : vector<256x128xi32>
    %slice3A_428 = vector.extract_strided_slice %select_n3A_378 {offsets = [0, 3200], sizes = [256, 128], strides = [1, 1]} : vector<256x4096xi32> to vector<256x128xi32>
    %max3A_429 = arith.maxsi %max3A_427, %slice3A_428 : vector<256x128xi32>
    %slice3A_430 = vector.extract_strided_slice %select_n3A_378 {offsets = [0, 3328], sizes = [256, 128], strides = [1, 1]} : vector<256x4096xi32> to vector<256x128xi32>
    %max3A_431 = arith.maxsi %max3A_429, %slice3A_430 : vector<256x128xi32>
    %slice3A_432 = vector.extract_strided_slice %select_n3A_378 {offsets = [0, 3456], sizes = [256, 128], strides = [1, 1]} : vector<256x4096xi32> to vector<256x128xi32>
    %max3A_433 = arith.maxsi %max3A_431, %slice3A_432 : vector<256x128xi32>
    %slice3A_434 = vector.extract_strided_slice %select_n3A_378 {offsets = [0, 3584], sizes = [256, 128], strides = [1, 1]} : vector<256x4096xi32> to vector<256x128xi32>
    %max3A_435 = arith.maxsi %max3A_433, %slice3A_434 : vector<256x128xi32>
    %slice3A_436 = vector.extract_strided_slice %select_n3A_378 {offsets = [0, 3712], sizes = [256, 128], strides = [1, 1]} : vector<256x4096xi32> to vector<256x128xi32>
    %max3A_437 = arith.maxsi %max3A_435, %slice3A_436 : vector<256x128xi32>
    %slice3A_438 = vector.extract_strided_slice %select_n3A_378 {offsets = [0, 3840], sizes = [256, 128], strides = [1, 1]} : vector<256x4096xi32> to vector<256x128xi32>
    %max3A_439 = arith.maxsi %max3A_437, %slice3A_438 : vector<256x128xi32>
    %slice3A_440 = vector.extract_strided_slice %select_n3A_378 {offsets = [0, 3968], sizes = [256, 128], strides = [1, 1]} : vector<256x4096xi32> to vector<256x128xi32>
    %max3A_441 = arith.maxsi %max3A_439, %slice3A_440 : vector<256x128xi32>
    %reduce_max3A_442 = arith.constant dense<-2147483648> : vector<256xi32>
    %reduce_max3A_443 = vector.multi_reduction <maxsi>, %max3A_441, %reduce_max3A_442 [1] : vector<256x128xi32> to vector<256xi32>
    %broadcast_in_dim3A_444 = vector.shape_cast %reduce_max3A_443 : vector<256xi32> to vector<256x1xi32>
    %and3A_445 = arith.constant 31 : i32
    %and3A_446 = vector.broadcast %and3A_445 : i32 to vector<256x1xi32>
    %and3A_447 = arith.andi %broadcast_in_dim3A_444, %and3A_446 : vector<256x1xi32>
    %sub3A_448 = arith.constant 31 : i32
    %sub3A_449 = vector.broadcast %sub3A_448 : i32 to vector<256x1xi32>
    %sub3A_450 = arith.subi %sub3A_449, %and3A_447 : vector<256x1xi32>
    %eq3A_451 = vector.broadcast %broadcast_in_dim3A_444 : vector<256x1xi32> to vector<256x128xi32>
    %eq3A_452 = arith.cmpi eq, %max3A_441, %eq3A_451 : vector<256x128xi32>
    %jit3A_453 = arith.constant 128 : i32
    %broadcast_in_dim3A_454 = vector.broadcast %jit3A_453 : i32 to vector<256x128xi32>
    %select_n3A_455 = arith.select %eq3A_452, %iota3A_28, %broadcast_in_dim3A_454 : vector<256x128xi1>, vector<256x128xi32>
    %reduce_min3A_456 = arith.constant dense<2147483647> : vector<256xi32>
    %reduce_min3A_457 = vector.multi_reduction <minsi>, %select_n3A_455, %reduce_min3A_456 [1] : vector<256x128xi32> to vector<256xi32>
    %broadcast_in_dim3A_458 = vector.shape_cast %reduce_min3A_457 : vector<256xi32> to vector<256x1xi32>
    %mul3A_459 = arith.constant 128 : i32
    %mul3A_460 = vector.broadcast %mul3A_459 : i32 to vector<256x1xi32>
    %mul3A_461 = arith.muli %sub3A_450, %mul3A_460 : vector<256x1xi32>
    %add3A_462 = arith.addi %mul3A_461, %broadcast_in_dim3A_458 : vector<256x1xi32>
    %eq3A_463 = vector.broadcast %add3A_462 : vector<256x1xi32> to vector<256x4096xi32>
    %eq3A_464 = arith.cmpi eq, %iota3A, %eq3A_463 : vector<256x4096xi32>
    %jit3A_465 = arith.constant -2147483648 : i32
    %broadcast_in_dim3A_466 = vector.broadcast %jit3A_465 : i32 to vector<256x4096xi32>
    %select_n3A_467 = arith.select %eq3A_464, %broadcast_in_dim3A_466, %select_n3A_378 : vector<256x4096xi1>, vector<256x4096xi32>
    %slice3A_468 = vector.extract_strided_slice %select_n3A_467 {offsets = [0, 0], sizes = [256, 128], strides = [1, 1]} : vector<256x4096xi32> to vector<256x128xi32>
    %slice3A_469 = vector.extract_strided_slice %select_n3A_467 {offsets = [0, 128], sizes = [256, 128], strides = [1, 1]} : vector<256x4096xi32> to vector<256x128xi32>
    %max3A_470 = arith.maxsi %slice3A_468, %slice3A_469 : vector<256x128xi32>
    %slice3A_471 = vector.extract_strided_slice %select_n3A_467 {offsets = [0, 256], sizes = [256, 128], strides = [1, 1]} : vector<256x4096xi32> to vector<256x128xi32>
    %max3A_472 = arith.maxsi %max3A_470, %slice3A_471 : vector<256x128xi32>
    %slice3A_473 = vector.extract_strided_slice %select_n3A_467 {offsets = [0, 384], sizes = [256, 128], strides = [1, 1]} : vector<256x4096xi32> to vector<256x128xi32>
    %max3A_474 = arith.maxsi %max3A_472, %slice3A_473 : vector<256x128xi32>
    %slice3A_475 = vector.extract_strided_slice %select_n3A_467 {offsets = [0, 512], sizes = [256, 128], strides = [1, 1]} : vector<256x4096xi32> to vector<256x128xi32>
    %max3A_476 = arith.maxsi %max3A_474, %slice3A_475 : vector<256x128xi32>
    %slice3A_477 = vector.extract_strided_slice %select_n3A_467 {offsets = [0, 640], sizes = [256, 128], strides = [1, 1]} : vector<256x4096xi32> to vector<256x128xi32>
    %max3A_478 = arith.maxsi %max3A_476, %slice3A_477 : vector<256x128xi32>
    %slice3A_479 = vector.extract_strided_slice %select_n3A_467 {offsets = [0, 768], sizes = [256, 128], strides = [1, 1]} : vector<256x4096xi32> to vector<256x128xi32>
    %max3A_480 = arith.maxsi %max3A_478, %slice3A_479 : vector<256x128xi32>
    %slice3A_481 = vector.extract_strided_slice %select_n3A_467 {offsets = [0, 896], sizes = [256, 128], strides = [1, 1]} : vector<256x4096xi32> to vector<256x128xi32>
    %max3A_482 = arith.maxsi %max3A_480, %slice3A_481 : vector<256x128xi32>
    %slice3A_483 = vector.extract_strided_slice %select_n3A_467 {offsets = [0, 1024], sizes = [256, 128], strides = [1, 1]} : vector<256x4096xi32> to vector<256x128xi32>
    %max3A_484 = arith.maxsi %max3A_482, %slice3A_483 : vector<256x128xi32>
    %slice3A_485 = vector.extract_strided_slice %select_n3A_467 {offsets = [0, 1152], sizes = [256, 128], strides = [1, 1]} : vector<256x4096xi32> to vector<256x128xi32>
    %max3A_486 = arith.maxsi %max3A_484, %slice3A_485 : vector<256x128xi32>
    %slice3A_487 = vector.extract_strided_slice %select_n3A_467 {offsets = [0, 1280], sizes = [256, 128], strides = [1, 1]} : vector<256x4096xi32> to vector<256x128xi32>
    %max3A_488 = arith.maxsi %max3A_486, %slice3A_487 : vector<256x128xi32>
    %slice3A_489 = vector.extract_strided_slice %select_n3A_467 {offsets = [0, 1408], sizes = [256, 128], strides = [1, 1]} : vector<256x4096xi32> to vector<256x128xi32>
    %max3A_490 = arith.maxsi %max3A_488, %slice3A_489 : vector<256x128xi32>
    %slice3A_491 = vector.extract_strided_slice %select_n3A_467 {offsets = [0, 1536], sizes = [256, 128], strides = [1, 1]} : vector<256x4096xi32> to vector<256x128xi32>
    %max3A_492 = arith.maxsi %max3A_490, %slice3A_491 : vector<256x128xi32>
    %slice3A_493 = vector.extract_strided_slice %select_n3A_467 {offsets = [0, 1664], sizes = [256, 128], strides = [1, 1]} : vector<256x4096xi32> to vector<256x128xi32>
    %max3A_494 = arith.maxsi %max3A_492, %slice3A_493 : vector<256x128xi32>
    %slice3A_495 = vector.extract_strided_slice %select_n3A_467 {offsets = [0, 1792], sizes = [256, 128], strides = [1, 1]} : vector<256x4096xi32> to vector<256x128xi32>
    %max3A_496 = arith.maxsi %max3A_494, %slice3A_495 : vector<256x128xi32>
    %slice3A_497 = vector.extract_strided_slice %select_n3A_467 {offsets = [0, 1920], sizes = [256, 128], strides = [1, 1]} : vector<256x4096xi32> to vector<256x128xi32>
    %max3A_498 = arith.maxsi %max3A_496, %slice3A_497 : vector<256x128xi32>
    %slice3A_499 = vector.extract_strided_slice %select_n3A_467 {offsets = [0, 2048], sizes = [256, 128], strides = [1, 1]} : vector<256x4096xi32> to vector<256x128xi32>
    %max3A_500 = arith.maxsi %max3A_498, %slice3A_499 : vector<256x128xi32>
    %slice3A_501 = vector.extract_strided_slice %select_n3A_467 {offsets = [0, 2176], sizes = [256, 128], strides = [1, 1]} : vector<256x4096xi32> to vector<256x128xi32>
    %max3A_502 = arith.maxsi %max3A_500, %slice3A_501 : vector<256x128xi32>
    %slice3A_503 = vector.extract_strided_slice %select_n3A_467 {offsets = [0, 2304], sizes = [256, 128], strides = [1, 1]} : vector<256x4096xi32> to vector<256x128xi32>
    %max3A_504 = arith.maxsi %max3A_502, %slice3A_503 : vector<256x128xi32>
    %slice3A_505 = vector.extract_strided_slice %select_n3A_467 {offsets = [0, 2432], sizes = [256, 128], strides = [1, 1]} : vector<256x4096xi32> to vector<256x128xi32>
    %max3A_506 = arith.maxsi %max3A_504, %slice3A_505 : vector<256x128xi32>
    %slice3A_507 = vector.extract_strided_slice %select_n3A_467 {offsets = [0, 2560], sizes = [256, 128], strides = [1, 1]} : vector<256x4096xi32> to vector<256x128xi32>
    %max3A_508 = arith.maxsi %max3A_506, %slice3A_507 : vector<256x128xi32>
    %slice3A_509 = vector.extract_strided_slice %select_n3A_467 {offsets = [0, 2688], sizes = [256, 128], strides = [1, 1]} : vector<256x4096xi32> to vector<256x128xi32>
    %max3A_510 = arith.maxsi %max3A_508, %slice3A_509 : vector<256x128xi32>
    %slice3A_511 = vector.extract_strided_slice %select_n3A_467 {offsets = [0, 2816], sizes = [256, 128], strides = [1, 1]} : vector<256x4096xi32> to vector<256x128xi32>
    %max3A_512 = arith.maxsi %max3A_510, %slice3A_511 : vector<256x128xi32>
    %slice3A_513 = vector.extract_strided_slice %select_n3A_467 {offsets = [0, 2944], sizes = [256, 128], strides = [1, 1]} : vector<256x4096xi32> to vector<256x128xi32>
    %max3A_514 = arith.maxsi %max3A_512, %slice3A_513 : vector<256x128xi32>
    %slice3A_515 = vector.extract_strided_slice %select_n3A_467 {offsets = [0, 3072], sizes = [256, 128], strides = [1, 1]} : vector<256x4096xi32> to vector<256x128xi32>
    %max3A_516 = arith.maxsi %max3A_514, %slice3A_515 : vector<256x128xi32>
    %slice3A_517 = vector.extract_strided_slice %select_n3A_467 {offsets = [0, 3200], sizes = [256, 128], strides = [1, 1]} : vector<256x4096xi32> to vector<256x128xi32>
    %max3A_518 = arith.maxsi %max3A_516, %slice3A_517 : vector<256x128xi32>
    %slice3A_519 = vector.extract_strided_slice %select_n3A_467 {offsets = [0, 3328], sizes = [256, 128], strides = [1, 1]} : vector<256x4096xi32> to vector<256x128xi32>
    %max3A_520 = arith.maxsi %max3A_518, %slice3A_519 : vector<256x128xi32>
    %slice3A_521 = vector.extract_strided_slice %select_n3A_467 {offsets = [0, 3456], sizes = [256, 128], strides = [1, 1]} : vector<256x4096xi32> to vector<256x128xi32>
    %max3A_522 = arith.maxsi %max3A_520, %slice3A_521 : vector<256x128xi32>
    %slice3A_523 = vector.extract_strided_slice %select_n3A_467 {offsets = [0, 3584], sizes = [256, 128], strides = [1, 1]} : vector<256x4096xi32> to vector<256x128xi32>
    %max3A_524 = arith.maxsi %max3A_522, %slice3A_523 : vector<256x128xi32>
    %slice3A_525 = vector.extract_strided_slice %select_n3A_467 {offsets = [0, 3712], sizes = [256, 128], strides = [1, 1]} : vector<256x4096xi32> to vector<256x128xi32>
    %max3A_526 = arith.maxsi %max3A_524, %slice3A_525 : vector<256x128xi32>
    %slice3A_527 = vector.extract_strided_slice %select_n3A_467 {offsets = [0, 3840], sizes = [256, 128], strides = [1, 1]} : vector<256x4096xi32> to vector<256x128xi32>
    %max3A_528 = arith.maxsi %max3A_526, %slice3A_527 : vector<256x128xi32>
    %slice3A_529 = vector.extract_strided_slice %select_n3A_467 {offsets = [0, 3968], sizes = [256, 128], strides = [1, 1]} : vector<256x4096xi32> to vector<256x128xi32>
    %max3A_530 = arith.maxsi %max3A_528, %slice3A_529 : vector<256x128xi32>
    %reduce_max3A_531 = arith.constant dense<-2147483648> : vector<256xi32>
    %reduce_max3A_532 = vector.multi_reduction <maxsi>, %max3A_530, %reduce_max3A_531 [1] : vector<256x128xi32> to vector<256xi32>
    %broadcast_in_dim3A_533 = vector.shape_cast %reduce_max3A_532 : vector<256xi32> to vector<256x1xi32>
    %and3A_534 = arith.constant 31 : i32
    %and3A_535 = vector.broadcast %and3A_534 : i32 to vector<256x1xi32>
    %and3A_536 = arith.andi %broadcast_in_dim3A_533, %and3A_535 : vector<256x1xi32>
    %sub3A_537 = arith.constant 31 : i32
    %sub3A_538 = vector.broadcast %sub3A_537 : i32 to vector<256x1xi32>
    %sub3A_539 = arith.subi %sub3A_538, %and3A_536 : vector<256x1xi32>
    %eq3A_540 = vector.broadcast %broadcast_in_dim3A_533 : vector<256x1xi32> to vector<256x128xi32>
    %eq3A_541 = arith.cmpi eq, %max3A_530, %eq3A_540 : vector<256x128xi32>
    %jit3A_542 = arith.constant 128 : i32
    %broadcast_in_dim3A_543 = vector.broadcast %jit3A_542 : i32 to vector<256x128xi32>
    %select_n3A_544 = arith.select %eq3A_541, %iota3A_28, %broadcast_in_dim3A_543 : vector<256x128xi1>, vector<256x128xi32>
    %reduce_min3A_545 = arith.constant dense<2147483647> : vector<256xi32>
    %reduce_min3A_546 = vector.multi_reduction <minsi>, %select_n3A_544, %reduce_min3A_545 [1] : vector<256x128xi32> to vector<256xi32>
    %broadcast_in_dim3A_547 = vector.shape_cast %reduce_min3A_546 : vector<256xi32> to vector<256x1xi32>
    %mul3A_548 = arith.constant 128 : i32
    %mul3A_549 = vector.broadcast %mul3A_548 : i32 to vector<256x1xi32>
    %mul3A_550 = arith.muli %sub3A_539, %mul3A_549 : vector<256x1xi32>
    %add3A_551 = arith.addi %mul3A_550, %broadcast_in_dim3A_547 : vector<256x1xi32>
    %eq3A_552 = vector.broadcast %add3A_551 : vector<256x1xi32> to vector<256x4096xi32>
    %eq3A_553 = arith.cmpi eq, %iota3A, %eq3A_552 : vector<256x4096xi32>
    %jit3A_554 = arith.constant -2147483648 : i32
    %broadcast_in_dim3A_555 = vector.broadcast %jit3A_554 : i32 to vector<256x4096xi32>
    %select_n3A_556 = arith.select %eq3A_553, %broadcast_in_dim3A_555, %select_n3A_467 : vector<256x4096xi1>, vector<256x4096xi32>
    %slice3A_557 = vector.extract_strided_slice %select_n3A_556 {offsets = [0, 0], sizes = [256, 128], strides = [1, 1]} : vector<256x4096xi32> to vector<256x128xi32>
    %slice3A_558 = vector.extract_strided_slice %select_n3A_556 {offsets = [0, 128], sizes = [256, 128], strides = [1, 1]} : vector<256x4096xi32> to vector<256x128xi32>
    %max3A_559 = arith.maxsi %slice3A_557, %slice3A_558 : vector<256x128xi32>
    %slice3A_560 = vector.extract_strided_slice %select_n3A_556 {offsets = [0, 256], sizes = [256, 128], strides = [1, 1]} : vector<256x4096xi32> to vector<256x128xi32>
    %max3A_561 = arith.maxsi %max3A_559, %slice3A_560 : vector<256x128xi32>
    %slice3A_562 = vector.extract_strided_slice %select_n3A_556 {offsets = [0, 384], sizes = [256, 128], strides = [1, 1]} : vector<256x4096xi32> to vector<256x128xi32>
    %max3A_563 = arith.maxsi %max3A_561, %slice3A_562 : vector<256x128xi32>
    %slice3A_564 = vector.extract_strided_slice %select_n3A_556 {offsets = [0, 512], sizes = [256, 128], strides = [1, 1]} : vector<256x4096xi32> to vector<256x128xi32>
    %max3A_565 = arith.maxsi %max3A_563, %slice3A_564 : vector<256x128xi32>
    %slice3A_566 = vector.extract_strided_slice %select_n3A_556 {offsets = [0, 640], sizes = [256, 128], strides = [1, 1]} : vector<256x4096xi32> to vector<256x128xi32>
    %max3A_567 = arith.maxsi %max3A_565, %slice3A_566 : vector<256x128xi32>
    %slice3A_568 = vector.extract_strided_slice %select_n3A_556 {offsets = [0, 768], sizes = [256, 128], strides = [1, 1]} : vector<256x4096xi32> to vector<256x128xi32>
    %max3A_569 = arith.maxsi %max3A_567, %slice3A_568 : vector<256x128xi32>
    %slice3A_570 = vector.extract_strided_slice %select_n3A_556 {offsets = [0, 896], sizes = [256, 128], strides = [1, 1]} : vector<256x4096xi32> to vector<256x128xi32>
    %max3A_571 = arith.maxsi %max3A_569, %slice3A_570 : vector<256x128xi32>
    %slice3A_572 = vector.extract_strided_slice %select_n3A_556 {offsets = [0, 1024], sizes = [256, 128], strides = [1, 1]} : vector<256x4096xi32> to vector<256x128xi32>
    %max3A_573 = arith.maxsi %max3A_571, %slice3A_572 : vector<256x128xi32>
    %slice3A_574 = vector.extract_strided_slice %select_n3A_556 {offsets = [0, 1152], sizes = [256, 128], strides = [1, 1]} : vector<256x4096xi32> to vector<256x128xi32>
    %max3A_575 = arith.maxsi %max3A_573, %slice3A_574 : vector<256x128xi32>
    %slice3A_576 = vector.extract_strided_slice %select_n3A_556 {offsets = [0, 1280], sizes = [256, 128], strides = [1, 1]} : vector<256x4096xi32> to vector<256x128xi32>
    %max3A_577 = arith.maxsi %max3A_575, %slice3A_576 : vector<256x128xi32>
    %slice3A_578 = vector.extract_strided_slice %select_n3A_556 {offsets = [0, 1408], sizes = [256, 128], strides = [1, 1]} : vector<256x4096xi32> to vector<256x128xi32>
    %max3A_579 = arith.maxsi %max3A_577, %slice3A_578 : vector<256x128xi32>
    %slice3A_580 = vector.extract_strided_slice %select_n3A_556 {offsets = [0, 1536], sizes = [256, 128], strides = [1, 1]} : vector<256x4096xi32> to vector<256x128xi32>
    %max3A_581 = arith.maxsi %max3A_579, %slice3A_580 : vector<256x128xi32>
    %slice3A_582 = vector.extract_strided_slice %select_n3A_556 {offsets = [0, 1664], sizes = [256, 128], strides = [1, 1]} : vector<256x4096xi32> to vector<256x128xi32>
    %max3A_583 = arith.maxsi %max3A_581, %slice3A_582 : vector<256x128xi32>
    %slice3A_584 = vector.extract_strided_slice %select_n3A_556 {offsets = [0, 1792], sizes = [256, 128], strides = [1, 1]} : vector<256x4096xi32> to vector<256x128xi32>
    %max3A_585 = arith.maxsi %max3A_583, %slice3A_584 : vector<256x128xi32>
    %slice3A_586 = vector.extract_strided_slice %select_n3A_556 {offsets = [0, 1920], sizes = [256, 128], strides = [1, 1]} : vector<256x4096xi32> to vector<256x128xi32>
    %max3A_587 = arith.maxsi %max3A_585, %slice3A_586 : vector<256x128xi32>
    %slice3A_588 = vector.extract_strided_slice %select_n3A_556 {offsets = [0, 2048], sizes = [256, 128], strides = [1, 1]} : vector<256x4096xi32> to vector<256x128xi32>
    %max3A_589 = arith.maxsi %max3A_587, %slice3A_588 : vector<256x128xi32>
    %slice3A_590 = vector.extract_strided_slice %select_n3A_556 {offsets = [0, 2176], sizes = [256, 128], strides = [1, 1]} : vector<256x4096xi32> to vector<256x128xi32>
    %max3A_591 = arith.maxsi %max3A_589, %slice3A_590 : vector<256x128xi32>
    %slice3A_592 = vector.extract_strided_slice %select_n3A_556 {offsets = [0, 2304], sizes = [256, 128], strides = [1, 1]} : vector<256x4096xi32> to vector<256x128xi32>
    %max3A_593 = arith.maxsi %max3A_591, %slice3A_592 : vector<256x128xi32>
    %slice3A_594 = vector.extract_strided_slice %select_n3A_556 {offsets = [0, 2432], sizes = [256, 128], strides = [1, 1]} : vector<256x4096xi32> to vector<256x128xi32>
    %max3A_595 = arith.maxsi %max3A_593, %slice3A_594 : vector<256x128xi32>
    %slice3A_596 = vector.extract_strided_slice %select_n3A_556 {offsets = [0, 2560], sizes = [256, 128], strides = [1, 1]} : vector<256x4096xi32> to vector<256x128xi32>
    %max3A_597 = arith.maxsi %max3A_595, %slice3A_596 : vector<256x128xi32>
    %slice3A_598 = vector.extract_strided_slice %select_n3A_556 {offsets = [0, 2688], sizes = [256, 128], strides = [1, 1]} : vector<256x4096xi32> to vector<256x128xi32>
    %max3A_599 = arith.maxsi %max3A_597, %slice3A_598 : vector<256x128xi32>
    %slice3A_600 = vector.extract_strided_slice %select_n3A_556 {offsets = [0, 2816], sizes = [256, 128], strides = [1, 1]} : vector<256x4096xi32> to vector<256x128xi32>
    %max3A_601 = arith.maxsi %max3A_599, %slice3A_600 : vector<256x128xi32>
    %slice3A_602 = vector.extract_strided_slice %select_n3A_556 {offsets = [0, 2944], sizes = [256, 128], strides = [1, 1]} : vector<256x4096xi32> to vector<256x128xi32>
    %max3A_603 = arith.maxsi %max3A_601, %slice3A_602 : vector<256x128xi32>
    %slice3A_604 = vector.extract_strided_slice %select_n3A_556 {offsets = [0, 3072], sizes = [256, 128], strides = [1, 1]} : vector<256x4096xi32> to vector<256x128xi32>
    %max3A_605 = arith.maxsi %max3A_603, %slice3A_604 : vector<256x128xi32>
    %slice3A_606 = vector.extract_strided_slice %select_n3A_556 {offsets = [0, 3200], sizes = [256, 128], strides = [1, 1]} : vector<256x4096xi32> to vector<256x128xi32>
    %max3A_607 = arith.maxsi %max3A_605, %slice3A_606 : vector<256x128xi32>
    %slice3A_608 = vector.extract_strided_slice %select_n3A_556 {offsets = [0, 3328], sizes = [256, 128], strides = [1, 1]} : vector<256x4096xi32> to vector<256x128xi32>
    %max3A_609 = arith.maxsi %max3A_607, %slice3A_608 : vector<256x128xi32>
    %slice3A_610 = vector.extract_strided_slice %select_n3A_556 {offsets = [0, 3456], sizes = [256, 128], strides = [1, 1]} : vector<256x4096xi32> to vector<256x128xi32>
    %max3A_611 = arith.maxsi %max3A_609, %slice3A_610 : vector<256x128xi32>
    %slice3A_612 = vector.extract_strided_slice %select_n3A_556 {offsets = [0, 3584], sizes = [256, 128], strides = [1, 1]} : vector<256x4096xi32> to vector<256x128xi32>
    %max3A_613 = arith.maxsi %max3A_611, %slice3A_612 : vector<256x128xi32>
    %slice3A_614 = vector.extract_strided_slice %select_n3A_556 {offsets = [0, 3712], sizes = [256, 128], strides = [1, 1]} : vector<256x4096xi32> to vector<256x128xi32>
    %max3A_615 = arith.maxsi %max3A_613, %slice3A_614 : vector<256x128xi32>
    %slice3A_616 = vector.extract_strided_slice %select_n3A_556 {offsets = [0, 3840], sizes = [256, 128], strides = [1, 1]} : vector<256x4096xi32> to vector<256x128xi32>
    %max3A_617 = arith.maxsi %max3A_615, %slice3A_616 : vector<256x128xi32>
    %slice3A_618 = vector.extract_strided_slice %select_n3A_556 {offsets = [0, 3968], sizes = [256, 128], strides = [1, 1]} : vector<256x4096xi32> to vector<256x128xi32>
    %max3A_619 = arith.maxsi %max3A_617, %slice3A_618 : vector<256x128xi32>
    %reduce_max3A_620 = arith.constant dense<-2147483648> : vector<256xi32>
    %reduce_max3A_621 = vector.multi_reduction <maxsi>, %max3A_619, %reduce_max3A_620 [1] : vector<256x128xi32> to vector<256xi32>
    %broadcast_in_dim3A_622 = vector.shape_cast %reduce_max3A_621 : vector<256xi32> to vector<256x1xi32>
    %and3A_623 = arith.constant 31 : i32
    %and3A_624 = vector.broadcast %and3A_623 : i32 to vector<256x1xi32>
    %and3A_625 = arith.andi %broadcast_in_dim3A_622, %and3A_624 : vector<256x1xi32>
    %sub3A_626 = arith.constant 31 : i32
    %sub3A_627 = vector.broadcast %sub3A_626 : i32 to vector<256x1xi32>
    %sub3A_628 = arith.subi %sub3A_627, %and3A_625 : vector<256x1xi32>
    %eq3A_629 = vector.broadcast %broadcast_in_dim3A_622 : vector<256x1xi32> to vector<256x128xi32>
    %eq3A_630 = arith.cmpi eq, %max3A_619, %eq3A_629 : vector<256x128xi32>
    %jit3A_631 = arith.constant 128 : i32
    %broadcast_in_dim3A_632 = vector.broadcast %jit3A_631 : i32 to vector<256x128xi32>
    %select_n3A_633 = arith.select %eq3A_630, %iota3A_28, %broadcast_in_dim3A_632 : vector<256x128xi1>, vector<256x128xi32>
    %reduce_min3A_634 = arith.constant dense<2147483647> : vector<256xi32>
    %reduce_min3A_635 = vector.multi_reduction <minsi>, %select_n3A_633, %reduce_min3A_634 [1] : vector<256x128xi32> to vector<256xi32>
    %broadcast_in_dim3A_636 = vector.shape_cast %reduce_min3A_635 : vector<256xi32> to vector<256x1xi32>
    %mul3A_637 = arith.constant 128 : i32
    %mul3A_638 = vector.broadcast %mul3A_637 : i32 to vector<256x1xi32>
    %mul3A_639 = arith.muli %sub3A_628, %mul3A_638 : vector<256x1xi32>
    %add3A_640 = arith.addi %mul3A_639, %broadcast_in_dim3A_636 : vector<256x1xi32>
    %eq3A_641 = vector.broadcast %add3A_640 : vector<256x1xi32> to vector<256x4096xi32>
    %eq3A_642 = arith.cmpi eq, %iota3A, %eq3A_641 : vector<256x4096xi32>
    %jit3A_643 = arith.constant -2147483648 : i32
    %broadcast_in_dim3A_644 = vector.broadcast %jit3A_643 : i32 to vector<256x4096xi32>
    %select_n3A_645 = arith.select %eq3A_642, %broadcast_in_dim3A_644, %select_n3A_556 : vector<256x4096xi1>, vector<256x4096xi32>
    %slice3A_646 = vector.extract_strided_slice %select_n3A_645 {offsets = [0, 0], sizes = [256, 128], strides = [1, 1]} : vector<256x4096xi32> to vector<256x128xi32>
    %slice3A_647 = vector.extract_strided_slice %select_n3A_645 {offsets = [0, 128], sizes = [256, 128], strides = [1, 1]} : vector<256x4096xi32> to vector<256x128xi32>
    %max3A_648 = arith.maxsi %slice3A_646, %slice3A_647 : vector<256x128xi32>
    %slice3A_649 = vector.extract_strided_slice %select_n3A_645 {offsets = [0, 256], sizes = [256, 128], strides = [1, 1]} : vector<256x4096xi32> to vector<256x128xi32>
    %max3A_650 = arith.maxsi %max3A_648, %slice3A_649 : vector<256x128xi32>
    %slice3A_651 = vector.extract_strided_slice %select_n3A_645 {offsets = [0, 384], sizes = [256, 128], strides = [1, 1]} : vector<256x4096xi32> to vector<256x128xi32>
    %max3A_652 = arith.maxsi %max3A_650, %slice3A_651 : vector<256x128xi32>
    %slice3A_653 = vector.extract_strided_slice %select_n3A_645 {offsets = [0, 512], sizes = [256, 128], strides = [1, 1]} : vector<256x4096xi32> to vector<256x128xi32>
    %max3A_654 = arith.maxsi %max3A_652, %slice3A_653 : vector<256x128xi32>
    %slice3A_655 = vector.extract_strided_slice %select_n3A_645 {offsets = [0, 640], sizes = [256, 128], strides = [1, 1]} : vector<256x4096xi32> to vector<256x128xi32>
    %max3A_656 = arith.maxsi %max3A_654, %slice3A_655 : vector<256x128xi32>
    %slice3A_657 = vector.extract_strided_slice %select_n3A_645 {offsets = [0, 768], sizes = [256, 128], strides = [1, 1]} : vector<256x4096xi32> to vector<256x128xi32>
    %max3A_658 = arith.maxsi %max3A_656, %slice3A_657 : vector<256x128xi32>
    %slice3A_659 = vector.extract_strided_slice %select_n3A_645 {offsets = [0, 896], sizes = [256, 128], strides = [1, 1]} : vector<256x4096xi32> to vector<256x128xi32>
    %max3A_660 = arith.maxsi %max3A_658, %slice3A_659 : vector<256x128xi32>
    %slice3A_661 = vector.extract_strided_slice %select_n3A_645 {offsets = [0, 1024], sizes = [256, 128], strides = [1, 1]} : vector<256x4096xi32> to vector<256x128xi32>
    %max3A_662 = arith.maxsi %max3A_660, %slice3A_661 : vector<256x128xi32>
    %slice3A_663 = vector.extract_strided_slice %select_n3A_645 {offsets = [0, 1152], sizes = [256, 128], strides = [1, 1]} : vector<256x4096xi32> to vector<256x128xi32>
    %max3A_664 = arith.maxsi %max3A_662, %slice3A_663 : vector<256x128xi32>
    %slice3A_665 = vector.extract_strided_slice %select_n3A_645 {offsets = [0, 1280], sizes = [256, 128], strides = [1, 1]} : vector<256x4096xi32> to vector<256x128xi32>
    %max3A_666 = arith.maxsi %max3A_664, %slice3A_665 : vector<256x128xi32>
    %slice3A_667 = vector.extract_strided_slice %select_n3A_645 {offsets = [0, 1408], sizes = [256, 128], strides = [1, 1]} : vector<256x4096xi32> to vector<256x128xi32>
    %max3A_668 = arith.maxsi %max3A_666, %slice3A_667 : vector<256x128xi32>
    %slice3A_669 = vector.extract_strided_slice %select_n3A_645 {offsets = [0, 1536], sizes = [256, 128], strides = [1, 1]} : vector<256x4096xi32> to vector<256x128xi32>
    %max3A_670 = arith.maxsi %max3A_668, %slice3A_669 : vector<256x128xi32>
    %slice3A_671 = vector.extract_strided_slice %select_n3A_645 {offsets = [0, 1664], sizes = [256, 128], strides = [1, 1]} : vector<256x4096xi32> to vector<256x128xi32>
    %max3A_672 = arith.maxsi %max3A_670, %slice3A_671 : vector<256x128xi32>
    %slice3A_673 = vector.extract_strided_slice %select_n3A_645 {offsets = [0, 1792], sizes = [256, 128], strides = [1, 1]} : vector<256x4096xi32> to vector<256x128xi32>
    %max3A_674 = arith.maxsi %max3A_672, %slice3A_673 : vector<256x128xi32>
    %slice3A_675 = vector.extract_strided_slice %select_n3A_645 {offsets = [0, 1920], sizes = [256, 128], strides = [1, 1]} : vector<256x4096xi32> to vector<256x128xi32>
    %max3A_676 = arith.maxsi %max3A_674, %slice3A_675 : vector<256x128xi32>
    %slice3A_677 = vector.extract_strided_slice %select_n3A_645 {offsets = [0, 2048], sizes = [256, 128], strides = [1, 1]} : vector<256x4096xi32> to vector<256x128xi32>
    %max3A_678 = arith.maxsi %max3A_676, %slice3A_677 : vector<256x128xi32>
    %slice3A_679 = vector.extract_strided_slice %select_n3A_645 {offsets = [0, 2176], sizes = [256, 128], strides = [1, 1]} : vector<256x4096xi32> to vector<256x128xi32>
    %max3A_680 = arith.maxsi %max3A_678, %slice3A_679 : vector<256x128xi32>
    %slice3A_681 = vector.extract_strided_slice %select_n3A_645 {offsets = [0, 2304], sizes = [256, 128], strides = [1, 1]} : vector<256x4096xi32> to vector<256x128xi32>
    %max3A_682 = arith.maxsi %max3A_680, %slice3A_681 : vector<256x128xi32>
    %slice3A_683 = vector.extract_strided_slice %select_n3A_645 {offsets = [0, 2432], sizes = [256, 128], strides = [1, 1]} : vector<256x4096xi32> to vector<256x128xi32>
    %max3A_684 = arith.maxsi %max3A_682, %slice3A_683 : vector<256x128xi32>
    %slice3A_685 = vector.extract_strided_slice %select_n3A_645 {offsets = [0, 2560], sizes = [256, 128], strides = [1, 1]} : vector<256x4096xi32> to vector<256x128xi32>
    %max3A_686 = arith.maxsi %max3A_684, %slice3A_685 : vector<256x128xi32>
    %slice3A_687 = vector.extract_strided_slice %select_n3A_645 {offsets = [0, 2688], sizes = [256, 128], strides = [1, 1]} : vector<256x4096xi32> to vector<256x128xi32>
    %max3A_688 = arith.maxsi %max3A_686, %slice3A_687 : vector<256x128xi32>
    %slice3A_689 = vector.extract_strided_slice %select_n3A_645 {offsets = [0, 2816], sizes = [256, 128], strides = [1, 1]} : vector<256x4096xi32> to vector<256x128xi32>
    %max3A_690 = arith.maxsi %max3A_688, %slice3A_689 : vector<256x128xi32>
    %slice3A_691 = vector.extract_strided_slice %select_n3A_645 {offsets = [0, 2944], sizes = [256, 128], strides = [1, 1]} : vector<256x4096xi32> to vector<256x128xi32>
    %max3A_692 = arith.maxsi %max3A_690, %slice3A_691 : vector<256x128xi32>
    %slice3A_693 = vector.extract_strided_slice %select_n3A_645 {offsets = [0, 3072], sizes = [256, 128], strides = [1, 1]} : vector<256x4096xi32> to vector<256x128xi32>
    %max3A_694 = arith.maxsi %max3A_692, %slice3A_693 : vector<256x128xi32>
    %slice3A_695 = vector.extract_strided_slice %select_n3A_645 {offsets = [0, 3200], sizes = [256, 128], strides = [1, 1]} : vector<256x4096xi32> to vector<256x128xi32>
    %max3A_696 = arith.maxsi %max3A_694, %slice3A_695 : vector<256x128xi32>
    %slice3A_697 = vector.extract_strided_slice %select_n3A_645 {offsets = [0, 3328], sizes = [256, 128], strides = [1, 1]} : vector<256x4096xi32> to vector<256x128xi32>
    %max3A_698 = arith.maxsi %max3A_696, %slice3A_697 : vector<256x128xi32>
    %slice3A_699 = vector.extract_strided_slice %select_n3A_645 {offsets = [0, 3456], sizes = [256, 128], strides = [1, 1]} : vector<256x4096xi32> to vector<256x128xi32>
    %max3A_700 = arith.maxsi %max3A_698, %slice3A_699 : vector<256x128xi32>
    %slice3A_701 = vector.extract_strided_slice %select_n3A_645 {offsets = [0, 3584], sizes = [256, 128], strides = [1, 1]} : vector<256x4096xi32> to vector<256x128xi32>
    %max3A_702 = arith.maxsi %max3A_700, %slice3A_701 : vector<256x128xi32>
    %slice3A_703 = vector.extract_strided_slice %select_n3A_645 {offsets = [0, 3712], sizes = [256, 128], strides = [1, 1]} : vector<256x4096xi32> to vector<256x128xi32>
    %max3A_704 = arith.maxsi %max3A_702, %slice3A_703 : vector<256x128xi32>
    %slice3A_705 = vector.extract_strided_slice %select_n3A_645 {offsets = [0, 3840], sizes = [256, 128], strides = [1, 1]} : vector<256x4096xi32> to vector<256x128xi32>
    %max3A_706 = arith.maxsi %max3A_704, %slice3A_705 : vector<256x128xi32>
    %slice3A_707 = vector.extract_strided_slice %select_n3A_645 {offsets = [0, 3968], sizes = [256, 128], strides = [1, 1]} : vector<256x4096xi32> to vector<256x128xi32>
    %max3A_708 = arith.maxsi %max3A_706, %slice3A_707 : vector<256x128xi32>
    %reduce_max3A_709 = arith.constant dense<-2147483648> : vector<256xi32>
    %reduce_max3A_710 = vector.multi_reduction <maxsi>, %max3A_708, %reduce_max3A_709 [1] : vector<256x128xi32> to vector<256xi32>
    %broadcast_in_dim3A_711 = vector.shape_cast %reduce_max3A_710 : vector<256xi32> to vector<256x1xi32>
    %and3A_712 = arith.constant 31 : i32
    %and3A_713 = vector.broadcast %and3A_712 : i32 to vector<256x1xi32>
    %and3A_714 = arith.andi %broadcast_in_dim3A_711, %and3A_713 : vector<256x1xi32>
    %sub3A_715 = arith.constant 31 : i32
    %sub3A_716 = vector.broadcast %sub3A_715 : i32 to vector<256x1xi32>
    %sub3A_717 = arith.subi %sub3A_716, %and3A_714 : vector<256x1xi32>
    %eq3A_718 = vector.broadcast %broadcast_in_dim3A_711 : vector<256x1xi32> to vector<256x128xi32>
    %eq3A_719 = arith.cmpi eq, %max3A_708, %eq3A_718 : vector<256x128xi32>
    %jit3A_720 = arith.constant 128 : i32
    %broadcast_in_dim3A_721 = vector.broadcast %jit3A_720 : i32 to vector<256x128xi32>
    %select_n3A_722 = arith.select %eq3A_719, %iota3A_28, %broadcast_in_dim3A_721 : vector<256x128xi1>, vector<256x128xi32>
    %reduce_min3A_723 = arith.constant dense<2147483647> : vector<256xi32>
    %reduce_min3A_724 = vector.multi_reduction <minsi>, %select_n3A_722, %reduce_min3A_723 [1] : vector<256x128xi32> to vector<256xi32>
    %broadcast_in_dim3A_725 = vector.shape_cast %reduce_min3A_724 : vector<256xi32> to vector<256x1xi32>
    %mul3A_726 = arith.constant 128 : i32
    %mul3A_727 = vector.broadcast %mul3A_726 : i32 to vector<256x1xi32>
    %mul3A_728 = arith.muli %sub3A_717, %mul3A_727 : vector<256x1xi32>
    %add3A_729 = arith.addi %mul3A_728, %broadcast_in_dim3A_725 : vector<256x1xi32>
    %eq3A_730 = vector.broadcast %add3A_729 : vector<256x1xi32> to vector<256x4096xi32>
    %eq3A_731 = arith.cmpi eq, %iota3A, %eq3A_730 : vector<256x4096xi32>
    %jit3A_732 = arith.constant -2147483648 : i32
    %broadcast_in_dim3A_733 = vector.broadcast %jit3A_732 : i32 to vector<256x4096xi32>
    %select_n3A_734 = arith.select %eq3A_731, %broadcast_in_dim3A_733, %select_n3A_645 : vector<256x4096xi1>, vector<256x4096xi32>
    %slice3A_735 = vector.extract_strided_slice %select_n3A_734 {offsets = [0, 0], sizes = [256, 128], strides = [1, 1]} : vector<256x4096xi32> to vector<256x128xi32>
    %slice3A_736 = vector.extract_strided_slice %select_n3A_734 {offsets = [0, 128], sizes = [256, 128], strides = [1, 1]} : vector<256x4096xi32> to vector<256x128xi32>
    %max3A_737 = arith.maxsi %slice3A_735, %slice3A_736 : vector<256x128xi32>
    %slice3A_738 = vector.extract_strided_slice %select_n3A_734 {offsets = [0, 256], sizes = [256, 128], strides = [1, 1]} : vector<256x4096xi32> to vector<256x128xi32>
    %max3A_739 = arith.maxsi %max3A_737, %slice3A_738 : vector<256x128xi32>
    %slice3A_740 = vector.extract_strided_slice %select_n3A_734 {offsets = [0, 384], sizes = [256, 128], strides = [1, 1]} : vector<256x4096xi32> to vector<256x128xi32>
    %max3A_741 = arith.maxsi %max3A_739, %slice3A_740 : vector<256x128xi32>
    %slice3A_742 = vector.extract_strided_slice %select_n3A_734 {offsets = [0, 512], sizes = [256, 128], strides = [1, 1]} : vector<256x4096xi32> to vector<256x128xi32>
    %max3A_743 = arith.maxsi %max3A_741, %slice3A_742 : vector<256x128xi32>
    %slice3A_744 = vector.extract_strided_slice %select_n3A_734 {offsets = [0, 640], sizes = [256, 128], strides = [1, 1]} : vector<256x4096xi32> to vector<256x128xi32>
    %max3A_745 = arith.maxsi %max3A_743, %slice3A_744 : vector<256x128xi32>
    %slice3A_746 = vector.extract_strided_slice %select_n3A_734 {offsets = [0, 768], sizes = [256, 128], strides = [1, 1]} : vector<256x4096xi32> to vector<256x128xi32>
    %max3A_747 = arith.maxsi %max3A_745, %slice3A_746 : vector<256x128xi32>
    %slice3A_748 = vector.extract_strided_slice %select_n3A_734 {offsets = [0, 896], sizes = [256, 128], strides = [1, 1]} : vector<256x4096xi32> to vector<256x128xi32>
    %max3A_749 = arith.maxsi %max3A_747, %slice3A_748 : vector<256x128xi32>
    %slice3A_750 = vector.extract_strided_slice %select_n3A_734 {offsets = [0, 1024], sizes = [256, 128], strides = [1, 1]} : vector<256x4096xi32> to vector<256x128xi32>
    %max3A_751 = arith.maxsi %max3A_749, %slice3A_750 : vector<256x128xi32>
    %slice3A_752 = vector.extract_strided_slice %select_n3A_734 {offsets = [0, 1152], sizes = [256, 128], strides = [1, 1]} : vector<256x4096xi32> to vector<256x128xi32>
    %max3A_753 = arith.maxsi %max3A_751, %slice3A_752 : vector<256x128xi32>
    %slice3A_754 = vector.extract_strided_slice %select_n3A_734 {offsets = [0, 1280], sizes = [256, 128], strides = [1, 1]} : vector<256x4096xi32> to vector<256x128xi32>
    %max3A_755 = arith.maxsi %max3A_753, %slice3A_754 : vector<256x128xi32>
    %slice3A_756 = vector.extract_strided_slice %select_n3A_734 {offsets = [0, 1408], sizes = [256, 128], strides = [1, 1]} : vector<256x4096xi32> to vector<256x128xi32>
    %max3A_757 = arith.maxsi %max3A_755, %slice3A_756 : vector<256x128xi32>
    %slice3A_758 = vector.extract_strided_slice %select_n3A_734 {offsets = [0, 1536], sizes = [256, 128], strides = [1, 1]} : vector<256x4096xi32> to vector<256x128xi32>
    %max3A_759 = arith.maxsi %max3A_757, %slice3A_758 : vector<256x128xi32>
    %slice3A_760 = vector.extract_strided_slice %select_n3A_734 {offsets = [0, 1664], sizes = [256, 128], strides = [1, 1]} : vector<256x4096xi32> to vector<256x128xi32>
    %max3A_761 = arith.maxsi %max3A_759, %slice3A_760 : vector<256x128xi32>
    %slice3A_762 = vector.extract_strided_slice %select_n3A_734 {offsets = [0, 1792], sizes = [256, 128], strides = [1, 1]} : vector<256x4096xi32> to vector<256x128xi32>
    %max3A_763 = arith.maxsi %max3A_761, %slice3A_762 : vector<256x128xi32>
    %slice3A_764 = vector.extract_strided_slice %select_n3A_734 {offsets = [0, 1920], sizes = [256, 128], strides = [1, 1]} : vector<256x4096xi32> to vector<256x128xi32>
    %max3A_765 = arith.maxsi %max3A_763, %slice3A_764 : vector<256x128xi32>
    %slice3A_766 = vector.extract_strided_slice %select_n3A_734 {offsets = [0, 2048], sizes = [256, 128], strides = [1, 1]} : vector<256x4096xi32> to vector<256x128xi32>
    %max3A_767 = arith.maxsi %max3A_765, %slice3A_766 : vector<256x128xi32>
    %slice3A_768 = vector.extract_strided_slice %select_n3A_734 {offsets = [0, 2176], sizes = [256, 128], strides = [1, 1]} : vector<256x4096xi32> to vector<256x128xi32>
    %max3A_769 = arith.maxsi %max3A_767, %slice3A_768 : vector<256x128xi32>
    %slice3A_770 = vector.extract_strided_slice %select_n3A_734 {offsets = [0, 2304], sizes = [256, 128], strides = [1, 1]} : vector<256x4096xi32> to vector<256x128xi32>
    %max3A_771 = arith.maxsi %max3A_769, %slice3A_770 : vector<256x128xi32>
    %slice3A_772 = vector.extract_strided_slice %select_n3A_734 {offsets = [0, 2432], sizes = [256, 128], strides = [1, 1]} : vector<256x4096xi32> to vector<256x128xi32>
    %max3A_773 = arith.maxsi %max3A_771, %slice3A_772 : vector<256x128xi32>
    %slice3A_774 = vector.extract_strided_slice %select_n3A_734 {offsets = [0, 2560], sizes = [256, 128], strides = [1, 1]} : vector<256x4096xi32> to vector<256x128xi32>
    %max3A_775 = arith.maxsi %max3A_773, %slice3A_774 : vector<256x128xi32>
    %slice3A_776 = vector.extract_strided_slice %select_n3A_734 {offsets = [0, 2688], sizes = [256, 128], strides = [1, 1]} : vector<256x4096xi32> to vector<256x128xi32>
    %max3A_777 = arith.maxsi %max3A_775, %slice3A_776 : vector<256x128xi32>
    %slice3A_778 = vector.extract_strided_slice %select_n3A_734 {offsets = [0, 2816], sizes = [256, 128], strides = [1, 1]} : vector<256x4096xi32> to vector<256x128xi32>
    %max3A_779 = arith.maxsi %max3A_777, %slice3A_778 : vector<256x128xi32>
    %slice3A_780 = vector.extract_strided_slice %select_n3A_734 {offsets = [0, 2944], sizes = [256, 128], strides = [1, 1]} : vector<256x4096xi32> to vector<256x128xi32>
    %max3A_781 = arith.maxsi %max3A_779, %slice3A_780 : vector<256x128xi32>
    %slice3A_782 = vector.extract_strided_slice %select_n3A_734 {offsets = [0, 3072], sizes = [256, 128], strides = [1, 1]} : vector<256x4096xi32> to vector<256x128xi32>
    %max3A_783 = arith.maxsi %max3A_781, %slice3A_782 : vector<256x128xi32>
    %slice3A_784 = vector.extract_strided_slice %select_n3A_734 {offsets = [0, 3200], sizes = [256, 128], strides = [1, 1]} : vector<256x4096xi32> to vector<256x128xi32>
    %max3A_785 = arith.maxsi %max3A_783, %slice3A_784 : vector<256x128xi32>
    %slice3A_786 = vector.extract_strided_slice %select_n3A_734 {offsets = [0, 3328], sizes = [256, 128], strides = [1, 1]} : vector<256x4096xi32> to vector<256x128xi32>
    %max3A_787 = arith.maxsi %max3A_785, %slice3A_786 : vector<256x128xi32>
    %slice3A_788 = vector.extract_strided_slice %select_n3A_734 {offsets = [0, 3456], sizes = [256, 128], strides = [1, 1]} : vector<256x4096xi32> to vector<256x128xi32>
    %max3A_789 = arith.maxsi %max3A_787, %slice3A_788 : vector<256x128xi32>
    %slice3A_790 = vector.extract_strided_slice %select_n3A_734 {offsets = [0, 3584], sizes = [256, 128], strides = [1, 1]} : vector<256x4096xi32> to vector<256x128xi32>
    %max3A_791 = arith.maxsi %max3A_789, %slice3A_790 : vector<256x128xi32>
    %slice3A_792 = vector.extract_strided_slice %select_n3A_734 {offsets = [0, 3712], sizes = [256, 128], strides = [1, 1]} : vector<256x4096xi32> to vector<256x128xi32>
    %max3A_793 = arith.maxsi %max3A_791, %slice3A_792 : vector<256x128xi32>
    %slice3A_794 = vector.extract_strided_slice %select_n3A_734 {offsets = [0, 3840], sizes = [256, 128], strides = [1, 1]} : vector<256x4096xi32> to vector<256x128xi32>
    %max3A_795 = arith.maxsi %max3A_793, %slice3A_794 : vector<256x128xi32>
    %slice3A_796 = vector.extract_strided_slice %select_n3A_734 {offsets = [0, 3968], sizes = [256, 128], strides = [1, 1]} : vector<256x4096xi32> to vector<256x128xi32>
    %max3A_797 = arith.maxsi %max3A_795, %slice3A_796 : vector<256x128xi32>
    %reduce_max3A_798 = arith.constant dense<-2147483648> : vector<256xi32>
    %reduce_max3A_799 = vector.multi_reduction <maxsi>, %max3A_797, %reduce_max3A_798 [1] : vector<256x128xi32> to vector<256xi32>
    %broadcast_in_dim3A_800 = vector.shape_cast %reduce_max3A_799 : vector<256xi32> to vector<256x1xi32>
    %and3A_801 = arith.constant 31 : i32
    %and3A_802 = vector.broadcast %and3A_801 : i32 to vector<256x1xi32>
    %and3A_803 = arith.andi %broadcast_in_dim3A_800, %and3A_802 : vector<256x1xi32>
    %sub3A_804 = arith.constant 31 : i32
    %sub3A_805 = vector.broadcast %sub3A_804 : i32 to vector<256x1xi32>
    %sub3A_806 = arith.subi %sub3A_805, %and3A_803 : vector<256x1xi32>
    %eq3A_807 = vector.broadcast %broadcast_in_dim3A_800 : vector<256x1xi32> to vector<256x128xi32>
    %eq3A_808 = arith.cmpi eq, %max3A_797, %eq3A_807 : vector<256x128xi32>
    %jit3A_809 = arith.constant 128 : i32
    %broadcast_in_dim3A_810 = vector.broadcast %jit3A_809 : i32 to vector<256x128xi32>
    %select_n3A_811 = arith.select %eq3A_808, %iota3A_28, %broadcast_in_dim3A_810 : vector<256x128xi1>, vector<256x128xi32>
    %reduce_min3A_812 = arith.constant dense<2147483647> : vector<256xi32>
    %reduce_min3A_813 = vector.multi_reduction <minsi>, %select_n3A_811, %reduce_min3A_812 [1] : vector<256x128xi32> to vector<256xi32>
    %broadcast_in_dim3A_814 = vector.shape_cast %reduce_min3A_813 : vector<256xi32> to vector<256x1xi32>
    %mul3A_815 = arith.constant 128 : i32
    %mul3A_816 = vector.broadcast %mul3A_815 : i32 to vector<256x1xi32>
    %mul3A_817 = arith.muli %sub3A_806, %mul3A_816 : vector<256x1xi32>
    %add3A_818 = arith.addi %mul3A_817, %broadcast_in_dim3A_814 : vector<256x1xi32>
    %eq3A_819 = vector.broadcast %add3A_818 : vector<256x1xi32> to vector<256x4096xi32>
    %eq3A_820 = arith.cmpi eq, %iota3A, %eq3A_819 : vector<256x4096xi32>
    %jit3A_821 = arith.constant -2147483648 : i32
    %broadcast_in_dim3A_822 = vector.broadcast %jit3A_821 : i32 to vector<256x4096xi32>
    %select_n3A_823 = arith.select %eq3A_820, %broadcast_in_dim3A_822, %select_n3A_734 : vector<256x4096xi1>, vector<256x4096xi32>
    %slice3A_824 = vector.extract_strided_slice %select_n3A_823 {offsets = [0, 0], sizes = [256, 128], strides = [1, 1]} : vector<256x4096xi32> to vector<256x128xi32>
    %slice3A_825 = vector.extract_strided_slice %select_n3A_823 {offsets = [0, 128], sizes = [256, 128], strides = [1, 1]} : vector<256x4096xi32> to vector<256x128xi32>
    %max3A_826 = arith.maxsi %slice3A_824, %slice3A_825 : vector<256x128xi32>
    %slice3A_827 = vector.extract_strided_slice %select_n3A_823 {offsets = [0, 256], sizes = [256, 128], strides = [1, 1]} : vector<256x4096xi32> to vector<256x128xi32>
    %max3A_828 = arith.maxsi %max3A_826, %slice3A_827 : vector<256x128xi32>
    %slice3A_829 = vector.extract_strided_slice %select_n3A_823 {offsets = [0, 384], sizes = [256, 128], strides = [1, 1]} : vector<256x4096xi32> to vector<256x128xi32>
    %max3A_830 = arith.maxsi %max3A_828, %slice3A_829 : vector<256x128xi32>
    %slice3A_831 = vector.extract_strided_slice %select_n3A_823 {offsets = [0, 512], sizes = [256, 128], strides = [1, 1]} : vector<256x4096xi32> to vector<256x128xi32>
    %max3A_832 = arith.maxsi %max3A_830, %slice3A_831 : vector<256x128xi32>
    %slice3A_833 = vector.extract_strided_slice %select_n3A_823 {offsets = [0, 640], sizes = [256, 128], strides = [1, 1]} : vector<256x4096xi32> to vector<256x128xi32>
    %max3A_834 = arith.maxsi %max3A_832, %slice3A_833 : vector<256x128xi32>
    %slice3A_835 = vector.extract_strided_slice %select_n3A_823 {offsets = [0, 768], sizes = [256, 128], strides = [1, 1]} : vector<256x4096xi32> to vector<256x128xi32>
    %max3A_836 = arith.maxsi %max3A_834, %slice3A_835 : vector<256x128xi32>
    %slice3A_837 = vector.extract_strided_slice %select_n3A_823 {offsets = [0, 896], sizes = [256, 128], strides = [1, 1]} : vector<256x4096xi32> to vector<256x128xi32>
    %max3A_838 = arith.maxsi %max3A_836, %slice3A_837 : vector<256x128xi32>
    %slice3A_839 = vector.extract_strided_slice %select_n3A_823 {offsets = [0, 1024], sizes = [256, 128], strides = [1, 1]} : vector<256x4096xi32> to vector<256x128xi32>
    %max3A_840 = arith.maxsi %max3A_838, %slice3A_839 : vector<256x128xi32>
    %slice3A_841 = vector.extract_strided_slice %select_n3A_823 {offsets = [0, 1152], sizes = [256, 128], strides = [1, 1]} : vector<256x4096xi32> to vector<256x128xi32>
    %max3A_842 = arith.maxsi %max3A_840, %slice3A_841 : vector<256x128xi32>
    %slice3A_843 = vector.extract_strided_slice %select_n3A_823 {offsets = [0, 1280], sizes = [256, 128], strides = [1, 1]} : vector<256x4096xi32> to vector<256x128xi32>
    %max3A_844 = arith.maxsi %max3A_842, %slice3A_843 : vector<256x128xi32>
    %slice3A_845 = vector.extract_strided_slice %select_n3A_823 {offsets = [0, 1408], sizes = [256, 128], strides = [1, 1]} : vector<256x4096xi32> to vector<256x128xi32>
    %max3A_846 = arith.maxsi %max3A_844, %slice3A_845 : vector<256x128xi32>
    %slice3A_847 = vector.extract_strided_slice %select_n3A_823 {offsets = [0, 1536], sizes = [256, 128], strides = [1, 1]} : vector<256x4096xi32> to vector<256x128xi32>
    %max3A_848 = arith.maxsi %max3A_846, %slice3A_847 : vector<256x128xi32>
    %slice3A_849 = vector.extract_strided_slice %select_n3A_823 {offsets = [0, 1664], sizes = [256, 128], strides = [1, 1]} : vector<256x4096xi32> to vector<256x128xi32>
    %max3A_850 = arith.maxsi %max3A_848, %slice3A_849 : vector<256x128xi32>
    %slice3A_851 = vector.extract_strided_slice %select_n3A_823 {offsets = [0, 1792], sizes = [256, 128], strides = [1, 1]} : vector<256x4096xi32> to vector<256x128xi32>
    %max3A_852 = arith.maxsi %max3A_850, %slice3A_851 : vector<256x128xi32>
    %slice3A_853 = vector.extract_strided_slice %select_n3A_823 {offsets = [0, 1920], sizes = [256, 128], strides = [1, 1]} : vector<256x4096xi32> to vector<256x128xi32>
    %max3A_854 = arith.maxsi %max3A_852, %slice3A_853 : vector<256x128xi32>
    %slice3A_855 = vector.extract_strided_slice %select_n3A_823 {offsets = [0, 2048], sizes = [256, 128], strides = [1, 1]} : vector<256x4096xi32> to vector<256x128xi32>
    %max3A_856 = arith.maxsi %max3A_854, %slice3A_855 : vector<256x128xi32>
    %slice3A_857 = vector.extract_strided_slice %select_n3A_823 {offsets = [0, 2176], sizes = [256, 128], strides = [1, 1]} : vector<256x4096xi32> to vector<256x128xi32>
    %max3A_858 = arith.maxsi %max3A_856, %slice3A_857 : vector<256x128xi32>
    %slice3A_859 = vector.extract_strided_slice %select_n3A_823 {offsets = [0, 2304], sizes = [256, 128], strides = [1, 1]} : vector<256x4096xi32> to vector<256x128xi32>
    %max3A_860 = arith.maxsi %max3A_858, %slice3A_859 : vector<256x128xi32>
    %slice3A_861 = vector.extract_strided_slice %select_n3A_823 {offsets = [0, 2432], sizes = [256, 128], strides = [1, 1]} : vector<256x4096xi32> to vector<256x128xi32>
    %max3A_862 = arith.maxsi %max3A_860, %slice3A_861 : vector<256x128xi32>
    %slice3A_863 = vector.extract_strided_slice %select_n3A_823 {offsets = [0, 2560], sizes = [256, 128], strides = [1, 1]} : vector<256x4096xi32> to vector<256x128xi32>
    %max3A_864 = arith.maxsi %max3A_862, %slice3A_863 : vector<256x128xi32>
    %slice3A_865 = vector.extract_strided_slice %select_n3A_823 {offsets = [0, 2688], sizes = [256, 128], strides = [1, 1]} : vector<256x4096xi32> to vector<256x128xi32>
    %max3A_866 = arith.maxsi %max3A_864, %slice3A_865 : vector<256x128xi32>
    %slice3A_867 = vector.extract_strided_slice %select_n3A_823 {offsets = [0, 2816], sizes = [256, 128], strides = [1, 1]} : vector<256x4096xi32> to vector<256x128xi32>
    %max3A_868 = arith.maxsi %max3A_866, %slice3A_867 : vector<256x128xi32>
    %slice3A_869 = vector.extract_strided_slice %select_n3A_823 {offsets = [0, 2944], sizes = [256, 128], strides = [1, 1]} : vector<256x4096xi32> to vector<256x128xi32>
    %max3A_870 = arith.maxsi %max3A_868, %slice3A_869 : vector<256x128xi32>
    %slice3A_871 = vector.extract_strided_slice %select_n3A_823 {offsets = [0, 3072], sizes = [256, 128], strides = [1, 1]} : vector<256x4096xi32> to vector<256x128xi32>
    %max3A_872 = arith.maxsi %max3A_870, %slice3A_871 : vector<256x128xi32>
    %slice3A_873 = vector.extract_strided_slice %select_n3A_823 {offsets = [0, 3200], sizes = [256, 128], strides = [1, 1]} : vector<256x4096xi32> to vector<256x128xi32>
    %max3A_874 = arith.maxsi %max3A_872, %slice3A_873 : vector<256x128xi32>
    %slice3A_875 = vector.extract_strided_slice %select_n3A_823 {offsets = [0, 3328], sizes = [256, 128], strides = [1, 1]} : vector<256x4096xi32> to vector<256x128xi32>
    %max3A_876 = arith.maxsi %max3A_874, %slice3A_875 : vector<256x128xi32>
    %slice3A_877 = vector.extract_strided_slice %select_n3A_823 {offsets = [0, 3456], sizes = [256, 128], strides = [1, 1]} : vector<256x4096xi32> to vector<256x128xi32>
    %max3A_878 = arith.maxsi %max3A_876, %slice3A_877 : vector<256x128xi32>
    %slice3A_879 = vector.extract_strided_slice %select_n3A_823 {offsets = [0, 3584], sizes = [256, 128], strides = [1, 1]} : vector<256x4096xi32> to vector<256x128xi32>
    %max3A_880 = arith.maxsi %max3A_878, %slice3A_879 : vector<256x128xi32>
    %slice3A_881 = vector.extract_strided_slice %select_n3A_823 {offsets = [0, 3712], sizes = [256, 128], strides = [1, 1]} : vector<256x4096xi32> to vector<256x128xi32>
    %max3A_882 = arith.maxsi %max3A_880, %slice3A_881 : vector<256x128xi32>
    %slice3A_883 = vector.extract_strided_slice %select_n3A_823 {offsets = [0, 3840], sizes = [256, 128], strides = [1, 1]} : vector<256x4096xi32> to vector<256x128xi32>
    %max3A_884 = arith.maxsi %max3A_882, %slice3A_883 : vector<256x128xi32>
    %slice3A_885 = vector.extract_strided_slice %select_n3A_823 {offsets = [0, 3968], sizes = [256, 128], strides = [1, 1]} : vector<256x4096xi32> to vector<256x128xi32>
    %max3A_886 = arith.maxsi %max3A_884, %slice3A_885 : vector<256x128xi32>
    %reduce_max3A_887 = arith.constant dense<-2147483648> : vector<256xi32>
    %reduce_max3A_888 = vector.multi_reduction <maxsi>, %max3A_886, %reduce_max3A_887 [1] : vector<256x128xi32> to vector<256xi32>
    %broadcast_in_dim3A_889 = vector.shape_cast %reduce_max3A_888 : vector<256xi32> to vector<256x1xi32>
    %and3A_890 = arith.constant 31 : i32
    %and3A_891 = vector.broadcast %and3A_890 : i32 to vector<256x1xi32>
    %and3A_892 = arith.andi %broadcast_in_dim3A_889, %and3A_891 : vector<256x1xi32>
    %sub3A_893 = arith.constant 31 : i32
    %sub3A_894 = vector.broadcast %sub3A_893 : i32 to vector<256x1xi32>
    %sub3A_895 = arith.subi %sub3A_894, %and3A_892 : vector<256x1xi32>
    %eq3A_896 = vector.broadcast %broadcast_in_dim3A_889 : vector<256x1xi32> to vector<256x128xi32>
    %eq3A_897 = arith.cmpi eq, %max3A_886, %eq3A_896 : vector<256x128xi32>
    %jit3A_898 = arith.constant 128 : i32
    %broadcast_in_dim3A_899 = vector.broadcast %jit3A_898 : i32 to vector<256x128xi32>
    %select_n3A_900 = arith.select %eq3A_897, %iota3A_28, %broadcast_in_dim3A_899 : vector<256x128xi1>, vector<256x128xi32>
    %reduce_min3A_901 = arith.constant dense<2147483647> : vector<256xi32>
    %reduce_min3A_902 = vector.multi_reduction <minsi>, %select_n3A_900, %reduce_min3A_901 [1] : vector<256x128xi32> to vector<256xi32>
    %broadcast_in_dim3A_903 = vector.shape_cast %reduce_min3A_902 : vector<256xi32> to vector<256x1xi32>
    %mul3A_904 = arith.constant 128 : i32
    %mul3A_905 = vector.broadcast %mul3A_904 : i32 to vector<256x1xi32>
    %mul3A_906 = arith.muli %sub3A_895, %mul3A_905 : vector<256x1xi32>
    %add3A_907 = arith.addi %mul3A_906, %broadcast_in_dim3A_903 : vector<256x1xi32>
    %eq3A_908 = vector.broadcast %add3A_907 : vector<256x1xi32> to vector<256x4096xi32>
    %eq3A_909 = arith.cmpi eq, %iota3A, %eq3A_908 : vector<256x4096xi32>
    %jit3A_910 = arith.constant -2147483648 : i32
    %broadcast_in_dim3A_911 = vector.broadcast %jit3A_910 : i32 to vector<256x4096xi32>
    %select_n3A_912 = arith.select %eq3A_909, %broadcast_in_dim3A_911, %select_n3A_823 : vector<256x4096xi1>, vector<256x4096xi32>
    %slice3A_913 = vector.extract_strided_slice %select_n3A_912 {offsets = [0, 0], sizes = [256, 128], strides = [1, 1]} : vector<256x4096xi32> to vector<256x128xi32>
    %slice3A_914 = vector.extract_strided_slice %select_n3A_912 {offsets = [0, 128], sizes = [256, 128], strides = [1, 1]} : vector<256x4096xi32> to vector<256x128xi32>
    %max3A_915 = arith.maxsi %slice3A_913, %slice3A_914 : vector<256x128xi32>
    %slice3A_916 = vector.extract_strided_slice %select_n3A_912 {offsets = [0, 256], sizes = [256, 128], strides = [1, 1]} : vector<256x4096xi32> to vector<256x128xi32>
    %max3A_917 = arith.maxsi %max3A_915, %slice3A_916 : vector<256x128xi32>
    %slice3A_918 = vector.extract_strided_slice %select_n3A_912 {offsets = [0, 384], sizes = [256, 128], strides = [1, 1]} : vector<256x4096xi32> to vector<256x128xi32>
    %max3A_919 = arith.maxsi %max3A_917, %slice3A_918 : vector<256x128xi32>
    %slice3A_920 = vector.extract_strided_slice %select_n3A_912 {offsets = [0, 512], sizes = [256, 128], strides = [1, 1]} : vector<256x4096xi32> to vector<256x128xi32>
    %max3A_921 = arith.maxsi %max3A_919, %slice3A_920 : vector<256x128xi32>
    %slice3A_922 = vector.extract_strided_slice %select_n3A_912 {offsets = [0, 640], sizes = [256, 128], strides = [1, 1]} : vector<256x4096xi32> to vector<256x128xi32>
    %max3A_923 = arith.maxsi %max3A_921, %slice3A_922 : vector<256x128xi32>
    %slice3A_924 = vector.extract_strided_slice %select_n3A_912 {offsets = [0, 768], sizes = [256, 128], strides = [1, 1]} : vector<256x4096xi32> to vector<256x128xi32>
    %max3A_925 = arith.maxsi %max3A_923, %slice3A_924 : vector<256x128xi32>
    %slice3A_926 = vector.extract_strided_slice %select_n3A_912 {offsets = [0, 896], sizes = [256, 128], strides = [1, 1]} : vector<256x4096xi32> to vector<256x128xi32>
    %max3A_927 = arith.maxsi %max3A_925, %slice3A_926 : vector<256x128xi32>
    %slice3A_928 = vector.extract_strided_slice %select_n3A_912 {offsets = [0, 1024], sizes = [256, 128], strides = [1, 1]} : vector<256x4096xi32> to vector<256x128xi32>
    %max3A_929 = arith.maxsi %max3A_927, %slice3A_928 : vector<256x128xi32>
    %slice3A_930 = vector.extract_strided_slice %select_n3A_912 {offsets = [0, 1152], sizes = [256, 128], strides = [1, 1]} : vector<256x4096xi32> to vector<256x128xi32>
    %max3A_931 = arith.maxsi %max3A_929, %slice3A_930 : vector<256x128xi32>
    %slice3A_932 = vector.extract_strided_slice %select_n3A_912 {offsets = [0, 1280], sizes = [256, 128], strides = [1, 1]} : vector<256x4096xi32> to vector<256x128xi32>
    %max3A_933 = arith.maxsi %max3A_931, %slice3A_932 : vector<256x128xi32>
    %slice3A_934 = vector.extract_strided_slice %select_n3A_912 {offsets = [0, 1408], sizes = [256, 128], strides = [1, 1]} : vector<256x4096xi32> to vector<256x128xi32>
    %max3A_935 = arith.maxsi %max3A_933, %slice3A_934 : vector<256x128xi32>
    %slice3A_936 = vector.extract_strided_slice %select_n3A_912 {offsets = [0, 1536], sizes = [256, 128], strides = [1, 1]} : vector<256x4096xi32> to vector<256x128xi32>
    %max3A_937 = arith.maxsi %max3A_935, %slice3A_936 : vector<256x128xi32>
    %slice3A_938 = vector.extract_strided_slice %select_n3A_912 {offsets = [0, 1664], sizes = [256, 128], strides = [1, 1]} : vector<256x4096xi32> to vector<256x128xi32>
    %max3A_939 = arith.maxsi %max3A_937, %slice3A_938 : vector<256x128xi32>
    %slice3A_940 = vector.extract_strided_slice %select_n3A_912 {offsets = [0, 1792], sizes = [256, 128], strides = [1, 1]} : vector<256x4096xi32> to vector<256x128xi32>
    %max3A_941 = arith.maxsi %max3A_939, %slice3A_940 : vector<256x128xi32>
    %slice3A_942 = vector.extract_strided_slice %select_n3A_912 {offsets = [0, 1920], sizes = [256, 128], strides = [1, 1]} : vector<256x4096xi32> to vector<256x128xi32>
    %max3A_943 = arith.maxsi %max3A_941, %slice3A_942 : vector<256x128xi32>
    %slice3A_944 = vector.extract_strided_slice %select_n3A_912 {offsets = [0, 2048], sizes = [256, 128], strides = [1, 1]} : vector<256x4096xi32> to vector<256x128xi32>
    %max3A_945 = arith.maxsi %max3A_943, %slice3A_944 : vector<256x128xi32>
    %slice3A_946 = vector.extract_strided_slice %select_n3A_912 {offsets = [0, 2176], sizes = [256, 128], strides = [1, 1]} : vector<256x4096xi32> to vector<256x128xi32>
    %max3A_947 = arith.maxsi %max3A_945, %slice3A_946 : vector<256x128xi32>
    %slice3A_948 = vector.extract_strided_slice %select_n3A_912 {offsets = [0, 2304], sizes = [256, 128], strides = [1, 1]} : vector<256x4096xi32> to vector<256x128xi32>
    %max3A_949 = arith.maxsi %max3A_947, %slice3A_948 : vector<256x128xi32>
    %slice3A_950 = vector.extract_strided_slice %select_n3A_912 {offsets = [0, 2432], sizes = [256, 128], strides = [1, 1]} : vector<256x4096xi32> to vector<256x128xi32>
    %max3A_951 = arith.maxsi %max3A_949, %slice3A_950 : vector<256x128xi32>
    %slice3A_952 = vector.extract_strided_slice %select_n3A_912 {offsets = [0, 2560], sizes = [256, 128], strides = [1, 1]} : vector<256x4096xi32> to vector<256x128xi32>
    %max3A_953 = arith.maxsi %max3A_951, %slice3A_952 : vector<256x128xi32>
    %slice3A_954 = vector.extract_strided_slice %select_n3A_912 {offsets = [0, 2688], sizes = [256, 128], strides = [1, 1]} : vector<256x4096xi32> to vector<256x128xi32>
    %max3A_955 = arith.maxsi %max3A_953, %slice3A_954 : vector<256x128xi32>
    %slice3A_956 = vector.extract_strided_slice %select_n3A_912 {offsets = [0, 2816], sizes = [256, 128], strides = [1, 1]} : vector<256x4096xi32> to vector<256x128xi32>
    %max3A_957 = arith.maxsi %max3A_955, %slice3A_956 : vector<256x128xi32>
    %slice3A_958 = vector.extract_strided_slice %select_n3A_912 {offsets = [0, 2944], sizes = [256, 128], strides = [1, 1]} : vector<256x4096xi32> to vector<256x128xi32>
    %max3A_959 = arith.maxsi %max3A_957, %slice3A_958 : vector<256x128xi32>
    %slice3A_960 = vector.extract_strided_slice %select_n3A_912 {offsets = [0, 3072], sizes = [256, 128], strides = [1, 1]} : vector<256x4096xi32> to vector<256x128xi32>
    %max3A_961 = arith.maxsi %max3A_959, %slice3A_960 : vector<256x128xi32>
    %slice3A_962 = vector.extract_strided_slice %select_n3A_912 {offsets = [0, 3200], sizes = [256, 128], strides = [1, 1]} : vector<256x4096xi32> to vector<256x128xi32>
    %max3A_963 = arith.maxsi %max3A_961, %slice3A_962 : vector<256x128xi32>
    %slice3A_964 = vector.extract_strided_slice %select_n3A_912 {offsets = [0, 3328], sizes = [256, 128], strides = [1, 1]} : vector<256x4096xi32> to vector<256x128xi32>
    %max3A_965 = arith.maxsi %max3A_963, %slice3A_964 : vector<256x128xi32>
    %slice3A_966 = vector.extract_strided_slice %select_n3A_912 {offsets = [0, 3456], sizes = [256, 128], strides = [1, 1]} : vector<256x4096xi32> to vector<256x128xi32>
    %max3A_967 = arith.maxsi %max3A_965, %slice3A_966 : vector<256x128xi32>
    %slice3A_968 = vector.extract_strided_slice %select_n3A_912 {offsets = [0, 3584], sizes = [256, 128], strides = [1, 1]} : vector<256x4096xi32> to vector<256x128xi32>
    %max3A_969 = arith.maxsi %max3A_967, %slice3A_968 : vector<256x128xi32>
    %slice3A_970 = vector.extract_strided_slice %select_n3A_912 {offsets = [0, 3712], sizes = [256, 128], strides = [1, 1]} : vector<256x4096xi32> to vector<256x128xi32>
    %max3A_971 = arith.maxsi %max3A_969, %slice3A_970 : vector<256x128xi32>
    %slice3A_972 = vector.extract_strided_slice %select_n3A_912 {offsets = [0, 3840], sizes = [256, 128], strides = [1, 1]} : vector<256x4096xi32> to vector<256x128xi32>
    %max3A_973 = arith.maxsi %max3A_971, %slice3A_972 : vector<256x128xi32>
    %slice3A_974 = vector.extract_strided_slice %select_n3A_912 {offsets = [0, 3968], sizes = [256, 128], strides = [1, 1]} : vector<256x4096xi32> to vector<256x128xi32>
    %max3A_975 = arith.maxsi %max3A_973, %slice3A_974 : vector<256x128xi32>
    %reduce_max3A_976 = arith.constant dense<-2147483648> : vector<256xi32>
    %reduce_max3A_977 = vector.multi_reduction <maxsi>, %max3A_975, %reduce_max3A_976 [1] : vector<256x128xi32> to vector<256xi32>
    %broadcast_in_dim3A_978 = vector.shape_cast %reduce_max3A_977 : vector<256xi32> to vector<256x1xi32>
    %and3A_979 = arith.constant 31 : i32
    %and3A_980 = vector.broadcast %and3A_979 : i32 to vector<256x1xi32>
    %and3A_981 = arith.andi %broadcast_in_dim3A_978, %and3A_980 : vector<256x1xi32>
    %sub3A_982 = arith.constant 31 : i32
    %sub3A_983 = vector.broadcast %sub3A_982 : i32 to vector<256x1xi32>
    %sub3A_984 = arith.subi %sub3A_983, %and3A_981 : vector<256x1xi32>
    %eq3A_985 = vector.broadcast %broadcast_in_dim3A_978 : vector<256x1xi32> to vector<256x128xi32>
    %eq3A_986 = arith.cmpi eq, %max3A_975, %eq3A_985 : vector<256x128xi32>
    %jit3A_987 = arith.constant 128 : i32
    %broadcast_in_dim3A_988 = vector.broadcast %jit3A_987 : i32 to vector<256x128xi32>
    %select_n3A_989 = arith.select %eq3A_986, %iota3A_28, %broadcast_in_dim3A_988 : vector<256x128xi1>, vector<256x128xi32>
    %reduce_min3A_990 = arith.constant dense<2147483647> : vector<256xi32>
    %reduce_min3A_991 = vector.multi_reduction <minsi>, %select_n3A_989, %reduce_min3A_990 [1] : vector<256x128xi32> to vector<256xi32>
    %broadcast_in_dim3A_992 = vector.shape_cast %reduce_min3A_991 : vector<256xi32> to vector<256x1xi32>
    %mul3A_993 = arith.constant 128 : i32
    %mul3A_994 = vector.broadcast %mul3A_993 : i32 to vector<256x1xi32>
    %mul3A_995 = arith.muli %sub3A_984, %mul3A_994 : vector<256x1xi32>
    %add3A_996 = arith.addi %mul3A_995, %broadcast_in_dim3A_992 : vector<256x1xi32>
    %eq3A_997 = vector.broadcast %add3A_996 : vector<256x1xi32> to vector<256x4096xi32>
    %eq3A_998 = arith.cmpi eq, %iota3A, %eq3A_997 : vector<256x4096xi32>
    %jit3A_999 = arith.constant -2147483648 : i32
    %broadcast_in_dim3A_1000 = vector.broadcast %jit3A_999 : i32 to vector<256x4096xi32>
    %select_n3A_1001 = arith.select %eq3A_998, %broadcast_in_dim3A_1000, %select_n3A_912 : vector<256x4096xi1>, vector<256x4096xi32>
    %slice3A_1002 = vector.extract_strided_slice %select_n3A_1001 {offsets = [0, 0], sizes = [256, 128], strides = [1, 1]} : vector<256x4096xi32> to vector<256x128xi32>
    %slice3A_1003 = vector.extract_strided_slice %select_n3A_1001 {offsets = [0, 128], sizes = [256, 128], strides = [1, 1]} : vector<256x4096xi32> to vector<256x128xi32>
    %max3A_1004 = arith.maxsi %slice3A_1002, %slice3A_1003 : vector<256x128xi32>
    %slice3A_1005 = vector.extract_strided_slice %select_n3A_1001 {offsets = [0, 256], sizes = [256, 128], strides = [1, 1]} : vector<256x4096xi32> to vector<256x128xi32>
    %max3A_1006 = arith.maxsi %max3A_1004, %slice3A_1005 : vector<256x128xi32>
    %slice3A_1007 = vector.extract_strided_slice %select_n3A_1001 {offsets = [0, 384], sizes = [256, 128], strides = [1, 1]} : vector<256x4096xi32> to vector<256x128xi32>
    %max3A_1008 = arith.maxsi %max3A_1006, %slice3A_1007 : vector<256x128xi32>
    %slice3A_1009 = vector.extract_strided_slice %select_n3A_1001 {offsets = [0, 512], sizes = [256, 128], strides = [1, 1]} : vector<256x4096xi32> to vector<256x128xi32>
    %max3A_1010 = arith.maxsi %max3A_1008, %slice3A_1009 : vector<256x128xi32>
    %slice3A_1011 = vector.extract_strided_slice %select_n3A_1001 {offsets = [0, 640], sizes = [256, 128], strides = [1, 1]} : vector<256x4096xi32> to vector<256x128xi32>
    %max3A_1012 = arith.maxsi %max3A_1010, %slice3A_1011 : vector<256x128xi32>
    %slice3A_1013 = vector.extract_strided_slice %select_n3A_1001 {offsets = [0, 768], sizes = [256, 128], strides = [1, 1]} : vector<256x4096xi32> to vector<256x128xi32>
    %max3A_1014 = arith.maxsi %max3A_1012, %slice3A_1013 : vector<256x128xi32>
    %slice3A_1015 = vector.extract_strided_slice %select_n3A_1001 {offsets = [0, 896], sizes = [256, 128], strides = [1, 1]} : vector<256x4096xi32> to vector<256x128xi32>
    %max3A_1016 = arith.maxsi %max3A_1014, %slice3A_1015 : vector<256x128xi32>
    %slice3A_1017 = vector.extract_strided_slice %select_n3A_1001 {offsets = [0, 1024], sizes = [256, 128], strides = [1, 1]} : vector<256x4096xi32> to vector<256x128xi32>
    %max3A_1018 = arith.maxsi %max3A_1016, %slice3A_1017 : vector<256x128xi32>
    %slice3A_1019 = vector.extract_strided_slice %select_n3A_1001 {offsets = [0, 1152], sizes = [256, 128], strides = [1, 1]} : vector<256x4096xi32> to vector<256x128xi32>
    %max3A_1020 = arith.maxsi %max3A_1018, %slice3A_1019 : vector<256x128xi32>
    %slice3A_1021 = vector.extract_strided_slice %select_n3A_1001 {offsets = [0, 1280], sizes = [256, 128], strides = [1, 1]} : vector<256x4096xi32> to vector<256x128xi32>
    %max3A_1022 = arith.maxsi %max3A_1020, %slice3A_1021 : vector<256x128xi32>
    %slice3A_1023 = vector.extract_strided_slice %select_n3A_1001 {offsets = [0, 1408], sizes = [256, 128], strides = [1, 1]} : vector<256x4096xi32> to vector<256x128xi32>
    %max3A_1024 = arith.maxsi %max3A_1022, %slice3A_1023 : vector<256x128xi32>
    %slice3A_1025 = vector.extract_strided_slice %select_n3A_1001 {offsets = [0, 1536], sizes = [256, 128], strides = [1, 1]} : vector<256x4096xi32> to vector<256x128xi32>
    %max3A_1026 = arith.maxsi %max3A_1024, %slice3A_1025 : vector<256x128xi32>
    %slice3A_1027 = vector.extract_strided_slice %select_n3A_1001 {offsets = [0, 1664], sizes = [256, 128], strides = [1, 1]} : vector<256x4096xi32> to vector<256x128xi32>
    %max3A_1028 = arith.maxsi %max3A_1026, %slice3A_1027 : vector<256x128xi32>
    %slice3A_1029 = vector.extract_strided_slice %select_n3A_1001 {offsets = [0, 1792], sizes = [256, 128], strides = [1, 1]} : vector<256x4096xi32> to vector<256x128xi32>
    %max3A_1030 = arith.maxsi %max3A_1028, %slice3A_1029 : vector<256x128xi32>
    %slice3A_1031 = vector.extract_strided_slice %select_n3A_1001 {offsets = [0, 1920], sizes = [256, 128], strides = [1, 1]} : vector<256x4096xi32> to vector<256x128xi32>
    %max3A_1032 = arith.maxsi %max3A_1030, %slice3A_1031 : vector<256x128xi32>
    %slice3A_1033 = vector.extract_strided_slice %select_n3A_1001 {offsets = [0, 2048], sizes = [256, 128], strides = [1, 1]} : vector<256x4096xi32> to vector<256x128xi32>
    %max3A_1034 = arith.maxsi %max3A_1032, %slice3A_1033 : vector<256x128xi32>
    %slice3A_1035 = vector.extract_strided_slice %select_n3A_1001 {offsets = [0, 2176], sizes = [256, 128], strides = [1, 1]} : vector<256x4096xi32> to vector<256x128xi32>
    %max3A_1036 = arith.maxsi %max3A_1034, %slice3A_1035 : vector<256x128xi32>
    %slice3A_1037 = vector.extract_strided_slice %select_n3A_1001 {offsets = [0, 2304], sizes = [256, 128], strides = [1, 1]} : vector<256x4096xi32> to vector<256x128xi32>
    %max3A_1038 = arith.maxsi %max3A_1036, %slice3A_1037 : vector<256x128xi32>
    %slice3A_1039 = vector.extract_strided_slice %select_n3A_1001 {offsets = [0, 2432], sizes = [256, 128], strides = [1, 1]} : vector<256x4096xi32> to vector<256x128xi32>
    %max3A_1040 = arith.maxsi %max3A_1038, %slice3A_1039 : vector<256x128xi32>
    %slice3A_1041 = vector.extract_strided_slice %select_n3A_1001 {offsets = [0, 2560], sizes = [256, 128], strides = [1, 1]} : vector<256x4096xi32> to vector<256x128xi32>
    %max3A_1042 = arith.maxsi %max3A_1040, %slice3A_1041 : vector<256x128xi32>
    %slice3A_1043 = vector.extract_strided_slice %select_n3A_1001 {offsets = [0, 2688], sizes = [256, 128], strides = [1, 1]} : vector<256x4096xi32> to vector<256x128xi32>
    %max3A_1044 = arith.maxsi %max3A_1042, %slice3A_1043 : vector<256x128xi32>
    %slice3A_1045 = vector.extract_strided_slice %select_n3A_1001 {offsets = [0, 2816], sizes = [256, 128], strides = [1, 1]} : vector<256x4096xi32> to vector<256x128xi32>
    %max3A_1046 = arith.maxsi %max3A_1044, %slice3A_1045 : vector<256x128xi32>
    %slice3A_1047 = vector.extract_strided_slice %select_n3A_1001 {offsets = [0, 2944], sizes = [256, 128], strides = [1, 1]} : vector<256x4096xi32> to vector<256x128xi32>
    %max3A_1048 = arith.maxsi %max3A_1046, %slice3A_1047 : vector<256x128xi32>
    %slice3A_1049 = vector.extract_strided_slice %select_n3A_1001 {offsets = [0, 3072], sizes = [256, 128], strides = [1, 1]} : vector<256x4096xi32> to vector<256x128xi32>
    %max3A_1050 = arith.maxsi %max3A_1048, %slice3A_1049 : vector<256x128xi32>
    %slice3A_1051 = vector.extract_strided_slice %select_n3A_1001 {offsets = [0, 3200], sizes = [256, 128], strides = [1, 1]} : vector<256x4096xi32> to vector<256x128xi32>
    %max3A_1052 = arith.maxsi %max3A_1050, %slice3A_1051 : vector<256x128xi32>
    %slice3A_1053 = vector.extract_strided_slice %select_n3A_1001 {offsets = [0, 3328], sizes = [256, 128], strides = [1, 1]} : vector<256x4096xi32> to vector<256x128xi32>
    %max3A_1054 = arith.maxsi %max3A_1052, %slice3A_1053 : vector<256x128xi32>
    %slice3A_1055 = vector.extract_strided_slice %select_n3A_1001 {offsets = [0, 3456], sizes = [256, 128], strides = [1, 1]} : vector<256x4096xi32> to vector<256x128xi32>
    %max3A_1056 = arith.maxsi %max3A_1054, %slice3A_1055 : vector<256x128xi32>
    %slice3A_1057 = vector.extract_strided_slice %select_n3A_1001 {offsets = [0, 3584], sizes = [256, 128], strides = [1, 1]} : vector<256x4096xi32> to vector<256x128xi32>
    %max3A_1058 = arith.maxsi %max3A_1056, %slice3A_1057 : vector<256x128xi32>
    %slice3A_1059 = vector.extract_strided_slice %select_n3A_1001 {offsets = [0, 3712], sizes = [256, 128], strides = [1, 1]} : vector<256x4096xi32> to vector<256x128xi32>
    %max3A_1060 = arith.maxsi %max3A_1058, %slice3A_1059 : vector<256x128xi32>
    %slice3A_1061 = vector.extract_strided_slice %select_n3A_1001 {offsets = [0, 3840], sizes = [256, 128], strides = [1, 1]} : vector<256x4096xi32> to vector<256x128xi32>
    %max3A_1062 = arith.maxsi %max3A_1060, %slice3A_1061 : vector<256x128xi32>
    %slice3A_1063 = vector.extract_strided_slice %select_n3A_1001 {offsets = [0, 3968], sizes = [256, 128], strides = [1, 1]} : vector<256x4096xi32> to vector<256x128xi32>
    %max3A_1064 = arith.maxsi %max3A_1062, %slice3A_1063 : vector<256x128xi32>
    %reduce_max3A_1065 = arith.constant dense<-2147483648> : vector<256xi32>
    %reduce_max3A_1066 = vector.multi_reduction <maxsi>, %max3A_1064, %reduce_max3A_1065 [1] : vector<256x128xi32> to vector<256xi32>
    %broadcast_in_dim3A_1067 = vector.shape_cast %reduce_max3A_1066 : vector<256xi32> to vector<256x1xi32>
    %and3A_1068 = arith.constant 31 : i32
    %and3A_1069 = vector.broadcast %and3A_1068 : i32 to vector<256x1xi32>
    %and3A_1070 = arith.andi %broadcast_in_dim3A_1067, %and3A_1069 : vector<256x1xi32>
    %sub3A_1071 = arith.constant 31 : i32
    %sub3A_1072 = vector.broadcast %sub3A_1071 : i32 to vector<256x1xi32>
    %sub3A_1073 = arith.subi %sub3A_1072, %and3A_1070 : vector<256x1xi32>
    %eq3A_1074 = vector.broadcast %broadcast_in_dim3A_1067 : vector<256x1xi32> to vector<256x128xi32>
    %eq3A_1075 = arith.cmpi eq, %max3A_1064, %eq3A_1074 : vector<256x128xi32>
    %jit3A_1076 = arith.constant 128 : i32
    %broadcast_in_dim3A_1077 = vector.broadcast %jit3A_1076 : i32 to vector<256x128xi32>
    %select_n3A_1078 = arith.select %eq3A_1075, %iota3A_28, %broadcast_in_dim3A_1077 : vector<256x128xi1>, vector<256x128xi32>
    %reduce_min3A_1079 = arith.constant dense<2147483647> : vector<256xi32>
    %reduce_min3A_1080 = vector.multi_reduction <minsi>, %select_n3A_1078, %reduce_min3A_1079 [1] : vector<256x128xi32> to vector<256xi32>
    %broadcast_in_dim3A_1081 = vector.shape_cast %reduce_min3A_1080 : vector<256xi32> to vector<256x1xi32>
    %mul3A_1082 = arith.constant 128 : i32
    %mul3A_1083 = vector.broadcast %mul3A_1082 : i32 to vector<256x1xi32>
    %mul3A_1084 = arith.muli %sub3A_1073, %mul3A_1083 : vector<256x1xi32>
    %add3A_1085 = arith.addi %mul3A_1084, %broadcast_in_dim3A_1081 : vector<256x1xi32>
    %eq3A_1086 = vector.broadcast %add3A_1085 : vector<256x1xi32> to vector<256x4096xi32>
    %eq3A_1087 = arith.cmpi eq, %iota3A, %eq3A_1086 : vector<256x4096xi32>
    %jit3A_1088 = arith.constant -2147483648 : i32
    %broadcast_in_dim3A_1089 = vector.broadcast %jit3A_1088 : i32 to vector<256x4096xi32>
    %select_n3A_1090 = arith.select %eq3A_1087, %broadcast_in_dim3A_1089, %select_n3A_1001 : vector<256x4096xi1>, vector<256x4096xi32>
    %slice3A_1091 = vector.extract_strided_slice %select_n3A_1090 {offsets = [0, 0], sizes = [256, 128], strides = [1, 1]} : vector<256x4096xi32> to vector<256x128xi32>
    %slice3A_1092 = vector.extract_strided_slice %select_n3A_1090 {offsets = [0, 128], sizes = [256, 128], strides = [1, 1]} : vector<256x4096xi32> to vector<256x128xi32>
    %max3A_1093 = arith.maxsi %slice3A_1091, %slice3A_1092 : vector<256x128xi32>
    %slice3A_1094 = vector.extract_strided_slice %select_n3A_1090 {offsets = [0, 256], sizes = [256, 128], strides = [1, 1]} : vector<256x4096xi32> to vector<256x128xi32>
    %max3A_1095 = arith.maxsi %max3A_1093, %slice3A_1094 : vector<256x128xi32>
    %slice3A_1096 = vector.extract_strided_slice %select_n3A_1090 {offsets = [0, 384], sizes = [256, 128], strides = [1, 1]} : vector<256x4096xi32> to vector<256x128xi32>
    %max3A_1097 = arith.maxsi %max3A_1095, %slice3A_1096 : vector<256x128xi32>
    %slice3A_1098 = vector.extract_strided_slice %select_n3A_1090 {offsets = [0, 512], sizes = [256, 128], strides = [1, 1]} : vector<256x4096xi32> to vector<256x128xi32>
    %max3A_1099 = arith.maxsi %max3A_1097, %slice3A_1098 : vector<256x128xi32>
    %slice3A_1100 = vector.extract_strided_slice %select_n3A_1090 {offsets = [0, 640], sizes = [256, 128], strides = [1, 1]} : vector<256x4096xi32> to vector<256x128xi32>
    %max3A_1101 = arith.maxsi %max3A_1099, %slice3A_1100 : vector<256x128xi32>
    %slice3A_1102 = vector.extract_strided_slice %select_n3A_1090 {offsets = [0, 768], sizes = [256, 128], strides = [1, 1]} : vector<256x4096xi32> to vector<256x128xi32>
    %max3A_1103 = arith.maxsi %max3A_1101, %slice3A_1102 : vector<256x128xi32>
    %slice3A_1104 = vector.extract_strided_slice %select_n3A_1090 {offsets = [0, 896], sizes = [256, 128], strides = [1, 1]} : vector<256x4096xi32> to vector<256x128xi32>
    %max3A_1105 = arith.maxsi %max3A_1103, %slice3A_1104 : vector<256x128xi32>
    %slice3A_1106 = vector.extract_strided_slice %select_n3A_1090 {offsets = [0, 1024], sizes = [256, 128], strides = [1, 1]} : vector<256x4096xi32> to vector<256x128xi32>
    %max3A_1107 = arith.maxsi %max3A_1105, %slice3A_1106 : vector<256x128xi32>
    %slice3A_1108 = vector.extract_strided_slice %select_n3A_1090 {offsets = [0, 1152], sizes = [256, 128], strides = [1, 1]} : vector<256x4096xi32> to vector<256x128xi32>
    %max3A_1109 = arith.maxsi %max3A_1107, %slice3A_1108 : vector<256x128xi32>
    %slice3A_1110 = vector.extract_strided_slice %select_n3A_1090 {offsets = [0, 1280], sizes = [256, 128], strides = [1, 1]} : vector<256x4096xi32> to vector<256x128xi32>
    %max3A_1111 = arith.maxsi %max3A_1109, %slice3A_1110 : vector<256x128xi32>
    %slice3A_1112 = vector.extract_strided_slice %select_n3A_1090 {offsets = [0, 1408], sizes = [256, 128], strides = [1, 1]} : vector<256x4096xi32> to vector<256x128xi32>
    %max3A_1113 = arith.maxsi %max3A_1111, %slice3A_1112 : vector<256x128xi32>
    %slice3A_1114 = vector.extract_strided_slice %select_n3A_1090 {offsets = [0, 1536], sizes = [256, 128], strides = [1, 1]} : vector<256x4096xi32> to vector<256x128xi32>
    %max3A_1115 = arith.maxsi %max3A_1113, %slice3A_1114 : vector<256x128xi32>
    %slice3A_1116 = vector.extract_strided_slice %select_n3A_1090 {offsets = [0, 1664], sizes = [256, 128], strides = [1, 1]} : vector<256x4096xi32> to vector<256x128xi32>
    %max3A_1117 = arith.maxsi %max3A_1115, %slice3A_1116 : vector<256x128xi32>
    %slice3A_1118 = vector.extract_strided_slice %select_n3A_1090 {offsets = [0, 1792], sizes = [256, 128], strides = [1, 1]} : vector<256x4096xi32> to vector<256x128xi32>
    %max3A_1119 = arith.maxsi %max3A_1117, %slice3A_1118 : vector<256x128xi32>
    %slice3A_1120 = vector.extract_strided_slice %select_n3A_1090 {offsets = [0, 1920], sizes = [256, 128], strides = [1, 1]} : vector<256x4096xi32> to vector<256x128xi32>
    %max3A_1121 = arith.maxsi %max3A_1119, %slice3A_1120 : vector<256x128xi32>
    %slice3A_1122 = vector.extract_strided_slice %select_n3A_1090 {offsets = [0, 2048], sizes = [256, 128], strides = [1, 1]} : vector<256x4096xi32> to vector<256x128xi32>
    %max3A_1123 = arith.maxsi %max3A_1121, %slice3A_1122 : vector<256x128xi32>
    %slice3A_1124 = vector.extract_strided_slice %select_n3A_1090 {offsets = [0, 2176], sizes = [256, 128], strides = [1, 1]} : vector<256x4096xi32> to vector<256x128xi32>
    %max3A_1125 = arith.maxsi %max3A_1123, %slice3A_1124 : vector<256x128xi32>
    %slice3A_1126 = vector.extract_strided_slice %select_n3A_1090 {offsets = [0, 2304], sizes = [256, 128], strides = [1, 1]} : vector<256x4096xi32> to vector<256x128xi32>
    %max3A_1127 = arith.maxsi %max3A_1125, %slice3A_1126 : vector<256x128xi32>
    %slice3A_1128 = vector.extract_strided_slice %select_n3A_1090 {offsets = [0, 2432], sizes = [256, 128], strides = [1, 1]} : vector<256x4096xi32> to vector<256x128xi32>
    %max3A_1129 = arith.maxsi %max3A_1127, %slice3A_1128 : vector<256x128xi32>
    %slice3A_1130 = vector.extract_strided_slice %select_n3A_1090 {offsets = [0, 2560], sizes = [256, 128], strides = [1, 1]} : vector<256x4096xi32> to vector<256x128xi32>
    %max3A_1131 = arith.maxsi %max3A_1129, %slice3A_1130 : vector<256x128xi32>
    %slice3A_1132 = vector.extract_strided_slice %select_n3A_1090 {offsets = [0, 2688], sizes = [256, 128], strides = [1, 1]} : vector<256x4096xi32> to vector<256x128xi32>
    %max3A_1133 = arith.maxsi %max3A_1131, %slice3A_1132 : vector<256x128xi32>
    %slice3A_1134 = vector.extract_strided_slice %select_n3A_1090 {offsets = [0, 2816], sizes = [256, 128], strides = [1, 1]} : vector<256x4096xi32> to vector<256x128xi32>
    %max3A_1135 = arith.maxsi %max3A_1133, %slice3A_1134 : vector<256x128xi32>
    %slice3A_1136 = vector.extract_strided_slice %select_n3A_1090 {offsets = [0, 2944], sizes = [256, 128], strides = [1, 1]} : vector<256x4096xi32> to vector<256x128xi32>
    %max3A_1137 = arith.maxsi %max3A_1135, %slice3A_1136 : vector<256x128xi32>
    %slice3A_1138 = vector.extract_strided_slice %select_n3A_1090 {offsets = [0, 3072], sizes = [256, 128], strides = [1, 1]} : vector<256x4096xi32> to vector<256x128xi32>
    %max3A_1139 = arith.maxsi %max3A_1137, %slice3A_1138 : vector<256x128xi32>
    %slice3A_1140 = vector.extract_strided_slice %select_n3A_1090 {offsets = [0, 3200], sizes = [256, 128], strides = [1, 1]} : vector<256x4096xi32> to vector<256x128xi32>
    %max3A_1141 = arith.maxsi %max3A_1139, %slice3A_1140 : vector<256x128xi32>
    %slice3A_1142 = vector.extract_strided_slice %select_n3A_1090 {offsets = [0, 3328], sizes = [256, 128], strides = [1, 1]} : vector<256x4096xi32> to vector<256x128xi32>
    %max3A_1143 = arith.maxsi %max3A_1141, %slice3A_1142 : vector<256x128xi32>
    %slice3A_1144 = vector.extract_strided_slice %select_n3A_1090 {offsets = [0, 3456], sizes = [256, 128], strides = [1, 1]} : vector<256x4096xi32> to vector<256x128xi32>
    %max3A_1145 = arith.maxsi %max3A_1143, %slice3A_1144 : vector<256x128xi32>
    %slice3A_1146 = vector.extract_strided_slice %select_n3A_1090 {offsets = [0, 3584], sizes = [256, 128], strides = [1, 1]} : vector<256x4096xi32> to vector<256x128xi32>
    %max3A_1147 = arith.maxsi %max3A_1145, %slice3A_1146 : vector<256x128xi32>
    %slice3A_1148 = vector.extract_strided_slice %select_n3A_1090 {offsets = [0, 3712], sizes = [256, 128], strides = [1, 1]} : vector<256x4096xi32> to vector<256x128xi32>
    %max3A_1149 = arith.maxsi %max3A_1147, %slice3A_1148 : vector<256x128xi32>
    %slice3A_1150 = vector.extract_strided_slice %select_n3A_1090 {offsets = [0, 3840], sizes = [256, 128], strides = [1, 1]} : vector<256x4096xi32> to vector<256x128xi32>
    %max3A_1151 = arith.maxsi %max3A_1149, %slice3A_1150 : vector<256x128xi32>
    %slice3A_1152 = vector.extract_strided_slice %select_n3A_1090 {offsets = [0, 3968], sizes = [256, 128], strides = [1, 1]} : vector<256x4096xi32> to vector<256x128xi32>
    %max3A_1153 = arith.maxsi %max3A_1151, %slice3A_1152 : vector<256x128xi32>
    %reduce_max3A_1154 = arith.constant dense<-2147483648> : vector<256xi32>
    %reduce_max3A_1155 = vector.multi_reduction <maxsi>, %max3A_1153, %reduce_max3A_1154 [1] : vector<256x128xi32> to vector<256xi32>
    %broadcast_in_dim3A_1156 = vector.shape_cast %reduce_max3A_1155 : vector<256xi32> to vector<256x1xi32>
    %and3A_1157 = arith.constant 31 : i32
    %and3A_1158 = vector.broadcast %and3A_1157 : i32 to vector<256x1xi32>
    %and3A_1159 = arith.andi %broadcast_in_dim3A_1156, %and3A_1158 : vector<256x1xi32>
    %sub3A_1160 = arith.constant 31 : i32
    %sub3A_1161 = vector.broadcast %sub3A_1160 : i32 to vector<256x1xi32>
    %sub3A_1162 = arith.subi %sub3A_1161, %and3A_1159 : vector<256x1xi32>
    %eq3A_1163 = vector.broadcast %broadcast_in_dim3A_1156 : vector<256x1xi32> to vector<256x128xi32>
    %eq3A_1164 = arith.cmpi eq, %max3A_1153, %eq3A_1163 : vector<256x128xi32>
    %jit3A_1165 = arith.constant 128 : i32
    %broadcast_in_dim3A_1166 = vector.broadcast %jit3A_1165 : i32 to vector<256x128xi32>
    %select_n3A_1167 = arith.select %eq3A_1164, %iota3A_28, %broadcast_in_dim3A_1166 : vector<256x128xi1>, vector<256x128xi32>
    %reduce_min3A_1168 = arith.constant dense<2147483647> : vector<256xi32>
    %reduce_min3A_1169 = vector.multi_reduction <minsi>, %select_n3A_1167, %reduce_min3A_1168 [1] : vector<256x128xi32> to vector<256xi32>
    %broadcast_in_dim3A_1170 = vector.shape_cast %reduce_min3A_1169 : vector<256xi32> to vector<256x1xi32>
    %mul3A_1171 = arith.constant 128 : i32
    %mul3A_1172 = vector.broadcast %mul3A_1171 : i32 to vector<256x1xi32>
    %mul3A_1173 = arith.muli %sub3A_1162, %mul3A_1172 : vector<256x1xi32>
    %add3A_1174 = arith.addi %mul3A_1173, %broadcast_in_dim3A_1170 : vector<256x1xi32>
    %eq3A_1175 = vector.broadcast %add3A_1174 : vector<256x1xi32> to vector<256x4096xi32>
    %eq3A_1176 = arith.cmpi eq, %iota3A, %eq3A_1175 : vector<256x4096xi32>
    %jit3A_1177 = arith.constant -2147483648 : i32
    %broadcast_in_dim3A_1178 = vector.broadcast %jit3A_1177 : i32 to vector<256x4096xi32>
    %select_n3A_1179 = arith.select %eq3A_1176, %broadcast_in_dim3A_1178, %select_n3A_1090 : vector<256x4096xi1>, vector<256x4096xi32>
    %slice3A_1180 = vector.extract_strided_slice %select_n3A_1179 {offsets = [0, 0], sizes = [256, 128], strides = [1, 1]} : vector<256x4096xi32> to vector<256x128xi32>
    %slice3A_1181 = vector.extract_strided_slice %select_n3A_1179 {offsets = [0, 128], sizes = [256, 128], strides = [1, 1]} : vector<256x4096xi32> to vector<256x128xi32>
    %max3A_1182 = arith.maxsi %slice3A_1180, %slice3A_1181 : vector<256x128xi32>
    %slice3A_1183 = vector.extract_strided_slice %select_n3A_1179 {offsets = [0, 256], sizes = [256, 128], strides = [1, 1]} : vector<256x4096xi32> to vector<256x128xi32>
    %max3A_1184 = arith.maxsi %max3A_1182, %slice3A_1183 : vector<256x128xi32>
    %slice3A_1185 = vector.extract_strided_slice %select_n3A_1179 {offsets = [0, 384], sizes = [256, 128], strides = [1, 1]} : vector<256x4096xi32> to vector<256x128xi32>
    %max3A_1186 = arith.maxsi %max3A_1184, %slice3A_1185 : vector<256x128xi32>
    %slice3A_1187 = vector.extract_strided_slice %select_n3A_1179 {offsets = [0, 512], sizes = [256, 128], strides = [1, 1]} : vector<256x4096xi32> to vector<256x128xi32>
    %max3A_1188 = arith.maxsi %max3A_1186, %slice3A_1187 : vector<256x128xi32>
    %slice3A_1189 = vector.extract_strided_slice %select_n3A_1179 {offsets = [0, 640], sizes = [256, 128], strides = [1, 1]} : vector<256x4096xi32> to vector<256x128xi32>
    %max3A_1190 = arith.maxsi %max3A_1188, %slice3A_1189 : vector<256x128xi32>
    %slice3A_1191 = vector.extract_strided_slice %select_n3A_1179 {offsets = [0, 768], sizes = [256, 128], strides = [1, 1]} : vector<256x4096xi32> to vector<256x128xi32>
    %max3A_1192 = arith.maxsi %max3A_1190, %slice3A_1191 : vector<256x128xi32>
    %slice3A_1193 = vector.extract_strided_slice %select_n3A_1179 {offsets = [0, 896], sizes = [256, 128], strides = [1, 1]} : vector<256x4096xi32> to vector<256x128xi32>
    %max3A_1194 = arith.maxsi %max3A_1192, %slice3A_1193 : vector<256x128xi32>
    %slice3A_1195 = vector.extract_strided_slice %select_n3A_1179 {offsets = [0, 1024], sizes = [256, 128], strides = [1, 1]} : vector<256x4096xi32> to vector<256x128xi32>
    %max3A_1196 = arith.maxsi %max3A_1194, %slice3A_1195 : vector<256x128xi32>
    %slice3A_1197 = vector.extract_strided_slice %select_n3A_1179 {offsets = [0, 1152], sizes = [256, 128], strides = [1, 1]} : vector<256x4096xi32> to vector<256x128xi32>
    %max3A_1198 = arith.maxsi %max3A_1196, %slice3A_1197 : vector<256x128xi32>
    %slice3A_1199 = vector.extract_strided_slice %select_n3A_1179 {offsets = [0, 1280], sizes = [256, 128], strides = [1, 1]} : vector<256x4096xi32> to vector<256x128xi32>
    %max3A_1200 = arith.maxsi %max3A_1198, %slice3A_1199 : vector<256x128xi32>
    %slice3A_1201 = vector.extract_strided_slice %select_n3A_1179 {offsets = [0, 1408], sizes = [256, 128], strides = [1, 1]} : vector<256x4096xi32> to vector<256x128xi32>
    %max3A_1202 = arith.maxsi %max3A_1200, %slice3A_1201 : vector<256x128xi32>
    %slice3A_1203 = vector.extract_strided_slice %select_n3A_1179 {offsets = [0, 1536], sizes = [256, 128], strides = [1, 1]} : vector<256x4096xi32> to vector<256x128xi32>
    %max3A_1204 = arith.maxsi %max3A_1202, %slice3A_1203 : vector<256x128xi32>
    %slice3A_1205 = vector.extract_strided_slice %select_n3A_1179 {offsets = [0, 1664], sizes = [256, 128], strides = [1, 1]} : vector<256x4096xi32> to vector<256x128xi32>
    %max3A_1206 = arith.maxsi %max3A_1204, %slice3A_1205 : vector<256x128xi32>
    %slice3A_1207 = vector.extract_strided_slice %select_n3A_1179 {offsets = [0, 1792], sizes = [256, 128], strides = [1, 1]} : vector<256x4096xi32> to vector<256x128xi32>
    %max3A_1208 = arith.maxsi %max3A_1206, %slice3A_1207 : vector<256x128xi32>
    %slice3A_1209 = vector.extract_strided_slice %select_n3A_1179 {offsets = [0, 1920], sizes = [256, 128], strides = [1, 1]} : vector<256x4096xi32> to vector<256x128xi32>
    %max3A_1210 = arith.maxsi %max3A_1208, %slice3A_1209 : vector<256x128xi32>
    %slice3A_1211 = vector.extract_strided_slice %select_n3A_1179 {offsets = [0, 2048], sizes = [256, 128], strides = [1, 1]} : vector<256x4096xi32> to vector<256x128xi32>
    %max3A_1212 = arith.maxsi %max3A_1210, %slice3A_1211 : vector<256x128xi32>
    %slice3A_1213 = vector.extract_strided_slice %select_n3A_1179 {offsets = [0, 2176], sizes = [256, 128], strides = [1, 1]} : vector<256x4096xi32> to vector<256x128xi32>
    %max3A_1214 = arith.maxsi %max3A_1212, %slice3A_1213 : vector<256x128xi32>
    %slice3A_1215 = vector.extract_strided_slice %select_n3A_1179 {offsets = [0, 2304], sizes = [256, 128], strides = [1, 1]} : vector<256x4096xi32> to vector<256x128xi32>
    %max3A_1216 = arith.maxsi %max3A_1214, %slice3A_1215 : vector<256x128xi32>
    %slice3A_1217 = vector.extract_strided_slice %select_n3A_1179 {offsets = [0, 2432], sizes = [256, 128], strides = [1, 1]} : vector<256x4096xi32> to vector<256x128xi32>
    %max3A_1218 = arith.maxsi %max3A_1216, %slice3A_1217 : vector<256x128xi32>
    %slice3A_1219 = vector.extract_strided_slice %select_n3A_1179 {offsets = [0, 2560], sizes = [256, 128], strides = [1, 1]} : vector<256x4096xi32> to vector<256x128xi32>
    %max3A_1220 = arith.maxsi %max3A_1218, %slice3A_1219 : vector<256x128xi32>
    %slice3A_1221 = vector.extract_strided_slice %select_n3A_1179 {offsets = [0, 2688], sizes = [256, 128], strides = [1, 1]} : vector<256x4096xi32> to vector<256x128xi32>
    %max3A_1222 = arith.maxsi %max3A_1220, %slice3A_1221 : vector<256x128xi32>
    %slice3A_1223 = vector.extract_strided_slice %select_n3A_1179 {offsets = [0, 2816], sizes = [256, 128], strides = [1, 1]} : vector<256x4096xi32> to vector<256x128xi32>
    %max3A_1224 = arith.maxsi %max3A_1222, %slice3A_1223 : vector<256x128xi32>
    %slice3A_1225 = vector.extract_strided_slice %select_n3A_1179 {offsets = [0, 2944], sizes = [256, 128], strides = [1, 1]} : vector<256x4096xi32> to vector<256x128xi32>
    %max3A_1226 = arith.maxsi %max3A_1224, %slice3A_1225 : vector<256x128xi32>
    %slice3A_1227 = vector.extract_strided_slice %select_n3A_1179 {offsets = [0, 3072], sizes = [256, 128], strides = [1, 1]} : vector<256x4096xi32> to vector<256x128xi32>
    %max3A_1228 = arith.maxsi %max3A_1226, %slice3A_1227 : vector<256x128xi32>
    %slice3A_1229 = vector.extract_strided_slice %select_n3A_1179 {offsets = [0, 3200], sizes = [256, 128], strides = [1, 1]} : vector<256x4096xi32> to vector<256x128xi32>
    %max3A_1230 = arith.maxsi %max3A_1228, %slice3A_1229 : vector<256x128xi32>
    %slice3A_1231 = vector.extract_strided_slice %select_n3A_1179 {offsets = [0, 3328], sizes = [256, 128], strides = [1, 1]} : vector<256x4096xi32> to vector<256x128xi32>
    %max3A_1232 = arith.maxsi %max3A_1230, %slice3A_1231 : vector<256x128xi32>
    %slice3A_1233 = vector.extract_strided_slice %select_n3A_1179 {offsets = [0, 3456], sizes = [256, 128], strides = [1, 1]} : vector<256x4096xi32> to vector<256x128xi32>
    %max3A_1234 = arith.maxsi %max3A_1232, %slice3A_1233 : vector<256x128xi32>
    %slice3A_1235 = vector.extract_strided_slice %select_n3A_1179 {offsets = [0, 3584], sizes = [256, 128], strides = [1, 1]} : vector<256x4096xi32> to vector<256x128xi32>
    %max3A_1236 = arith.maxsi %max3A_1234, %slice3A_1235 : vector<256x128xi32>
    %slice3A_1237 = vector.extract_strided_slice %select_n3A_1179 {offsets = [0, 3712], sizes = [256, 128], strides = [1, 1]} : vector<256x4096xi32> to vector<256x128xi32>
    %max3A_1238 = arith.maxsi %max3A_1236, %slice3A_1237 : vector<256x128xi32>
    %slice3A_1239 = vector.extract_strided_slice %select_n3A_1179 {offsets = [0, 3840], sizes = [256, 128], strides = [1, 1]} : vector<256x4096xi32> to vector<256x128xi32>
    %max3A_1240 = arith.maxsi %max3A_1238, %slice3A_1239 : vector<256x128xi32>
    %slice3A_1241 = vector.extract_strided_slice %select_n3A_1179 {offsets = [0, 3968], sizes = [256, 128], strides = [1, 1]} : vector<256x4096xi32> to vector<256x128xi32>
    %max3A_1242 = arith.maxsi %max3A_1240, %slice3A_1241 : vector<256x128xi32>
    %reduce_max3A_1243 = arith.constant dense<-2147483648> : vector<256xi32>
    %reduce_max3A_1244 = vector.multi_reduction <maxsi>, %max3A_1242, %reduce_max3A_1243 [1] : vector<256x128xi32> to vector<256xi32>
    %broadcast_in_dim3A_1245 = vector.shape_cast %reduce_max3A_1244 : vector<256xi32> to vector<256x1xi32>
    %and3A_1246 = arith.constant 31 : i32
    %and3A_1247 = vector.broadcast %and3A_1246 : i32 to vector<256x1xi32>
    %and3A_1248 = arith.andi %broadcast_in_dim3A_1245, %and3A_1247 : vector<256x1xi32>
    %sub3A_1249 = arith.constant 31 : i32
    %sub3A_1250 = vector.broadcast %sub3A_1249 : i32 to vector<256x1xi32>
    %sub3A_1251 = arith.subi %sub3A_1250, %and3A_1248 : vector<256x1xi32>
    %eq3A_1252 = vector.broadcast %broadcast_in_dim3A_1245 : vector<256x1xi32> to vector<256x128xi32>
    %eq3A_1253 = arith.cmpi eq, %max3A_1242, %eq3A_1252 : vector<256x128xi32>
    %jit3A_1254 = arith.constant 128 : i32
    %broadcast_in_dim3A_1255 = vector.broadcast %jit3A_1254 : i32 to vector<256x128xi32>
    %select_n3A_1256 = arith.select %eq3A_1253, %iota3A_28, %broadcast_in_dim3A_1255 : vector<256x128xi1>, vector<256x128xi32>
    %reduce_min3A_1257 = arith.constant dense<2147483647> : vector<256xi32>
    %reduce_min3A_1258 = vector.multi_reduction <minsi>, %select_n3A_1256, %reduce_min3A_1257 [1] : vector<256x128xi32> to vector<256xi32>
    %broadcast_in_dim3A_1259 = vector.shape_cast %reduce_min3A_1258 : vector<256xi32> to vector<256x1xi32>
    %mul3A_1260 = arith.constant 128 : i32
    %mul3A_1261 = vector.broadcast %mul3A_1260 : i32 to vector<256x1xi32>
    %mul3A_1262 = arith.muli %sub3A_1251, %mul3A_1261 : vector<256x1xi32>
    %add3A_1263 = arith.addi %mul3A_1262, %broadcast_in_dim3A_1259 : vector<256x1xi32>
    %eq3A_1264 = vector.broadcast %add3A_1263 : vector<256x1xi32> to vector<256x4096xi32>
    %eq3A_1265 = arith.cmpi eq, %iota3A, %eq3A_1264 : vector<256x4096xi32>
    %jit3A_1266 = arith.constant -2147483648 : i32
    %broadcast_in_dim3A_1267 = vector.broadcast %jit3A_1266 : i32 to vector<256x4096xi32>
    %select_n3A_1268 = arith.select %eq3A_1265, %broadcast_in_dim3A_1267, %select_n3A_1179 : vector<256x4096xi1>, vector<256x4096xi32>
    %slice3A_1269 = vector.extract_strided_slice %select_n3A_1268 {offsets = [0, 0], sizes = [256, 128], strides = [1, 1]} : vector<256x4096xi32> to vector<256x128xi32>
    %slice3A_1270 = vector.extract_strided_slice %select_n3A_1268 {offsets = [0, 128], sizes = [256, 128], strides = [1, 1]} : vector<256x4096xi32> to vector<256x128xi32>
    %max3A_1271 = arith.maxsi %slice3A_1269, %slice3A_1270 : vector<256x128xi32>
    %slice3A_1272 = vector.extract_strided_slice %select_n3A_1268 {offsets = [0, 256], sizes = [256, 128], strides = [1, 1]} : vector<256x4096xi32> to vector<256x128xi32>
    %max3A_1273 = arith.maxsi %max3A_1271, %slice3A_1272 : vector<256x128xi32>
    %slice3A_1274 = vector.extract_strided_slice %select_n3A_1268 {offsets = [0, 384], sizes = [256, 128], strides = [1, 1]} : vector<256x4096xi32> to vector<256x128xi32>
    %max3A_1275 = arith.maxsi %max3A_1273, %slice3A_1274 : vector<256x128xi32>
    %slice3A_1276 = vector.extract_strided_slice %select_n3A_1268 {offsets = [0, 512], sizes = [256, 128], strides = [1, 1]} : vector<256x4096xi32> to vector<256x128xi32>
    %max3A_1277 = arith.maxsi %max3A_1275, %slice3A_1276 : vector<256x128xi32>
    %slice3A_1278 = vector.extract_strided_slice %select_n3A_1268 {offsets = [0, 640], sizes = [256, 128], strides = [1, 1]} : vector<256x4096xi32> to vector<256x128xi32>
    %max3A_1279 = arith.maxsi %max3A_1277, %slice3A_1278 : vector<256x128xi32>
    %slice3A_1280 = vector.extract_strided_slice %select_n3A_1268 {offsets = [0, 768], sizes = [256, 128], strides = [1, 1]} : vector<256x4096xi32> to vector<256x128xi32>
    %max3A_1281 = arith.maxsi %max3A_1279, %slice3A_1280 : vector<256x128xi32>
    %slice3A_1282 = vector.extract_strided_slice %select_n3A_1268 {offsets = [0, 896], sizes = [256, 128], strides = [1, 1]} : vector<256x4096xi32> to vector<256x128xi32>
    %max3A_1283 = arith.maxsi %max3A_1281, %slice3A_1282 : vector<256x128xi32>
    %slice3A_1284 = vector.extract_strided_slice %select_n3A_1268 {offsets = [0, 1024], sizes = [256, 128], strides = [1, 1]} : vector<256x4096xi32> to vector<256x128xi32>
    %max3A_1285 = arith.maxsi %max3A_1283, %slice3A_1284 : vector<256x128xi32>
    %slice3A_1286 = vector.extract_strided_slice %select_n3A_1268 {offsets = [0, 1152], sizes = [256, 128], strides = [1, 1]} : vector<256x4096xi32> to vector<256x128xi32>
    %max3A_1287 = arith.maxsi %max3A_1285, %slice3A_1286 : vector<256x128xi32>
    %slice3A_1288 = vector.extract_strided_slice %select_n3A_1268 {offsets = [0, 1280], sizes = [256, 128], strides = [1, 1]} : vector<256x4096xi32> to vector<256x128xi32>
    %max3A_1289 = arith.maxsi %max3A_1287, %slice3A_1288 : vector<256x128xi32>
    %slice3A_1290 = vector.extract_strided_slice %select_n3A_1268 {offsets = [0, 1408], sizes = [256, 128], strides = [1, 1]} : vector<256x4096xi32> to vector<256x128xi32>
    %max3A_1291 = arith.maxsi %max3A_1289, %slice3A_1290 : vector<256x128xi32>
    %slice3A_1292 = vector.extract_strided_slice %select_n3A_1268 {offsets = [0, 1536], sizes = [256, 128], strides = [1, 1]} : vector<256x4096xi32> to vector<256x128xi32>
    %max3A_1293 = arith.maxsi %max3A_1291, %slice3A_1292 : vector<256x128xi32>
    %slice3A_1294 = vector.extract_strided_slice %select_n3A_1268 {offsets = [0, 1664], sizes = [256, 128], strides = [1, 1]} : vector<256x4096xi32> to vector<256x128xi32>
    %max3A_1295 = arith.maxsi %max3A_1293, %slice3A_1294 : vector<256x128xi32>
    %slice3A_1296 = vector.extract_strided_slice %select_n3A_1268 {offsets = [0, 1792], sizes = [256, 128], strides = [1, 1]} : vector<256x4096xi32> to vector<256x128xi32>
    %max3A_1297 = arith.maxsi %max3A_1295, %slice3A_1296 : vector<256x128xi32>
    %slice3A_1298 = vector.extract_strided_slice %select_n3A_1268 {offsets = [0, 1920], sizes = [256, 128], strides = [1, 1]} : vector<256x4096xi32> to vector<256x128xi32>
    %max3A_1299 = arith.maxsi %max3A_1297, %slice3A_1298 : vector<256x128xi32>
    %slice3A_1300 = vector.extract_strided_slice %select_n3A_1268 {offsets = [0, 2048], sizes = [256, 128], strides = [1, 1]} : vector<256x4096xi32> to vector<256x128xi32>
    %max3A_1301 = arith.maxsi %max3A_1299, %slice3A_1300 : vector<256x128xi32>
    %slice3A_1302 = vector.extract_strided_slice %select_n3A_1268 {offsets = [0, 2176], sizes = [256, 128], strides = [1, 1]} : vector<256x4096xi32> to vector<256x128xi32>
    %max3A_1303 = arith.maxsi %max3A_1301, %slice3A_1302 : vector<256x128xi32>
    %slice3A_1304 = vector.extract_strided_slice %select_n3A_1268 {offsets = [0, 2304], sizes = [256, 128], strides = [1, 1]} : vector<256x4096xi32> to vector<256x128xi32>
    %max3A_1305 = arith.maxsi %max3A_1303, %slice3A_1304 : vector<256x128xi32>
    %slice3A_1306 = vector.extract_strided_slice %select_n3A_1268 {offsets = [0, 2432], sizes = [256, 128], strides = [1, 1]} : vector<256x4096xi32> to vector<256x128xi32>
    %max3A_1307 = arith.maxsi %max3A_1305, %slice3A_1306 : vector<256x128xi32>
    %slice3A_1308 = vector.extract_strided_slice %select_n3A_1268 {offsets = [0, 2560], sizes = [256, 128], strides = [1, 1]} : vector<256x4096xi32> to vector<256x128xi32>
    %max3A_1309 = arith.maxsi %max3A_1307, %slice3A_1308 : vector<256x128xi32>
    %slice3A_1310 = vector.extract_strided_slice %select_n3A_1268 {offsets = [0, 2688], sizes = [256, 128], strides = [1, 1]} : vector<256x4096xi32> to vector<256x128xi32>
    %max3A_1311 = arith.maxsi %max3A_1309, %slice3A_1310 : vector<256x128xi32>
    %slice3A_1312 = vector.extract_strided_slice %select_n3A_1268 {offsets = [0, 2816], sizes = [256, 128], strides = [1, 1]} : vector<256x4096xi32> to vector<256x128xi32>
    %max3A_1313 = arith.maxsi %max3A_1311, %slice3A_1312 : vector<256x128xi32>
    %slice3A_1314 = vector.extract_strided_slice %select_n3A_1268 {offsets = [0, 2944], sizes = [256, 128], strides = [1, 1]} : vector<256x4096xi32> to vector<256x128xi32>
    %max3A_1315 = arith.maxsi %max3A_1313, %slice3A_1314 : vector<256x128xi32>
    %slice3A_1316 = vector.extract_strided_slice %select_n3A_1268 {offsets = [0, 3072], sizes = [256, 128], strides = [1, 1]} : vector<256x4096xi32> to vector<256x128xi32>
    %max3A_1317 = arith.maxsi %max3A_1315, %slice3A_1316 : vector<256x128xi32>
    %slice3A_1318 = vector.extract_strided_slice %select_n3A_1268 {offsets = [0, 3200], sizes = [256, 128], strides = [1, 1]} : vector<256x4096xi32> to vector<256x128xi32>
    %max3A_1319 = arith.maxsi %max3A_1317, %slice3A_1318 : vector<256x128xi32>
    %slice3A_1320 = vector.extract_strided_slice %select_n3A_1268 {offsets = [0, 3328], sizes = [256, 128], strides = [1, 1]} : vector<256x4096xi32> to vector<256x128xi32>
    %max3A_1321 = arith.maxsi %max3A_1319, %slice3A_1320 : vector<256x128xi32>
    %slice3A_1322 = vector.extract_strided_slice %select_n3A_1268 {offsets = [0, 3456], sizes = [256, 128], strides = [1, 1]} : vector<256x4096xi32> to vector<256x128xi32>
    %max3A_1323 = arith.maxsi %max3A_1321, %slice3A_1322 : vector<256x128xi32>
    %slice3A_1324 = vector.extract_strided_slice %select_n3A_1268 {offsets = [0, 3584], sizes = [256, 128], strides = [1, 1]} : vector<256x4096xi32> to vector<256x128xi32>
    %max3A_1325 = arith.maxsi %max3A_1323, %slice3A_1324 : vector<256x128xi32>
    %slice3A_1326 = vector.extract_strided_slice %select_n3A_1268 {offsets = [0, 3712], sizes = [256, 128], strides = [1, 1]} : vector<256x4096xi32> to vector<256x128xi32>
    %max3A_1327 = arith.maxsi %max3A_1325, %slice3A_1326 : vector<256x128xi32>
    %slice3A_1328 = vector.extract_strided_slice %select_n3A_1268 {offsets = [0, 3840], sizes = [256, 128], strides = [1, 1]} : vector<256x4096xi32> to vector<256x128xi32>
    %max3A_1329 = arith.maxsi %max3A_1327, %slice3A_1328 : vector<256x128xi32>
    %slice3A_1330 = vector.extract_strided_slice %select_n3A_1268 {offsets = [0, 3968], sizes = [256, 128], strides = [1, 1]} : vector<256x4096xi32> to vector<256x128xi32>
    %max3A_1331 = arith.maxsi %max3A_1329, %slice3A_1330 : vector<256x128xi32>
    %reduce_max3A_1332 = arith.constant dense<-2147483648> : vector<256xi32>
    %reduce_max3A_1333 = vector.multi_reduction <maxsi>, %max3A_1331, %reduce_max3A_1332 [1] : vector<256x128xi32> to vector<256xi32>
    %broadcast_in_dim3A_1334 = vector.shape_cast %reduce_max3A_1333 : vector<256xi32> to vector<256x1xi32>
    %and3A_1335 = arith.constant 31 : i32
    %and3A_1336 = vector.broadcast %and3A_1335 : i32 to vector<256x1xi32>
    %and3A_1337 = arith.andi %broadcast_in_dim3A_1334, %and3A_1336 : vector<256x1xi32>
    %sub3A_1338 = arith.constant 31 : i32
    %sub3A_1339 = vector.broadcast %sub3A_1338 : i32 to vector<256x1xi32>
    %sub3A_1340 = arith.subi %sub3A_1339, %and3A_1337 : vector<256x1xi32>
    %eq3A_1341 = vector.broadcast %broadcast_in_dim3A_1334 : vector<256x1xi32> to vector<256x128xi32>
    %eq3A_1342 = arith.cmpi eq, %max3A_1331, %eq3A_1341 : vector<256x128xi32>
    %jit3A_1343 = arith.constant 128 : i32
    %broadcast_in_dim3A_1344 = vector.broadcast %jit3A_1343 : i32 to vector<256x128xi32>
    %select_n3A_1345 = arith.select %eq3A_1342, %iota3A_28, %broadcast_in_dim3A_1344 : vector<256x128xi1>, vector<256x128xi32>
    %reduce_min3A_1346 = arith.constant dense<2147483647> : vector<256xi32>
    %reduce_min3A_1347 = vector.multi_reduction <minsi>, %select_n3A_1345, %reduce_min3A_1346 [1] : vector<256x128xi32> to vector<256xi32>
    %broadcast_in_dim3A_1348 = vector.shape_cast %reduce_min3A_1347 : vector<256xi32> to vector<256x1xi32>
    %mul3A_1349 = arith.constant 128 : i32
    %mul3A_1350 = vector.broadcast %mul3A_1349 : i32 to vector<256x1xi32>
    %mul3A_1351 = arith.muli %sub3A_1340, %mul3A_1350 : vector<256x1xi32>
    %add3A_1352 = arith.addi %mul3A_1351, %broadcast_in_dim3A_1348 : vector<256x1xi32>
    %eq3A_1353 = vector.broadcast %add3A_1352 : vector<256x1xi32> to vector<256x4096xi32>
    %eq3A_1354 = arith.cmpi eq, %iota3A, %eq3A_1353 : vector<256x4096xi32>
    %jit3A_1355 = arith.constant -2147483648 : i32
    %broadcast_in_dim3A_1356 = vector.broadcast %jit3A_1355 : i32 to vector<256x4096xi32>
    %select_n3A_1357 = arith.select %eq3A_1354, %broadcast_in_dim3A_1356, %select_n3A_1268 : vector<256x4096xi1>, vector<256x4096xi32>
    %slice3A_1358 = vector.extract_strided_slice %select_n3A_1357 {offsets = [0, 0], sizes = [256, 128], strides = [1, 1]} : vector<256x4096xi32> to vector<256x128xi32>
    %slice3A_1359 = vector.extract_strided_slice %select_n3A_1357 {offsets = [0, 128], sizes = [256, 128], strides = [1, 1]} : vector<256x4096xi32> to vector<256x128xi32>
    %max3A_1360 = arith.maxsi %slice3A_1358, %slice3A_1359 : vector<256x128xi32>
    %slice3A_1361 = vector.extract_strided_slice %select_n3A_1357 {offsets = [0, 256], sizes = [256, 128], strides = [1, 1]} : vector<256x4096xi32> to vector<256x128xi32>
    %max3A_1362 = arith.maxsi %max3A_1360, %slice3A_1361 : vector<256x128xi32>
    %slice3A_1363 = vector.extract_strided_slice %select_n3A_1357 {offsets = [0, 384], sizes = [256, 128], strides = [1, 1]} : vector<256x4096xi32> to vector<256x128xi32>
    %max3A_1364 = arith.maxsi %max3A_1362, %slice3A_1363 : vector<256x128xi32>
    %slice3A_1365 = vector.extract_strided_slice %select_n3A_1357 {offsets = [0, 512], sizes = [256, 128], strides = [1, 1]} : vector<256x4096xi32> to vector<256x128xi32>
    %max3A_1366 = arith.maxsi %max3A_1364, %slice3A_1365 : vector<256x128xi32>
    %slice3A_1367 = vector.extract_strided_slice %select_n3A_1357 {offsets = [0, 640], sizes = [256, 128], strides = [1, 1]} : vector<256x4096xi32> to vector<256x128xi32>
    %max3A_1368 = arith.maxsi %max3A_1366, %slice3A_1367 : vector<256x128xi32>
    %slice3A_1369 = vector.extract_strided_slice %select_n3A_1357 {offsets = [0, 768], sizes = [256, 128], strides = [1, 1]} : vector<256x4096xi32> to vector<256x128xi32>
    %max3A_1370 = arith.maxsi %max3A_1368, %slice3A_1369 : vector<256x128xi32>
    %slice3A_1371 = vector.extract_strided_slice %select_n3A_1357 {offsets = [0, 896], sizes = [256, 128], strides = [1, 1]} : vector<256x4096xi32> to vector<256x128xi32>
    %max3A_1372 = arith.maxsi %max3A_1370, %slice3A_1371 : vector<256x128xi32>
    %slice3A_1373 = vector.extract_strided_slice %select_n3A_1357 {offsets = [0, 1024], sizes = [256, 128], strides = [1, 1]} : vector<256x4096xi32> to vector<256x128xi32>
    %max3A_1374 = arith.maxsi %max3A_1372, %slice3A_1373 : vector<256x128xi32>
    %slice3A_1375 = vector.extract_strided_slice %select_n3A_1357 {offsets = [0, 1152], sizes = [256, 128], strides = [1, 1]} : vector<256x4096xi32> to vector<256x128xi32>
    %max3A_1376 = arith.maxsi %max3A_1374, %slice3A_1375 : vector<256x128xi32>
    %slice3A_1377 = vector.extract_strided_slice %select_n3A_1357 {offsets = [0, 1280], sizes = [256, 128], strides = [1, 1]} : vector<256x4096xi32> to vector<256x128xi32>
    %max3A_1378 = arith.maxsi %max3A_1376, %slice3A_1377 : vector<256x128xi32>
    %slice3A_1379 = vector.extract_strided_slice %select_n3A_1357 {offsets = [0, 1408], sizes = [256, 128], strides = [1, 1]} : vector<256x4096xi32> to vector<256x128xi32>
    %max3A_1380 = arith.maxsi %max3A_1378, %slice3A_1379 : vector<256x128xi32>
    %slice3A_1381 = vector.extract_strided_slice %select_n3A_1357 {offsets = [0, 1536], sizes = [256, 128], strides = [1, 1]} : vector<256x4096xi32> to vector<256x128xi32>
    %max3A_1382 = arith.maxsi %max3A_1380, %slice3A_1381 : vector<256x128xi32>
    %slice3A_1383 = vector.extract_strided_slice %select_n3A_1357 {offsets = [0, 1664], sizes = [256, 128], strides = [1, 1]} : vector<256x4096xi32> to vector<256x128xi32>
    %max3A_1384 = arith.maxsi %max3A_1382, %slice3A_1383 : vector<256x128xi32>
    %slice3A_1385 = vector.extract_strided_slice %select_n3A_1357 {offsets = [0, 1792], sizes = [256, 128], strides = [1, 1]} : vector<256x4096xi32> to vector<256x128xi32>
    %max3A_1386 = arith.maxsi %max3A_1384, %slice3A_1385 : vector<256x128xi32>
    %slice3A_1387 = vector.extract_strided_slice %select_n3A_1357 {offsets = [0, 1920], sizes = [256, 128], strides = [1, 1]} : vector<256x4096xi32> to vector<256x128xi32>
    %max3A_1388 = arith.maxsi %max3A_1386, %slice3A_1387 : vector<256x128xi32>
    %slice3A_1389 = vector.extract_strided_slice %select_n3A_1357 {offsets = [0, 2048], sizes = [256, 128], strides = [1, 1]} : vector<256x4096xi32> to vector<256x128xi32>
    %max3A_1390 = arith.maxsi %max3A_1388, %slice3A_1389 : vector<256x128xi32>
    %slice3A_1391 = vector.extract_strided_slice %select_n3A_1357 {offsets = [0, 2176], sizes = [256, 128], strides = [1, 1]} : vector<256x4096xi32> to vector<256x128xi32>
    %max3A_1392 = arith.maxsi %max3A_1390, %slice3A_1391 : vector<256x128xi32>
    %slice3A_1393 = vector.extract_strided_slice %select_n3A_1357 {offsets = [0, 2304], sizes = [256, 128], strides = [1, 1]} : vector<256x4096xi32> to vector<256x128xi32>
    %max3A_1394 = arith.maxsi %max3A_1392, %slice3A_1393 : vector<256x128xi32>
    %slice3A_1395 = vector.extract_strided_slice %select_n3A_1357 {offsets = [0, 2432], sizes = [256, 128], strides = [1, 1]} : vector<256x4096xi32> to vector<256x128xi32>
    %max3A_1396 = arith.maxsi %max3A_1394, %slice3A_1395 : vector<256x128xi32>
    %slice3A_1397 = vector.extract_strided_slice %select_n3A_1357 {offsets = [0, 2560], sizes = [256, 128], strides = [1, 1]} : vector<256x4096xi32> to vector<256x128xi32>
    %max3A_1398 = arith.maxsi %max3A_1396, %slice3A_1397 : vector<256x128xi32>
    %slice3A_1399 = vector.extract_strided_slice %select_n3A_1357 {offsets = [0, 2688], sizes = [256, 128], strides = [1, 1]} : vector<256x4096xi32> to vector<256x128xi32>
    %max3A_1400 = arith.maxsi %max3A_1398, %slice3A_1399 : vector<256x128xi32>
    %slice3A_1401 = vector.extract_strided_slice %select_n3A_1357 {offsets = [0, 2816], sizes = [256, 128], strides = [1, 1]} : vector<256x4096xi32> to vector<256x128xi32>
    %max3A_1402 = arith.maxsi %max3A_1400, %slice3A_1401 : vector<256x128xi32>
    %slice3A_1403 = vector.extract_strided_slice %select_n3A_1357 {offsets = [0, 2944], sizes = [256, 128], strides = [1, 1]} : vector<256x4096xi32> to vector<256x128xi32>
    %max3A_1404 = arith.maxsi %max3A_1402, %slice3A_1403 : vector<256x128xi32>
    %slice3A_1405 = vector.extract_strided_slice %select_n3A_1357 {offsets = [0, 3072], sizes = [256, 128], strides = [1, 1]} : vector<256x4096xi32> to vector<256x128xi32>
    %max3A_1406 = arith.maxsi %max3A_1404, %slice3A_1405 : vector<256x128xi32>
    %slice3A_1407 = vector.extract_strided_slice %select_n3A_1357 {offsets = [0, 3200], sizes = [256, 128], strides = [1, 1]} : vector<256x4096xi32> to vector<256x128xi32>
    %max3A_1408 = arith.maxsi %max3A_1406, %slice3A_1407 : vector<256x128xi32>
    %slice3A_1409 = vector.extract_strided_slice %select_n3A_1357 {offsets = [0, 3328], sizes = [256, 128], strides = [1, 1]} : vector<256x4096xi32> to vector<256x128xi32>
    %max3A_1410 = arith.maxsi %max3A_1408, %slice3A_1409 : vector<256x128xi32>
    %slice3A_1411 = vector.extract_strided_slice %select_n3A_1357 {offsets = [0, 3456], sizes = [256, 128], strides = [1, 1]} : vector<256x4096xi32> to vector<256x128xi32>
    %max3A_1412 = arith.maxsi %max3A_1410, %slice3A_1411 : vector<256x128xi32>
    %slice3A_1413 = vector.extract_strided_slice %select_n3A_1357 {offsets = [0, 3584], sizes = [256, 128], strides = [1, 1]} : vector<256x4096xi32> to vector<256x128xi32>
    %max3A_1414 = arith.maxsi %max3A_1412, %slice3A_1413 : vector<256x128xi32>
    %slice3A_1415 = vector.extract_strided_slice %select_n3A_1357 {offsets = [0, 3712], sizes = [256, 128], strides = [1, 1]} : vector<256x4096xi32> to vector<256x128xi32>
    %max3A_1416 = arith.maxsi %max3A_1414, %slice3A_1415 : vector<256x128xi32>
    %slice3A_1417 = vector.extract_strided_slice %select_n3A_1357 {offsets = [0, 3840], sizes = [256, 128], strides = [1, 1]} : vector<256x4096xi32> to vector<256x128xi32>
    %max3A_1418 = arith.maxsi %max3A_1416, %slice3A_1417 : vector<256x128xi32>
    %slice3A_1419 = vector.extract_strided_slice %select_n3A_1357 {offsets = [0, 3968], sizes = [256, 128], strides = [1, 1]} : vector<256x4096xi32> to vector<256x128xi32>
    %max3A_1420 = arith.maxsi %max3A_1418, %slice3A_1419 : vector<256x128xi32>
    %reduce_max3A_1421 = arith.constant dense<-2147483648> : vector<256xi32>
    %reduce_max3A_1422 = vector.multi_reduction <maxsi>, %max3A_1420, %reduce_max3A_1421 [1] : vector<256x128xi32> to vector<256xi32>
    %broadcast_in_dim3A_1423 = vector.shape_cast %reduce_max3A_1422 : vector<256xi32> to vector<256x1xi32>
    %and3A_1424 = arith.constant 31 : i32
    %and3A_1425 = vector.broadcast %and3A_1424 : i32 to vector<256x1xi32>
    %and3A_1426 = arith.andi %broadcast_in_dim3A_1423, %and3A_1425 : vector<256x1xi32>
    %sub3A_1427 = arith.constant 31 : i32
    %sub3A_1428 = vector.broadcast %sub3A_1427 : i32 to vector<256x1xi32>
    %sub3A_1429 = arith.subi %sub3A_1428, %and3A_1426 : vector<256x1xi32>
    %eq3A_1430 = vector.broadcast %broadcast_in_dim3A_1423 : vector<256x1xi32> to vector<256x128xi32>
    %eq3A_1431 = arith.cmpi eq, %max3A_1420, %eq3A_1430 : vector<256x128xi32>
    %jit3A_1432 = arith.constant 128 : i32
    %broadcast_in_dim3A_1433 = vector.broadcast %jit3A_1432 : i32 to vector<256x128xi32>
    %select_n3A_1434 = arith.select %eq3A_1431, %iota3A_28, %broadcast_in_dim3A_1433 : vector<256x128xi1>, vector<256x128xi32>
    %reduce_min3A_1435 = arith.constant dense<2147483647> : vector<256xi32>
    %reduce_min3A_1436 = vector.multi_reduction <minsi>, %select_n3A_1434, %reduce_min3A_1435 [1] : vector<256x128xi32> to vector<256xi32>
    %broadcast_in_dim3A_1437 = vector.shape_cast %reduce_min3A_1436 : vector<256xi32> to vector<256x1xi32>
    %mul3A_1438 = arith.constant 128 : i32
    %mul3A_1439 = vector.broadcast %mul3A_1438 : i32 to vector<256x1xi32>
    %mul3A_1440 = arith.muli %sub3A_1429, %mul3A_1439 : vector<256x1xi32>
    %add3A_1441 = arith.addi %mul3A_1440, %broadcast_in_dim3A_1437 : vector<256x1xi32>
    %concatenate3A = tpu.concatenate %add3A_106, %add3A_195, %add3A_284, %add3A_373, %add3A_462, %add3A_551, %add3A_640, %add3A_729, %add3A_818, %add3A_907, %add3A_996, %add3A_1085, %add3A_1174, %add3A_1263, %add3A_1352, %add3A_1441 in 1 : vector<256x1xi32>, vector<256x1xi32>, vector<256x1xi32>, vector<256x1xi32>, vector<256x1xi32>, vector<256x1xi32>, vector<256x1xi32>, vector<256x1xi32>, vector<256x1xi32>, vector<256x1xi32>, vector<256x1xi32>, vector<256x1xi32>, vector<256x1xi32>, vector<256x1xi32>, vector<256x1xi32>, vector<256x1xi32> -> vector<256x16xi32>
    %swap3A = arith.constant 0 : index
    %swap3A_1442 = arith.constant 0 : index
    %swap3A_1443 = vector.load %arg4[%swap3A, %swap3A_1442] : memref<256x16xi32, #tpu.memory_space<vmem>>, vector<256x16xi32>
    tpu.vector_store %arg4[%swap3A, %swap3A_1442], %concatenate3A {strides = array<i32>} : memref<256x16xi32, #tpu.memory_space<vmem>>, vector<256x16xi32>,
    return
  }
  func.func @transform_0(%arg0: i32) -> (i32, i32) {
    %c0_i32 = arith.constant 0 : i32
    %c0_i32_0 = arith.constant 0 : i32
    return %c0_i32, %arg0 : i32, i32
  }
  func.func @transform_1(%arg0: i32) -> (i32, i32) {
    %c0_i32 = arith.constant 0 : i32
    %c0_i32_0 = arith.constant 0 : i32
    %c0_i32_1 = arith.constant 0 : i32
    return %c0_i32, %c0_i32_0 : i32, i32
  }
  func.func @transform_2(%arg0: i32) -> (i32, i32) {
    %c0_i32 = arith.constant 0 : i32
    %c0_i32_0 = arith.constant 0 : i32
    %c0_i32_1 = arith.constant 0 : i32
    return %c0_i32, %c0_i32_0 : i32, i32
  }
  func.func @transform_3(%arg0: i32) -> (i32, i32) {
    %c0_i32 = arith.constant 0 : i32
    %c0_i32_0 = arith.constant 0 : i32
    return %arg0, %c0_i32 : i32, i32
  }
}

module attributes {stable_mosaic.version = 14 : i64} {
  func.func @_stats1_kernel(%arg0: i32, %arg1: memref<16x256x128xf32, #tpu.memory_space<vmem>>, %arg2: memref<256x128xf32, #tpu.memory_space<vmem>>, %arg3: memref<2x128xf32, #tpu.memory_space<vmem>>) attributes {dimension_semantics = [#tpu.dimension_semantics<arbitrary>], iteration_bounds = array<i64: 16>, scalar_prefetch = 0 : i64, scratch_operands = 0 : i64, tpu.core_type = #tpu.core_type<tc>, window_params = [{transform_indices = @transform_0, window_bounds = array<i64: 16, 256, 128>}, {transform_indices = @transform_1, window_bounds = array<i64: 256, 128>}, {pipeline_mode = #tpu.pipeline_mode<synchronous>, transform_indices = @transform_2, window_bounds = array<i64: 2, 128>}]} {
    %get3A = arith.constant 0 : index
    %get3A_0 = arith.constant 0 : index
    %get3A_1 = vector.load %arg2[%get3A, %get3A_0] : memref<256x128xf32, #tpu.memory_space<vmem>>, vector<256x128xf32>
    %broadcast_in_dim3A = arith.constant 0.000000e+00 : f32
    %broadcast_in_dim3A_2 = vector.broadcast %broadcast_in_dim3A : f32 to vector<256x128xf32>
    %broadcast_in_dim3A_3 = arith.constant 0.000000e+00 : f32
    %broadcast_in_dim3A_4 = vector.broadcast %broadcast_in_dim3A_3 : f32 to vector<256x128xf32>
    %get3A_5 = arith.constant 0 : index
    %get3A_6 = arith.constant 0 : index
    %get3A_7 = arith.constant 0 : index
    %get3A_8 = vector.load %arg1[%get3A_5, %get3A_6, %get3A_7] : memref<16x256x128xf32, #tpu.memory_space<vmem>>, vector<1x256x128xf32>
    %get3A_9 = vector.shape_cast %get3A_8 : vector<1x256x128xf32> to vector<256x128xf32>
    %add3A = arith.addf %get3A_9, %get3A_1 : vector<256x128xf32>
    %add3A_10 = arith.addf %broadcast_in_dim3A_2, %add3A : vector<256x128xf32>
    %mul3A = arith.mulf %add3A, %add3A : vector<256x128xf32>
    %add3A_11 = arith.addf %broadcast_in_dim3A_4, %mul3A : vector<256x128xf32>
    %get3A_12 = arith.constant 1 : index
    %get3A_13 = arith.constant 0 : index
    %get3A_14 = arith.constant 0 : index
    %get3A_15 = vector.load %arg1[%get3A_12, %get3A_13, %get3A_14] : memref<16x256x128xf32, #tpu.memory_space<vmem>>, vector<1x256x128xf32>
    %get3A_16 = vector.shape_cast %get3A_15 : vector<1x256x128xf32> to vector<256x128xf32>
    %add3A_17 = arith.addf %get3A_16, %get3A_1 : vector<256x128xf32>
    %add3A_18 = arith.addf %add3A_10, %add3A_17 : vector<256x128xf32>
    %mul3A_19 = arith.mulf %add3A_17, %add3A_17 : vector<256x128xf32>
    %add3A_20 = arith.addf %add3A_11, %mul3A_19 : vector<256x128xf32>
    %get3A_21 = arith.constant 2 : index
    %get3A_22 = arith.constant 0 : index
    %get3A_23 = arith.constant 0 : index
    %get3A_24 = vector.load %arg1[%get3A_21, %get3A_22, %get3A_23] : memref<16x256x128xf32, #tpu.memory_space<vmem>>, vector<1x256x128xf32>
    %get3A_25 = vector.shape_cast %get3A_24 : vector<1x256x128xf32> to vector<256x128xf32>
    %add3A_26 = arith.addf %get3A_25, %get3A_1 : vector<256x128xf32>
    %add3A_27 = arith.addf %add3A_18, %add3A_26 : vector<256x128xf32>
    %mul3A_28 = arith.mulf %add3A_26, %add3A_26 : vector<256x128xf32>
    %add3A_29 = arith.addf %add3A_20, %mul3A_28 : vector<256x128xf32>
    %get3A_30 = arith.constant 3 : index
    %get3A_31 = arith.constant 0 : index
    %get3A_32 = arith.constant 0 : index
    %get3A_33 = vector.load %arg1[%get3A_30, %get3A_31, %get3A_32] : memref<16x256x128xf32, #tpu.memory_space<vmem>>, vector<1x256x128xf32>
    %get3A_34 = vector.shape_cast %get3A_33 : vector<1x256x128xf32> to vector<256x128xf32>
    %add3A_35 = arith.addf %get3A_34, %get3A_1 : vector<256x128xf32>
    %add3A_36 = arith.addf %add3A_27, %add3A_35 : vector<256x128xf32>
    %mul3A_37 = arith.mulf %add3A_35, %add3A_35 : vector<256x128xf32>
    %add3A_38 = arith.addf %add3A_29, %mul3A_37 : vector<256x128xf32>
    %get3A_39 = arith.constant 4 : index
    %get3A_40 = arith.constant 0 : index
    %get3A_41 = arith.constant 0 : index
    %get3A_42 = vector.load %arg1[%get3A_39, %get3A_40, %get3A_41] : memref<16x256x128xf32, #tpu.memory_space<vmem>>, vector<1x256x128xf32>
    %get3A_43 = vector.shape_cast %get3A_42 : vector<1x256x128xf32> to vector<256x128xf32>
    %add3A_44 = arith.addf %get3A_43, %get3A_1 : vector<256x128xf32>
    %add3A_45 = arith.addf %add3A_36, %add3A_44 : vector<256x128xf32>
    %mul3A_46 = arith.mulf %add3A_44, %add3A_44 : vector<256x128xf32>
    %add3A_47 = arith.addf %add3A_38, %mul3A_46 : vector<256x128xf32>
    %get3A_48 = arith.constant 5 : index
    %get3A_49 = arith.constant 0 : index
    %get3A_50 = arith.constant 0 : index
    %get3A_51 = vector.load %arg1[%get3A_48, %get3A_49, %get3A_50] : memref<16x256x128xf32, #tpu.memory_space<vmem>>, vector<1x256x128xf32>
    %get3A_52 = vector.shape_cast %get3A_51 : vector<1x256x128xf32> to vector<256x128xf32>
    %add3A_53 = arith.addf %get3A_52, %get3A_1 : vector<256x128xf32>
    %add3A_54 = arith.addf %add3A_45, %add3A_53 : vector<256x128xf32>
    %mul3A_55 = arith.mulf %add3A_53, %add3A_53 : vector<256x128xf32>
    %add3A_56 = arith.addf %add3A_47, %mul3A_55 : vector<256x128xf32>
    %get3A_57 = arith.constant 6 : index
    %get3A_58 = arith.constant 0 : index
    %get3A_59 = arith.constant 0 : index
    %get3A_60 = vector.load %arg1[%get3A_57, %get3A_58, %get3A_59] : memref<16x256x128xf32, #tpu.memory_space<vmem>>, vector<1x256x128xf32>
    %get3A_61 = vector.shape_cast %get3A_60 : vector<1x256x128xf32> to vector<256x128xf32>
    %add3A_62 = arith.addf %get3A_61, %get3A_1 : vector<256x128xf32>
    %add3A_63 = arith.addf %add3A_54, %add3A_62 : vector<256x128xf32>
    %mul3A_64 = arith.mulf %add3A_62, %add3A_62 : vector<256x128xf32>
    %add3A_65 = arith.addf %add3A_56, %mul3A_64 : vector<256x128xf32>
    %get3A_66 = arith.constant 7 : index
    %get3A_67 = arith.constant 0 : index
    %get3A_68 = arith.constant 0 : index
    %get3A_69 = vector.load %arg1[%get3A_66, %get3A_67, %get3A_68] : memref<16x256x128xf32, #tpu.memory_space<vmem>>, vector<1x256x128xf32>
    %get3A_70 = vector.shape_cast %get3A_69 : vector<1x256x128xf32> to vector<256x128xf32>
    %add3A_71 = arith.addf %get3A_70, %get3A_1 : vector<256x128xf32>
    %add3A_72 = arith.addf %add3A_63, %add3A_71 : vector<256x128xf32>
    %mul3A_73 = arith.mulf %add3A_71, %add3A_71 : vector<256x128xf32>
    %add3A_74 = arith.addf %add3A_65, %mul3A_73 : vector<256x128xf32>
    %get3A_75 = arith.constant 8 : index
    %get3A_76 = arith.constant 0 : index
    %get3A_77 = arith.constant 0 : index
    %get3A_78 = vector.load %arg1[%get3A_75, %get3A_76, %get3A_77] : memref<16x256x128xf32, #tpu.memory_space<vmem>>, vector<1x256x128xf32>
    %get3A_79 = vector.shape_cast %get3A_78 : vector<1x256x128xf32> to vector<256x128xf32>
    %add3A_80 = arith.addf %get3A_79, %get3A_1 : vector<256x128xf32>
    %add3A_81 = arith.addf %add3A_72, %add3A_80 : vector<256x128xf32>
    %mul3A_82 = arith.mulf %add3A_80, %add3A_80 : vector<256x128xf32>
    %add3A_83 = arith.addf %add3A_74, %mul3A_82 : vector<256x128xf32>
    %get3A_84 = arith.constant 9 : index
    %get3A_85 = arith.constant 0 : index
    %get3A_86 = arith.constant 0 : index
    %get3A_87 = vector.load %arg1[%get3A_84, %get3A_85, %get3A_86] : memref<16x256x128xf32, #tpu.memory_space<vmem>>, vector<1x256x128xf32>
    %get3A_88 = vector.shape_cast %get3A_87 : vector<1x256x128xf32> to vector<256x128xf32>
    %add3A_89 = arith.addf %get3A_88, %get3A_1 : vector<256x128xf32>
    %add3A_90 = arith.addf %add3A_81, %add3A_89 : vector<256x128xf32>
    %mul3A_91 = arith.mulf %add3A_89, %add3A_89 : vector<256x128xf32>
    %add3A_92 = arith.addf %add3A_83, %mul3A_91 : vector<256x128xf32>
    %get3A_93 = arith.constant 10 : index
    %get3A_94 = arith.constant 0 : index
    %get3A_95 = arith.constant 0 : index
    %get3A_96 = vector.load %arg1[%get3A_93, %get3A_94, %get3A_95] : memref<16x256x128xf32, #tpu.memory_space<vmem>>, vector<1x256x128xf32>
    %get3A_97 = vector.shape_cast %get3A_96 : vector<1x256x128xf32> to vector<256x128xf32>
    %add3A_98 = arith.addf %get3A_97, %get3A_1 : vector<256x128xf32>
    %add3A_99 = arith.addf %add3A_90, %add3A_98 : vector<256x128xf32>
    %mul3A_100 = arith.mulf %add3A_98, %add3A_98 : vector<256x128xf32>
    %add3A_101 = arith.addf %add3A_92, %mul3A_100 : vector<256x128xf32>
    %get3A_102 = arith.constant 11 : index
    %get3A_103 = arith.constant 0 : index
    %get3A_104 = arith.constant 0 : index
    %get3A_105 = vector.load %arg1[%get3A_102, %get3A_103, %get3A_104] : memref<16x256x128xf32, #tpu.memory_space<vmem>>, vector<1x256x128xf32>
    %get3A_106 = vector.shape_cast %get3A_105 : vector<1x256x128xf32> to vector<256x128xf32>
    %add3A_107 = arith.addf %get3A_106, %get3A_1 : vector<256x128xf32>
    %add3A_108 = arith.addf %add3A_99, %add3A_107 : vector<256x128xf32>
    %mul3A_109 = arith.mulf %add3A_107, %add3A_107 : vector<256x128xf32>
    %add3A_110 = arith.addf %add3A_101, %mul3A_109 : vector<256x128xf32>
    %get3A_111 = arith.constant 12 : index
    %get3A_112 = arith.constant 0 : index
    %get3A_113 = arith.constant 0 : index
    %get3A_114 = vector.load %arg1[%get3A_111, %get3A_112, %get3A_113] : memref<16x256x128xf32, #tpu.memory_space<vmem>>, vector<1x256x128xf32>
    %get3A_115 = vector.shape_cast %get3A_114 : vector<1x256x128xf32> to vector<256x128xf32>
    %add3A_116 = arith.addf %get3A_115, %get3A_1 : vector<256x128xf32>
    %add3A_117 = arith.addf %add3A_108, %add3A_116 : vector<256x128xf32>
    %mul3A_118 = arith.mulf %add3A_116, %add3A_116 : vector<256x128xf32>
    %add3A_119 = arith.addf %add3A_110, %mul3A_118 : vector<256x128xf32>
    %get3A_120 = arith.constant 13 : index
    %get3A_121 = arith.constant 0 : index
    %get3A_122 = arith.constant 0 : index
    %get3A_123 = vector.load %arg1[%get3A_120, %get3A_121, %get3A_122] : memref<16x256x128xf32, #tpu.memory_space<vmem>>, vector<1x256x128xf32>
    %get3A_124 = vector.shape_cast %get3A_123 : vector<1x256x128xf32> to vector<256x128xf32>
    %add3A_125 = arith.addf %get3A_124, %get3A_1 : vector<256x128xf32>
    %add3A_126 = arith.addf %add3A_117, %add3A_125 : vector<256x128xf32>
    %mul3A_127 = arith.mulf %add3A_125, %add3A_125 : vector<256x128xf32>
    %add3A_128 = arith.addf %add3A_119, %mul3A_127 : vector<256x128xf32>
    %get3A_129 = arith.constant 14 : index
    %get3A_130 = arith.constant 0 : index
    %get3A_131 = arith.constant 0 : index
    %get3A_132 = vector.load %arg1[%get3A_129, %get3A_130, %get3A_131] : memref<16x256x128xf32, #tpu.memory_space<vmem>>, vector<1x256x128xf32>
    %get3A_133 = vector.shape_cast %get3A_132 : vector<1x256x128xf32> to vector<256x128xf32>
    %add3A_134 = arith.addf %get3A_133, %get3A_1 : vector<256x128xf32>
    %add3A_135 = arith.addf %add3A_126, %add3A_134 : vector<256x128xf32>
    %mul3A_136 = arith.mulf %add3A_134, %add3A_134 : vector<256x128xf32>
    %add3A_137 = arith.addf %add3A_128, %mul3A_136 : vector<256x128xf32>
    %get3A_138 = arith.constant 15 : index
    %get3A_139 = arith.constant 0 : index
    %get3A_140 = arith.constant 0 : index
    %get3A_141 = vector.load %arg1[%get3A_138, %get3A_139, %get3A_140] : memref<16x256x128xf32, #tpu.memory_space<vmem>>, vector<1x256x128xf32>
    %get3A_142 = vector.shape_cast %get3A_141 : vector<1x256x128xf32> to vector<256x128xf32>
    %add3A_143 = arith.addf %get3A_142, %get3A_1 : vector<256x128xf32>
    %add3A_144 = arith.addf %add3A_135, %add3A_143 : vector<256x128xf32>
    %mul3A_145 = arith.mulf %add3A_143, %add3A_143 : vector<256x128xf32>
    %add3A_146 = arith.addf %add3A_137, %mul3A_145 : vector<256x128xf32>
    %eq3A = arith.constant 0 : i32
    %eq3A_147 = arith.cmpi eq, %arg0, %eq3A : i32
    %convert_element_type3A = arith.extui %eq3A_147 : i1 to i32
    %cond3A = arith.constant 0 : i32
    %cond3A_148 = arith.cmpi ne, %convert_element_type3A, %cond3A : i32
    scf.if %cond3A_148 {
      %broadcast_in_dim3A_167 = arith.constant 0.000000e+00 : f32
      %broadcast_in_dim3A_168 = vector.broadcast %broadcast_in_dim3A_167 : f32 to vector<2x128xf32>
      %swap3A_169 = arith.constant 0 : index
      %swap3A_170 = arith.constant 0 : index
      %swap3A_171 = vector.load %arg3[%swap3A_169, %swap3A_170] : memref<2x128xf32, #tpu.memory_space<vmem>>, vector<2x128xf32>
      tpu.vector_store %arg3[%swap3A_169, %swap3A_170], %broadcast_in_dim3A_168 {strides = array<i32>} : memref<2x128xf32, #tpu.memory_space<vmem>>, vector<2x128xf32>,
    } else {
    }
    %get3A_149 = arith.constant 0 : index
    %get3A_150 = arith.constant 0 : index
    %get3A_151 = vector.load %arg3[%get3A_149, %get3A_150] : memref<2x128xf32, #tpu.memory_space<vmem>>, vector<1x128xf32>
    %reduce_sum3A = arith.constant dense<0.000000e+00> : vector<128xf32>
    %reduce_sum3A_152 = vector.multi_reduction <add>, %add3A_144, %reduce_sum3A [0] : vector<256x128xf32> to vector<128xf32>
    %broadcast_in_dim3A_153 = vector.shape_cast %reduce_sum3A_152 : vector<128xf32> to vector<1x128xf32>
    %add3A_154 = arith.addf %get3A_151, %broadcast_in_dim3A_153 : vector<1x128xf32>
    %swap3A = arith.constant 0 : index
    %swap3A_155 = arith.constant 0 : index
    %swap3A_156 = vector.load %arg3[%swap3A, %swap3A_155] : memref<2x128xf32, #tpu.memory_space<vmem>>, vector<1x128xf32>
    tpu.vector_store %arg3[%swap3A, %swap3A_155], %add3A_154 {strides = array<i32>} : memref<2x128xf32, #tpu.memory_space<vmem>>, vector<1x128xf32>,
    %get3A_157 = arith.constant 1 : index
    %get3A_158 = arith.constant 0 : index
    %get3A_159 = vector.load %arg3[%get3A_157, %get3A_158] : memref<2x128xf32, #tpu.memory_space<vmem>>, vector<1x128xf32>
    %reduce_sum3A_160 = arith.constant dense<0.000000e+00> : vector<128xf32>
    %reduce_sum3A_161 = vector.multi_reduction <add>, %add3A_146, %reduce_sum3A_160 [0] : vector<256x128xf32> to vector<128xf32>
    %broadcast_in_dim3A_162 = vector.shape_cast %reduce_sum3A_161 : vector<128xf32> to vector<1x128xf32>
    %add3A_163 = arith.addf %get3A_159, %broadcast_in_dim3A_162 : vector<1x128xf32>
    %swap3A_164 = arith.constant 1 : index
    %swap3A_165 = arith.constant 0 : index
    %swap3A_166 = vector.load %arg3[%swap3A_164, %swap3A_165] : memref<2x128xf32, #tpu.memory_space<vmem>>, vector<1x128xf32>
    tpu.vector_store %arg3[%swap3A_164, %swap3A_165], %add3A_163 {strides = array<i32>} : memref<2x128xf32, #tpu.memory_space<vmem>>, vector<1x128xf32>,
    return
  }
  func.func @transform_0(%arg0: i32) -> (i32, i32, i32) {
    %c0_i32 = arith.constant 0 : i32
    %c0_i32_0 = arith.constant 0 : i32
    %c0_i32_1 = arith.constant 0 : i32
    return %c0_i32, %arg0, %c0_i32_0 : i32, i32, i32
  }
  func.func @transform_1(%arg0: i32) -> (i32, i32) {
    %c0_i32 = arith.constant 0 : i32
    %c0_i32_0 = arith.constant 0 : i32
    return %arg0, %c0_i32 : i32, i32
  }
  func.func @transform_2(%arg0: i32) -> (i32, i32) {
    %c0_i32 = arith.constant 0 : i32
    %c0_i32_0 = arith.constant 0 : i32
    %c0_i32_1 = arith.constant 0 : i32
    return %c0_i32, %c0_i32_0 : i32, i32
  }
}

module attributes {stable_mosaic.version = 14 : i64} {
  func.func @_main_kernel(%arg0: i32, %arg1: memref<16x256x128xf32, #tpu.memory_space<vmem>>, %arg2: memref<256x128xf32, #tpu.memory_space<vmem>>, %arg3: memref<1x128xf32, #tpu.memory_space<vmem>>, %arg4: memref<1x128xf32, #tpu.memory_space<vmem>>, %arg5: memref<128x128xf32, #tpu.memory_space<vmem>>, %arg6: memref<256x128xf32, #tpu.memory_space<vmem>>, %arg7: memref<256x128xf32, #tpu.memory_space<vmem>>, %arg8: memref<2x128xf32, #tpu.memory_space<vmem>>) attributes {dimension_semantics = [#tpu.dimension_semantics<arbitrary>], iteration_bounds = array<i64: 16>, scalar_prefetch = 0 : i64, scratch_operands = 0 : i64, tpu.core_type = #tpu.core_type<tc>, window_params = [{transform_indices = @transform_0, window_bounds = array<i64: 16, 256, 128>}, {transform_indices = @transform_1, window_bounds = array<i64: 256, 128>}, {pipeline_mode = #tpu.pipeline_mode<synchronous>, transform_indices = @transform_2, window_bounds = array<i64: 1, 128>}, {pipeline_mode = #tpu.pipeline_mode<synchronous>, transform_indices = @transform_3, window_bounds = array<i64: 1, 128>}, {pipeline_mode = #tpu.pipeline_mode<synchronous>, transform_indices = @transform_4, window_bounds = array<i64: 128, 128>}, {transform_indices = @transform_5, window_bounds = array<i64: 256, 128>}, {transform_indices = @transform_6, window_bounds = array<i64: 256, 128>}, {pipeline_mode = #tpu.pipeline_mode<synchronous>, transform_indices = @transform_7, window_bounds = array<i64: 2, 128>}]} {
    %get3A = arith.constant 0 : index
    %get3A_0 = arith.constant 0 : index
    %get3A_1 = vector.load %arg2[%get3A, %get3A_0] : memref<256x128xf32, #tpu.memory_space<vmem>>, vector<256x128xf32>
    %get3A_2 = arith.constant 0 : index
    %get3A_3 = arith.constant 0 : index
    %get3A_4 = vector.load %arg3[%get3A_2, %get3A_3] : memref<1x128xf32, #tpu.memory_space<vmem>>, vector<1x128xf32>
    %mul3A = vector.broadcast %get3A_4 : vector<1x128xf32> to vector<256x128xf32>
    %mul3A_5 = arith.mulf %get3A_1, %mul3A : vector<256x128xf32>
    %get3A_6 = arith.constant 0 : index
    %get3A_7 = arith.constant 0 : index
    %get3A_8 = vector.load %arg4[%get3A_6, %get3A_7] : memref<1x128xf32, #tpu.memory_space<vmem>>, vector<1x128xf32>
    %add3A = vector.broadcast %get3A_8 : vector<1x128xf32> to vector<256x128xf32>
    %add3A_9 = arith.addf %mul3A_5, %add3A : vector<256x128xf32>
    %get3A_10 = arith.constant 0 : index
    %get3A_11 = arith.constant 0 : index
    %get3A_12 = vector.load %arg3[%get3A_10, %get3A_11] : memref<1x128xf32, #tpu.memory_space<vmem>>, vector<1x128xf32>
    %get3A_13 = arith.constant 0 : index
    %get3A_14 = arith.constant 0 : index
    %get3A_15 = vector.load %arg5[%get3A_13, %get3A_14] : memref<128x128xf32, #tpu.memory_space<vmem>>, vector<128x128xf32>
    %broadcast_in_dim3A = arith.constant 0.000000e+00 : f32
    %broadcast_in_dim3A_16 = vector.broadcast %broadcast_in_dim3A : f32 to vector<256x128xf32>
    %broadcast_in_dim3A_17 = arith.constant 0.000000e+00 : f32
    %broadcast_in_dim3A_18 = vector.broadcast %broadcast_in_dim3A_17 : f32 to vector<256x128xf32>
    %get3A_19 = arith.constant 0 : index
    %get3A_20 = arith.constant 0 : index
    %get3A_21 = arith.constant 0 : index
    %get3A_22 = vector.load %arg1[%get3A_19, %get3A_20, %get3A_21] : memref<16x256x128xf32, #tpu.memory_space<vmem>>, vector<1x256x128xf32>
    %get3A_23 = vector.shape_cast %get3A_22 : vector<1x256x128xf32> to vector<256x128xf32>
    %mul3A_24 = vector.broadcast %get3A_12 : vector<1x128xf32> to vector<256x128xf32>
    %mul3A_25 = arith.mulf %get3A_23, %mul3A_24 : vector<256x128xf32>
    %add3A_26 = arith.addf %mul3A_25, %add3A_9 : vector<256x128xf32>
    %max3A = arith.constant 0.000000e+00 : f32
    %max3A_27 = vector.broadcast %max3A : f32 to vector<256x128xf32>
    %max3A_28 = arith.maximumf %add3A_26, %max3A_27 : vector<256x128xf32>
    %dot_general3A = arith.constant dense<0.000000e+00> : vector<256x128xf32>
    %dot_general3A_29 = tpu.matmul %max3A_28, %get3A_15, %dot_general3A {dimension_numbers = #tpu.dot_dimension_numbers<[1], [0], [0], [1], [0, 0, 1, 1], [], []>, transpose_lhs_hint = false} : vector<256x128xf32>, vector<128x128xf32>, vector<256x128xf32> -> vector<256x128xf32>
    %add3A_30 = arith.addf %broadcast_in_dim3A_16, %dot_general3A_29 : vector<256x128xf32>
    %mul3A_31 = arith.mulf %dot_general3A_29, %dot_general3A_29 : vector<256x128xf32>
    %add3A_32 = arith.addf %broadcast_in_dim3A_18, %mul3A_31 : vector<256x128xf32>
    %get3A_33 = arith.constant 1 : index
    %get3A_34 = arith.constant 0 : index
    %get3A_35 = arith.constant 0 : index
    %get3A_36 = vector.load %arg1[%get3A_33, %get3A_34, %get3A_35] : memref<16x256x128xf32, #tpu.memory_space<vmem>>, vector<1x256x128xf32>
    %get3A_37 = vector.shape_cast %get3A_36 : vector<1x256x128xf32> to vector<256x128xf32>
    %mul3A_38 = vector.broadcast %get3A_12 : vector<1x128xf32> to vector<256x128xf32>
    %mul3A_39 = arith.mulf %get3A_37, %mul3A_38 : vector<256x128xf32>
    %add3A_40 = arith.addf %mul3A_39, %add3A_9 : vector<256x128xf32>
    %max3A_41 = arith.constant 0.000000e+00 : f32
    %max3A_42 = vector.broadcast %max3A_41 : f32 to vector<256x128xf32>
    %max3A_43 = arith.maximumf %add3A_40, %max3A_42 : vector<256x128xf32>
    %dot_general3A_44 = arith.constant dense<0.000000e+00> : vector<256x128xf32>
    %dot_general3A_45 = tpu.matmul %max3A_43, %get3A_15, %dot_general3A_44 {dimension_numbers = #tpu.dot_dimension_numbers<[1], [0], [0], [1], [0, 0, 1, 1], [], []>, transpose_lhs_hint = false} : vector<256x128xf32>, vector<128x128xf32>, vector<256x128xf32> -> vector<256x128xf32>
    %add3A_46 = arith.addf %add3A_30, %dot_general3A_45 : vector<256x128xf32>
    %mul3A_47 = arith.mulf %dot_general3A_45, %dot_general3A_45 : vector<256x128xf32>
    %add3A_48 = arith.addf %add3A_32, %mul3A_47 : vector<256x128xf32>
    %max3A_49 = arith.maximumf %dot_general3A_29, %dot_general3A_45 : vector<256x128xf32>
    %min3A = arith.minimumf %dot_general3A_29, %dot_general3A_45 : vector<256x128xf32>
    %get3A_50 = arith.constant 2 : index
    %get3A_51 = arith.constant 0 : index
    %get3A_52 = arith.constant 0 : index
    %get3A_53 = vector.load %arg1[%get3A_50, %get3A_51, %get3A_52] : memref<16x256x128xf32, #tpu.memory_space<vmem>>, vector<1x256x128xf32>
    %get3A_54 = vector.shape_cast %get3A_53 : vector<1x256x128xf32> to vector<256x128xf32>
    %mul3A_55 = vector.broadcast %get3A_12 : vector<1x128xf32> to vector<256x128xf32>
    %mul3A_56 = arith.mulf %get3A_54, %mul3A_55 : vector<256x128xf32>
    %add3A_57 = arith.addf %mul3A_56, %add3A_9 : vector<256x128xf32>
    %max3A_58 = arith.constant 0.000000e+00 : f32
    %max3A_59 = vector.broadcast %max3A_58 : f32 to vector<256x128xf32>
    %max3A_60 = arith.maximumf %add3A_57, %max3A_59 : vector<256x128xf32>
    %dot_general3A_61 = arith.constant dense<0.000000e+00> : vector<256x128xf32>
    %dot_general3A_62 = tpu.matmul %max3A_60, %get3A_15, %dot_general3A_61 {dimension_numbers = #tpu.dot_dimension_numbers<[1], [0], [0], [1], [0, 0, 1, 1], [], []>, transpose_lhs_hint = false} : vector<256x128xf32>, vector<128x128xf32>, vector<256x128xf32> -> vector<256x128xf32>
    %add3A_63 = arith.addf %add3A_46, %dot_general3A_62 : vector<256x128xf32>
    %mul3A_64 = arith.mulf %dot_general3A_62, %dot_general3A_62 : vector<256x128xf32>
    %add3A_65 = arith.addf %add3A_48, %mul3A_64 : vector<256x128xf32>
    %max3A_66 = arith.maximumf %max3A_49, %dot_general3A_62 : vector<256x128xf32>
    %min3A_67 = arith.minimumf %min3A, %dot_general3A_62 : vector<256x128xf32>
    %get3A_68 = arith.constant 3 : index
    %get3A_69 = arith.constant 0 : index
    %get3A_70 = arith.constant 0 : index
    %get3A_71 = vector.load %arg1[%get3A_68, %get3A_69, %get3A_70] : memref<16x256x128xf32, #tpu.memory_space<vmem>>, vector<1x256x128xf32>
    %get3A_72 = vector.shape_cast %get3A_71 : vector<1x256x128xf32> to vector<256x128xf32>
    %mul3A_73 = vector.broadcast %get3A_12 : vector<1x128xf32> to vector<256x128xf32>
    %mul3A_74 = arith.mulf %get3A_72, %mul3A_73 : vector<256x128xf32>
    %add3A_75 = arith.addf %mul3A_74, %add3A_9 : vector<256x128xf32>
    %max3A_76 = arith.constant 0.000000e+00 : f32
    %max3A_77 = vector.broadcast %max3A_76 : f32 to vector<256x128xf32>
    %max3A_78 = arith.maximumf %add3A_75, %max3A_77 : vector<256x128xf32>
    %dot_general3A_79 = arith.constant dense<0.000000e+00> : vector<256x128xf32>
    %dot_general3A_80 = tpu.matmul %max3A_78, %get3A_15, %dot_general3A_79 {dimension_numbers = #tpu.dot_dimension_numbers<[1], [0], [0], [1], [0, 0, 1, 1], [], []>, transpose_lhs_hint = false} : vector<256x128xf32>, vector<128x128xf32>, vector<256x128xf32> -> vector<256x128xf32>
    %add3A_81 = arith.addf %add3A_63, %dot_general3A_80 : vector<256x128xf32>
    %mul3A_82 = arith.mulf %dot_general3A_80, %dot_general3A_80 : vector<256x128xf32>
    %add3A_83 = arith.addf %add3A_65, %mul3A_82 : vector<256x128xf32>
    %max3A_84 = arith.maximumf %max3A_66, %dot_general3A_80 : vector<256x128xf32>
    %min3A_85 = arith.minimumf %min3A_67, %dot_general3A_80 : vector<256x128xf32>
    %get3A_86 = arith.constant 4 : index
    %get3A_87 = arith.constant 0 : index
    %get3A_88 = arith.constant 0 : index
    %get3A_89 = vector.load %arg1[%get3A_86, %get3A_87, %get3A_88] : memref<16x256x128xf32, #tpu.memory_space<vmem>>, vector<1x256x128xf32>
    %get3A_90 = vector.shape_cast %get3A_89 : vector<1x256x128xf32> to vector<256x128xf32>
    %mul3A_91 = vector.broadcast %get3A_12 : vector<1x128xf32> to vector<256x128xf32>
    %mul3A_92 = arith.mulf %get3A_90, %mul3A_91 : vector<256x128xf32>
    %add3A_93 = arith.addf %mul3A_92, %add3A_9 : vector<256x128xf32>
    %max3A_94 = arith.constant 0.000000e+00 : f32
    %max3A_95 = vector.broadcast %max3A_94 : f32 to vector<256x128xf32>
    %max3A_96 = arith.maximumf %add3A_93, %max3A_95 : vector<256x128xf32>
    %dot_general3A_97 = arith.constant dense<0.000000e+00> : vector<256x128xf32>
    %dot_general3A_98 = tpu.matmul %max3A_96, %get3A_15, %dot_general3A_97 {dimension_numbers = #tpu.dot_dimension_numbers<[1], [0], [0], [1], [0, 0, 1, 1], [], []>, transpose_lhs_hint = false} : vector<256x128xf32>, vector<128x128xf32>, vector<256x128xf32> -> vector<256x128xf32>
    %add3A_99 = arith.addf %add3A_81, %dot_general3A_98 : vector<256x128xf32>
    %mul3A_100 = arith.mulf %dot_general3A_98, %dot_general3A_98 : vector<256x128xf32>
    %add3A_101 = arith.addf %add3A_83, %mul3A_100 : vector<256x128xf32>
    %max3A_102 = arith.maximumf %max3A_84, %dot_general3A_98 : vector<256x128xf32>
    %min3A_103 = arith.minimumf %min3A_85, %dot_general3A_98 : vector<256x128xf32>
    %get3A_104 = arith.constant 5 : index
    %get3A_105 = arith.constant 0 : index
    %get3A_106 = arith.constant 0 : index
    %get3A_107 = vector.load %arg1[%get3A_104, %get3A_105, %get3A_106] : memref<16x256x128xf32, #tpu.memory_space<vmem>>, vector<1x256x128xf32>
    %get3A_108 = vector.shape_cast %get3A_107 : vector<1x256x128xf32> to vector<256x128xf32>
    %mul3A_109 = vector.broadcast %get3A_12 : vector<1x128xf32> to vector<256x128xf32>
    %mul3A_110 = arith.mulf %get3A_108, %mul3A_109 : vector<256x128xf32>
    %add3A_111 = arith.addf %mul3A_110, %add3A_9 : vector<256x128xf32>
    %max3A_112 = arith.constant 0.000000e+00 : f32
    %max3A_113 = vector.broadcast %max3A_112 : f32 to vector<256x128xf32>
    %max3A_114 = arith.maximumf %add3A_111, %max3A_113 : vector<256x128xf32>
    %dot_general3A_115 = arith.constant dense<0.000000e+00> : vector<256x128xf32>
    %dot_general3A_116 = tpu.matmul %max3A_114, %get3A_15, %dot_general3A_115 {dimension_numbers = #tpu.dot_dimension_numbers<[1], [0], [0], [1], [0, 0, 1, 1], [], []>, transpose_lhs_hint = false} : vector<256x128xf32>, vector<128x128xf32>, vector<256x128xf32> -> vector<256x128xf32>
    %add3A_117 = arith.addf %add3A_99, %dot_general3A_116 : vector<256x128xf32>
    %mul3A_118 = arith.mulf %dot_general3A_116, %dot_general3A_116 : vector<256x128xf32>
    %add3A_119 = arith.addf %add3A_101, %mul3A_118 : vector<256x128xf32>
    %max3A_120 = arith.maximumf %max3A_102, %dot_general3A_116 : vector<256x128xf32>
    %min3A_121 = arith.minimumf %min3A_103, %dot_general3A_116 : vector<256x128xf32>
    %get3A_122 = arith.constant 6 : index
    %get3A_123 = arith.constant 0 : index
    %get3A_124 = arith.constant 0 : index
    %get3A_125 = vector.load %arg1[%get3A_122, %get3A_123, %get3A_124] : memref<16x256x128xf32, #tpu.memory_space<vmem>>, vector<1x256x128xf32>
    %get3A_126 = vector.shape_cast %get3A_125 : vector<1x256x128xf32> to vector<256x128xf32>
    %mul3A_127 = vector.broadcast %get3A_12 : vector<1x128xf32> to vector<256x128xf32>
    %mul3A_128 = arith.mulf %get3A_126, %mul3A_127 : vector<256x128xf32>
    %add3A_129 = arith.addf %mul3A_128, %add3A_9 : vector<256x128xf32>
    %max3A_130 = arith.constant 0.000000e+00 : f32
    %max3A_131 = vector.broadcast %max3A_130 : f32 to vector<256x128xf32>
    %max3A_132 = arith.maximumf %add3A_129, %max3A_131 : vector<256x128xf32>
    %dot_general3A_133 = arith.constant dense<0.000000e+00> : vector<256x128xf32>
    %dot_general3A_134 = tpu.matmul %max3A_132, %get3A_15, %dot_general3A_133 {dimension_numbers = #tpu.dot_dimension_numbers<[1], [0], [0], [1], [0, 0, 1, 1], [], []>, transpose_lhs_hint = false} : vector<256x128xf32>, vector<128x128xf32>, vector<256x128xf32> -> vector<256x128xf32>
    %add3A_135 = arith.addf %add3A_117, %dot_general3A_134 : vector<256x128xf32>
    %mul3A_136 = arith.mulf %dot_general3A_134, %dot_general3A_134 : vector<256x128xf32>
    %add3A_137 = arith.addf %add3A_119, %mul3A_136 : vector<256x128xf32>
    %max3A_138 = arith.maximumf %max3A_120, %dot_general3A_134 : vector<256x128xf32>
    %min3A_139 = arith.minimumf %min3A_121, %dot_general3A_134 : vector<256x128xf32>
    %get3A_140 = arith.constant 7 : index
    %get3A_141 = arith.constant 0 : index
    %get3A_142 = arith.constant 0 : index
    %get3A_143 = vector.load %arg1[%get3A_140, %get3A_141, %get3A_142] : memref<16x256x128xf32, #tpu.memory_space<vmem>>, vector<1x256x128xf32>
    %get3A_144 = vector.shape_cast %get3A_143 : vector<1x256x128xf32> to vector<256x128xf32>
    %mul3A_145 = vector.broadcast %get3A_12 : vector<1x128xf32> to vector<256x128xf32>
    %mul3A_146 = arith.mulf %get3A_144, %mul3A_145 : vector<256x128xf32>
    %add3A_147 = arith.addf %mul3A_146, %add3A_9 : vector<256x128xf32>
    %max3A_148 = arith.constant 0.000000e+00 : f32
    %max3A_149 = vector.broadcast %max3A_148 : f32 to vector<256x128xf32>
    %max3A_150 = arith.maximumf %add3A_147, %max3A_149 : vector<256x128xf32>
    %dot_general3A_151 = arith.constant dense<0.000000e+00> : vector<256x128xf32>
    %dot_general3A_152 = tpu.matmul %max3A_150, %get3A_15, %dot_general3A_151 {dimension_numbers = #tpu.dot_dimension_numbers<[1], [0], [0], [1], [0, 0, 1, 1], [], []>, transpose_lhs_hint = false} : vector<256x128xf32>, vector<128x128xf32>, vector<256x128xf32> -> vector<256x128xf32>
    %add3A_153 = arith.addf %add3A_135, %dot_general3A_152 : vector<256x128xf32>
    %mul3A_154 = arith.mulf %dot_general3A_152, %dot_general3A_152 : vector<256x128xf32>
    %add3A_155 = arith.addf %add3A_137, %mul3A_154 : vector<256x128xf32>
    %max3A_156 = arith.maximumf %max3A_138, %dot_general3A_152 : vector<256x128xf32>
    %min3A_157 = arith.minimumf %min3A_139, %dot_general3A_152 : vector<256x128xf32>
    %get3A_158 = arith.constant 8 : index
    %get3A_159 = arith.constant 0 : index
    %get3A_160 = arith.constant 0 : index
    %get3A_161 = vector.load %arg1[%get3A_158, %get3A_159, %get3A_160] : memref<16x256x128xf32, #tpu.memory_space<vmem>>, vector<1x256x128xf32>
    %get3A_162 = vector.shape_cast %get3A_161 : vector<1x256x128xf32> to vector<256x128xf32>
    %mul3A_163 = vector.broadcast %get3A_12 : vector<1x128xf32> to vector<256x128xf32>
    %mul3A_164 = arith.mulf %get3A_162, %mul3A_163 : vector<256x128xf32>
    %add3A_165 = arith.addf %mul3A_164, %add3A_9 : vector<256x128xf32>
    %max3A_166 = arith.constant 0.000000e+00 : f32
    %max3A_167 = vector.broadcast %max3A_166 : f32 to vector<256x128xf32>
    %max3A_168 = arith.maximumf %add3A_165, %max3A_167 : vector<256x128xf32>
    %dot_general3A_169 = arith.constant dense<0.000000e+00> : vector<256x128xf32>
    %dot_general3A_170 = tpu.matmul %max3A_168, %get3A_15, %dot_general3A_169 {dimension_numbers = #tpu.dot_dimension_numbers<[1], [0], [0], [1], [0, 0, 1, 1], [], []>, transpose_lhs_hint = false} : vector<256x128xf32>, vector<128x128xf32>, vector<256x128xf32> -> vector<256x128xf32>
    %add3A_171 = arith.addf %add3A_153, %dot_general3A_170 : vector<256x128xf32>
    %mul3A_172 = arith.mulf %dot_general3A_170, %dot_general3A_170 : vector<256x128xf32>
    %add3A_173 = arith.addf %add3A_155, %mul3A_172 : vector<256x128xf32>
    %max3A_174 = arith.maximumf %max3A_156, %dot_general3A_170 : vector<256x128xf32>
    %min3A_175 = arith.minimumf %min3A_157, %dot_general3A_170 : vector<256x128xf32>
    %get3A_176 = arith.constant 9 : index
    %get3A_177 = arith.constant 0 : index
    %get3A_178 = arith.constant 0 : index
    %get3A_179 = vector.load %arg1[%get3A_176, %get3A_177, %get3A_178] : memref<16x256x128xf32, #tpu.memory_space<vmem>>, vector<1x256x128xf32>
    %get3A_180 = vector.shape_cast %get3A_179 : vector<1x256x128xf32> to vector<256x128xf32>
    %mul3A_181 = vector.broadcast %get3A_12 : vector<1x128xf32> to vector<256x128xf32>
    %mul3A_182 = arith.mulf %get3A_180, %mul3A_181 : vector<256x128xf32>
    %add3A_183 = arith.addf %mul3A_182, %add3A_9 : vector<256x128xf32>
    %max3A_184 = arith.constant 0.000000e+00 : f32
    %max3A_185 = vector.broadcast %max3A_184 : f32 to vector<256x128xf32>
    %max3A_186 = arith.maximumf %add3A_183, %max3A_185 : vector<256x128xf32>
    %dot_general3A_187 = arith.constant dense<0.000000e+00> : vector<256x128xf32>
    %dot_general3A_188 = tpu.matmul %max3A_186, %get3A_15, %dot_general3A_187 {dimension_numbers = #tpu.dot_dimension_numbers<[1], [0], [0], [1], [0, 0, 1, 1], [], []>, transpose_lhs_hint = false} : vector<256x128xf32>, vector<128x128xf32>, vector<256x128xf32> -> vector<256x128xf32>
    %add3A_189 = arith.addf %add3A_171, %dot_general3A_188 : vector<256x128xf32>
    %mul3A_190 = arith.mulf %dot_general3A_188, %dot_general3A_188 : vector<256x128xf32>
    %add3A_191 = arith.addf %add3A_173, %mul3A_190 : vector<256x128xf32>
    %max3A_192 = arith.maximumf %max3A_174, %dot_general3A_188 : vector<256x128xf32>
    %min3A_193 = arith.minimumf %min3A_175, %dot_general3A_188 : vector<256x128xf32>
    %get3A_194 = arith.constant 10 : index
    %get3A_195 = arith.constant 0 : index
    %get3A_196 = arith.constant 0 : index
    %get3A_197 = vector.load %arg1[%get3A_194, %get3A_195, %get3A_196] : memref<16x256x128xf32, #tpu.memory_space<vmem>>, vector<1x256x128xf32>
    %get3A_198 = vector.shape_cast %get3A_197 : vector<1x256x128xf32> to vector<256x128xf32>
    %mul3A_199 = vector.broadcast %get3A_12 : vector<1x128xf32> to vector<256x128xf32>
    %mul3A_200 = arith.mulf %get3A_198, %mul3A_199 : vector<256x128xf32>
    %add3A_201 = arith.addf %mul3A_200, %add3A_9 : vector<256x128xf32>
    %max3A_202 = arith.constant 0.000000e+00 : f32
    %max3A_203 = vector.broadcast %max3A_202 : f32 to vector<256x128xf32>
    %max3A_204 = arith.maximumf %add3A_201, %max3A_203 : vector<256x128xf32>
    %dot_general3A_205 = arith.constant dense<0.000000e+00> : vector<256x128xf32>
    %dot_general3A_206 = tpu.matmul %max3A_204, %get3A_15, %dot_general3A_205 {dimension_numbers = #tpu.dot_dimension_numbers<[1], [0], [0], [1], [0, 0, 1, 1], [], []>, transpose_lhs_hint = false} : vector<256x128xf32>, vector<128x128xf32>, vector<256x128xf32> -> vector<256x128xf32>
    %add3A_207 = arith.addf %add3A_189, %dot_general3A_206 : vector<256x128xf32>
    %mul3A_208 = arith.mulf %dot_general3A_206, %dot_general3A_206 : vector<256x128xf32>
    %add3A_209 = arith.addf %add3A_191, %mul3A_208 : vector<256x128xf32>
    %max3A_210 = arith.maximumf %max3A_192, %dot_general3A_206 : vector<256x128xf32>
    %min3A_211 = arith.minimumf %min3A_193, %dot_general3A_206 : vector<256x128xf32>
    %get3A_212 = arith.constant 11 : index
    %get3A_213 = arith.constant 0 : index
    %get3A_214 = arith.constant 0 : index
    %get3A_215 = vector.load %arg1[%get3A_212, %get3A_213, %get3A_214] : memref<16x256x128xf32, #tpu.memory_space<vmem>>, vector<1x256x128xf32>
    %get3A_216 = vector.shape_cast %get3A_215 : vector<1x256x128xf32> to vector<256x128xf32>
    %mul3A_217 = vector.broadcast %get3A_12 : vector<1x128xf32> to vector<256x128xf32>
    %mul3A_218 = arith.mulf %get3A_216, %mul3A_217 : vector<256x128xf32>
    %add3A_219 = arith.addf %mul3A_218, %add3A_9 : vector<256x128xf32>
    %max3A_220 = arith.constant 0.000000e+00 : f32
    %max3A_221 = vector.broadcast %max3A_220 : f32 to vector<256x128xf32>
    %max3A_222 = arith.maximumf %add3A_219, %max3A_221 : vector<256x128xf32>
    %dot_general3A_223 = arith.constant dense<0.000000e+00> : vector<256x128xf32>
    %dot_general3A_224 = tpu.matmul %max3A_222, %get3A_15, %dot_general3A_223 {dimension_numbers = #tpu.dot_dimension_numbers<[1], [0], [0], [1], [0, 0, 1, 1], [], []>, transpose_lhs_hint = false} : vector<256x128xf32>, vector<128x128xf32>, vector<256x128xf32> -> vector<256x128xf32>
    %add3A_225 = arith.addf %add3A_207, %dot_general3A_224 : vector<256x128xf32>
    %mul3A_226 = arith.mulf %dot_general3A_224, %dot_general3A_224 : vector<256x128xf32>
    %add3A_227 = arith.addf %add3A_209, %mul3A_226 : vector<256x128xf32>
    %max3A_228 = arith.maximumf %max3A_210, %dot_general3A_224 : vector<256x128xf32>
    %min3A_229 = arith.minimumf %min3A_211, %dot_general3A_224 : vector<256x128xf32>
    %get3A_230 = arith.constant 12 : index
    %get3A_231 = arith.constant 0 : index
    %get3A_232 = arith.constant 0 : index
    %get3A_233 = vector.load %arg1[%get3A_230, %get3A_231, %get3A_232] : memref<16x256x128xf32, #tpu.memory_space<vmem>>, vector<1x256x128xf32>
    %get3A_234 = vector.shape_cast %get3A_233 : vector<1x256x128xf32> to vector<256x128xf32>
    %mul3A_235 = vector.broadcast %get3A_12 : vector<1x128xf32> to vector<256x128xf32>
    %mul3A_236 = arith.mulf %get3A_234, %mul3A_235 : vector<256x128xf32>
    %add3A_237 = arith.addf %mul3A_236, %add3A_9 : vector<256x128xf32>
    %max3A_238 = arith.constant 0.000000e+00 : f32
    %max3A_239 = vector.broadcast %max3A_238 : f32 to vector<256x128xf32>
    %max3A_240 = arith.maximumf %add3A_237, %max3A_239 : vector<256x128xf32>
    %dot_general3A_241 = arith.constant dense<0.000000e+00> : vector<256x128xf32>
    %dot_general3A_242 = tpu.matmul %max3A_240, %get3A_15, %dot_general3A_241 {dimension_numbers = #tpu.dot_dimension_numbers<[1], [0], [0], [1], [0, 0, 1, 1], [], []>, transpose_lhs_hint = false} : vector<256x128xf32>, vector<128x128xf32>, vector<256x128xf32> -> vector<256x128xf32>
    %add3A_243 = arith.addf %add3A_225, %dot_general3A_242 : vector<256x128xf32>
    %mul3A_244 = arith.mulf %dot_general3A_242, %dot_general3A_242 : vector<256x128xf32>
    %add3A_245 = arith.addf %add3A_227, %mul3A_244 : vector<256x128xf32>
    %max3A_246 = arith.maximumf %max3A_228, %dot_general3A_242 : vector<256x128xf32>
    %min3A_247 = arith.minimumf %min3A_229, %dot_general3A_242 : vector<256x128xf32>
    %get3A_248 = arith.constant 13 : index
    %get3A_249 = arith.constant 0 : index
    %get3A_250 = arith.constant 0 : index
    %get3A_251 = vector.load %arg1[%get3A_248, %get3A_249, %get3A_250] : memref<16x256x128xf32, #tpu.memory_space<vmem>>, vector<1x256x128xf32>
    %get3A_252 = vector.shape_cast %get3A_251 : vector<1x256x128xf32> to vector<256x128xf32>
    %mul3A_253 = vector.broadcast %get3A_12 : vector<1x128xf32> to vector<256x128xf32>
    %mul3A_254 = arith.mulf %get3A_252, %mul3A_253 : vector<256x128xf32>
    %add3A_255 = arith.addf %mul3A_254, %add3A_9 : vector<256x128xf32>
    %max3A_256 = arith.constant 0.000000e+00 : f32
    %max3A_257 = vector.broadcast %max3A_256 : f32 to vector<256x128xf32>
    %max3A_258 = arith.maximumf %add3A_255, %max3A_257 : vector<256x128xf32>
    %dot_general3A_259 = arith.constant dense<0.000000e+00> : vector<256x128xf32>
    %dot_general3A_260 = tpu.matmul %max3A_258, %get3A_15, %dot_general3A_259 {dimension_numbers = #tpu.dot_dimension_numbers<[1], [0], [0], [1], [0, 0, 1, 1], [], []>, transpose_lhs_hint = false} : vector<256x128xf32>, vector<128x128xf32>, vector<256x128xf32> -> vector<256x128xf32>
    %add3A_261 = arith.addf %add3A_243, %dot_general3A_260 : vector<256x128xf32>
    %mul3A_262 = arith.mulf %dot_general3A_260, %dot_general3A_260 : vector<256x128xf32>
    %add3A_263 = arith.addf %add3A_245, %mul3A_262 : vector<256x128xf32>
    %max3A_264 = arith.maximumf %max3A_246, %dot_general3A_260 : vector<256x128xf32>
    %min3A_265 = arith.minimumf %min3A_247, %dot_general3A_260 : vector<256x128xf32>
    %get3A_266 = arith.constant 14 : index
    %get3A_267 = arith.constant 0 : index
    %get3A_268 = arith.constant 0 : index
    %get3A_269 = vector.load %arg1[%get3A_266, %get3A_267, %get3A_268] : memref<16x256x128xf32, #tpu.memory_space<vmem>>, vector<1x256x128xf32>
    %get3A_270 = vector.shape_cast %get3A_269 : vector<1x256x128xf32> to vector<256x128xf32>
    %mul3A_271 = vector.broadcast %get3A_12 : vector<1x128xf32> to vector<256x128xf32>
    %mul3A_272 = arith.mulf %get3A_270, %mul3A_271 : vector<256x128xf32>
    %add3A_273 = arith.addf %mul3A_272, %add3A_9 : vector<256x128xf32>
    %max3A_274 = arith.constant 0.000000e+00 : f32
    %max3A_275 = vector.broadcast %max3A_274 : f32 to vector<256x128xf32>
    %max3A_276 = arith.maximumf %add3A_273, %max3A_275 : vector<256x128xf32>
    %dot_general3A_277 = arith.constant dense<0.000000e+00> : vector<256x128xf32>
    %dot_general3A_278 = tpu.matmul %max3A_276, %get3A_15, %dot_general3A_277 {dimension_numbers = #tpu.dot_dimension_numbers<[1], [0], [0], [1], [0, 0, 1, 1], [], []>, transpose_lhs_hint = false} : vector<256x128xf32>, vector<128x128xf32>, vector<256x128xf32> -> vector<256x128xf32>
    %add3A_279 = arith.addf %add3A_261, %dot_general3A_278 : vector<256x128xf32>
    %mul3A_280 = arith.mulf %dot_general3A_278, %dot_general3A_278 : vector<256x128xf32>
    %add3A_281 = arith.addf %add3A_263, %mul3A_280 : vector<256x128xf32>
    %max3A_282 = arith.maximumf %max3A_264, %dot_general3A_278 : vector<256x128xf32>
    %min3A_283 = arith.minimumf %min3A_265, %dot_general3A_278 : vector<256x128xf32>
    %get3A_284 = arith.constant 15 : index
    %get3A_285 = arith.constant 0 : index
    %get3A_286 = arith.constant 0 : index
    %get3A_287 = vector.load %arg1[%get3A_284, %get3A_285, %get3A_286] : memref<16x256x128xf32, #tpu.memory_space<vmem>>, vector<1x256x128xf32>
    %get3A_288 = vector.shape_cast %get3A_287 : vector<1x256x128xf32> to vector<256x128xf32>
    %mul3A_289 = vector.broadcast %get3A_12 : vector<1x128xf32> to vector<256x128xf32>
    %mul3A_290 = arith.mulf %get3A_288, %mul3A_289 : vector<256x128xf32>
    %add3A_291 = arith.addf %mul3A_290, %add3A_9 : vector<256x128xf32>
    %max3A_292 = arith.constant 0.000000e+00 : f32
    %max3A_293 = vector.broadcast %max3A_292 : f32 to vector<256x128xf32>
    %max3A_294 = arith.maximumf %add3A_291, %max3A_293 : vector<256x128xf32>
    %dot_general3A_295 = arith.constant dense<0.000000e+00> : vector<256x128xf32>
    %dot_general3A_296 = tpu.matmul %max3A_294, %get3A_15, %dot_general3A_295 {dimension_numbers = #tpu.dot_dimension_numbers<[1], [0], [0], [1], [0, 0, 1, 1], [], []>, transpose_lhs_hint = false} : vector<256x128xf32>, vector<128x128xf32>, vector<256x128xf32> -> vector<256x128xf32>
    %add3A_297 = arith.addf %add3A_279, %dot_general3A_296 : vector<256x128xf32>
    %mul3A_298 = arith.mulf %dot_general3A_296, %dot_general3A_296 : vector<256x128xf32>
    %add3A_299 = arith.addf %add3A_281, %mul3A_298 : vector<256x128xf32>
    %max3A_300 = arith.maximumf %max3A_282, %dot_general3A_296 : vector<256x128xf32>
    %min3A_301 = arith.minimumf %min3A_283, %dot_general3A_296 : vector<256x128xf32>
    %swap3A = arith.constant 0 : index
    %swap3A_302 = arith.constant 0 : index
    %swap3A_303 = vector.load %arg6[%swap3A, %swap3A_302] : memref<256x128xf32, #tpu.memory_space<vmem>>, vector<256x128xf32>
    tpu.vector_store %arg6[%swap3A, %swap3A_302], %max3A_300 {strides = array<i32>} : memref<256x128xf32, #tpu.memory_space<vmem>>, vector<256x128xf32>,
    %swap3A_304 = arith.constant 0 : index
    %swap3A_305 = arith.constant 0 : index
    %swap3A_306 = vector.load %arg7[%swap3A_304, %swap3A_305] : memref<256x128xf32, #tpu.memory_space<vmem>>, vector<256x128xf32>
    tpu.vector_store %arg7[%swap3A_304, %swap3A_305], %min3A_301 {strides = array<i32>} : memref<256x128xf32, #tpu.memory_space<vmem>>, vector<256x128xf32>,
    %eq3A = arith.constant 0 : i32
    %eq3A_307 = arith.cmpi eq, %arg0, %eq3A : i32
    %convert_element_type3A = arith.extui %eq3A_307 : i1 to i32
    %cond3A = arith.constant 0 : i32
    %cond3A_308 = arith.cmpi ne, %convert_element_type3A, %cond3A : i32
    scf.if %cond3A_308 {
      %broadcast_in_dim3A_328 = arith.constant 0.000000e+00 : f32
      %broadcast_in_dim3A_329 = vector.broadcast %broadcast_in_dim3A_328 : f32 to vector<2x128xf32>
      %swap3A_330 = arith.constant 0 : index
      %swap3A_331 = arith.constant 0 : index
      %swap3A_332 = vector.load %arg8[%swap3A_330, %swap3A_331] : memref<2x128xf32, #tpu.memory_space<vmem>>, vector<2x128xf32>
      tpu.vector_store %arg8[%swap3A_330, %swap3A_331], %broadcast_in_dim3A_329 {strides = array<i32>} : memref<2x128xf32, #tpu.memory_space<vmem>>, vector<2x128xf32>,
    } else {
    }
    %get3A_309 = arith.constant 0 : index
    %get3A_310 = arith.constant 0 : index
    %get3A_311 = vector.load %arg8[%get3A_309, %get3A_310] : memref<2x128xf32, #tpu.memory_space<vmem>>, vector<1x128xf32>
    %reduce_sum3A = arith.constant dense<0.000000e+00> : vector<128xf32>
    %reduce_sum3A_312 = vector.multi_reduction <add>, %add3A_297, %reduce_sum3A [0] : vector<256x128xf32> to vector<128xf32>
    %broadcast_in_dim3A_313 = vector.shape_cast %reduce_sum3A_312 : vector<128xf32> to vector<1x128xf32>
    %add3A_314 = arith.addf %get3A_311, %broadcast_in_dim3A_313 : vector<1x128xf32>
    %swap3A_315 = arith.constant 0 : index
    %swap3A_316 = arith.constant 0 : index
    %swap3A_317 = vector.load %arg8[%swap3A_315, %swap3A_316] : memref<2x128xf32, #tpu.memory_space<vmem>>, vector<1x128xf32>
    tpu.vector_store %arg8[%swap3A_315, %swap3A_316], %add3A_314 {strides = array<i32>} : memref<2x128xf32, #tpu.memory_space<vmem>>, vector<1x128xf32>,
    %get3A_318 = arith.constant 1 : index
    %get3A_319 = arith.constant 0 : index
    %get3A_320 = vector.load %arg8[%get3A_318, %get3A_319] : memref<2x128xf32, #tpu.memory_space<vmem>>, vector<1x128xf32>
    %reduce_sum3A_321 = arith.constant dense<0.000000e+00> : vector<128xf32>
    %reduce_sum3A_322 = vector.multi_reduction <add>, %add3A_299, %reduce_sum3A_321 [0] : vector<256x128xf32> to vector<128xf32>
    %broadcast_in_dim3A_323 = vector.shape_cast %reduce_sum3A_322 : vector<128xf32> to vector<1x128xf32>
    %add3A_324 = arith.addf %get3A_320, %broadcast_in_dim3A_323 : vector<1x128xf32>
    %swap3A_325 = arith.constant 1 : index
    %swap3A_326 = arith.constant 0 : index
    %swap3A_327 = vector.load %arg8[%swap3A_325, %swap3A_326] : memref<2x128xf32, #tpu.memory_space<vmem>>, vector<1x128xf32>
    tpu.vector_store %arg8[%swap3A_325, %swap3A_326], %add3A_324 {strides = array<i32>} : memref<2x128xf32, #tpu.memory_space<vmem>>, vector<1x128xf32>,
    return
  }
  func.func @transform_0(%arg0: i32) -> (i32, i32, i32) {
    %c0_i32 = arith.constant 0 : i32
    %c0_i32_0 = arith.constant 0 : i32
    %c0_i32_1 = arith.constant 0 : i32
    return %c0_i32, %arg0, %c0_i32_0 : i32, i32, i32
  }
  func.func @transform_1(%arg0: i32) -> (i32, i32) {
    %c0_i32 = arith.constant 0 : i32
    %c0_i32_0 = arith.constant 0 : i32
    return %arg0, %c0_i32 : i32, i32
  }
  func.func @transform_2(%arg0: i32) -> (i32, i32) {
    %c0_i32 = arith.constant 0 : i32
    %c0_i32_0 = arith.constant 0 : i32
    %c0_i32_1 = arith.constant 0 : i32
    return %c0_i32, %c0_i32_0 : i32, i32
  }
  func.func @transform_3(%arg0: i32) -> (i32, i32) {
    %c0_i32 = arith.constant 0 : i32
    %c0_i32_0 = arith.constant 0 : i32
    %c0_i32_1 = arith.constant 0 : i32
    return %c0_i32, %c0_i32_0 : i32, i32
  }
  func.func @transform_4(%arg0: i32) -> (i32, i32) {
    %c0_i32 = arith.constant 0 : i32
    %c0_i32_0 = arith.constant 0 : i32
    %c0_i32_1 = arith.constant 0 : i32
    return %c0_i32, %c0_i32_0 : i32, i32
  }
  func.func @transform_5(%arg0: i32) -> (i32, i32) {
    %c0_i32 = arith.constant 0 : i32
    %c0_i32_0 = arith.constant 0 : i32
    return %arg0, %c0_i32 : i32, i32
  }
  func.func @transform_6(%arg0: i32) -> (i32, i32) {
    %c0_i32 = arith.constant 0 : i32
    %c0_i32_0 = arith.constant 0 : i32
    return %arg0, %c0_i32 : i32, i32
  }
  func.func @transform_7(%arg0: i32) -> (i32, i32) {
    %c0_i32 = arith.constant 0 : i32
    %c0_i32_0 = arith.constant 0 : i32
    %c0_i32_1 = arith.constant 0 : i32
    return %c0_i32, %c0_i32_0 : i32, i32
  }
}

module attributes {stable_mosaic.version = 14 : i64} {
  func.func @_epi_kernel(%arg0: i32, %arg1: memref<512x128xf32, #tpu.memory_space<vmem>>, %arg2: memref<512x128xf32, #tpu.memory_space<vmem>>, %arg3: memref<1x128xf32, #tpu.memory_space<vmem>>, %arg4: memref<1x128xf32, #tpu.memory_space<vmem>>, %arg5: memref<512x128xf32, #tpu.memory_space<vmem>>) attributes {dimension_semantics = [#tpu.dimension_semantics<arbitrary>], iteration_bounds = array<i64: 8>, scalar_prefetch = 0 : i64, scratch_operands = 0 : i64, tpu.core_type = #tpu.core_type<tc>, window_params = [{transform_indices = @transform_0, window_bounds = array<i64: 512, 128>}, {transform_indices = @transform_1, window_bounds = array<i64: 512, 128>}, {pipeline_mode = #tpu.pipeline_mode<synchronous>, transform_indices = @transform_2, window_bounds = array<i64: 1, 128>}, {pipeline_mode = #tpu.pipeline_mode<synchronous>, transform_indices = @transform_3, window_bounds = array<i64: 1, 128>}, {transform_indices = @transform_4, window_bounds = array<i64: 512, 128>}]} {
    %get3A = arith.constant 0 : index
    %get3A_0 = arith.constant 0 : index
    %get3A_1 = vector.load %arg3[%get3A, %get3A_0] : memref<1x128xf32, #tpu.memory_space<vmem>>, vector<1x128xf32>
    %get3A_2 = arith.constant 0 : index
    %get3A_3 = arith.constant 0 : index
    %get3A_4 = vector.load %arg4[%get3A_2, %get3A_3] : memref<1x128xf32, #tpu.memory_space<vmem>>, vector<1x128xf32>
    %ge3A = arith.constant 0.000000e+00 : f32
    %ge3A_5 = vector.broadcast %ge3A : f32 to vector<1x128xf32>
    %ge3A_6 = arith.cmpf oge, %get3A_1, %ge3A_5 : vector<1x128xf32>
    %get3A_7 = arith.constant 0 : index
    %get3A_8 = arith.constant 0 : index
    %get3A_9 = vector.load %arg1[%get3A_7, %get3A_8] : memref<512x128xf32, #tpu.memory_space<vmem>>, vector<512x128xf32>
    %get3A_10 = arith.constant 0 : index
    %get3A_11 = arith.constant 0 : index
    %get3A_12 = vector.load %arg2[%get3A_10, %get3A_11] : memref<512x128xf32, #tpu.memory_space<vmem>>, vector<512x128xf32>
    %broadcast_in_dim3A = vector.shape_cast %ge3A_6 : vector<1x128xi1> to vector<1x128xi1>
    %broadcast_in_dim3A_13 = vector.broadcast %broadcast_in_dim3A : vector<1x128xi1> to vector<512x128xi1>
    %select_n3A = arith.select %broadcast_in_dim3A_13, %get3A_9, %get3A_12 : vector<512x128xi1>, vector<512x128xf32>
    %mul3A = vector.broadcast %get3A_1 : vector<1x128xf32> to vector<512x128xf32>
    %mul3A_14 = arith.mulf %select_n3A, %mul3A : vector<512x128xf32>
    %add3A = vector.broadcast %get3A_4 : vector<1x128xf32> to vector<512x128xf32>
    %add3A_15 = arith.addf %mul3A_14, %add3A : vector<512x128xf32>
    %max3A = arith.constant 0.000000e+00 : f32
    %max3A_16 = vector.broadcast %max3A : f32 to vector<512x128xf32>
    %max3A_17 = arith.maximumf %add3A_15, %max3A_16 : vector<512x128xf32>
    %swap3A = arith.constant 0 : index
    %swap3A_18 = arith.constant 0 : index
    %swap3A_19 = vector.load %arg5[%swap3A, %swap3A_18] : memref<512x128xf32, #tpu.memory_space<vmem>>, vector<512x128xf32>
    tpu.vector_store %arg5[%swap3A, %swap3A_18], %max3A_17 {strides = array<i32>} : memref<512x128xf32, #tpu.memory_space<vmem>>, vector<512x128xf32>,
    return
  }
  func.func @transform_0(%arg0: i32) -> (i32, i32) {
    %c0_i32 = arith.constant 0 : i32
    %c0_i32_0 = arith.constant 0 : i32
    return %arg0, %c0_i32 : i32, i32
  }
  func.func @transform_1(%arg0: i32) -> (i32, i32) {
    %c0_i32 = arith.constant 0 : i32
    %c0_i32_0 = arith.constant 0 : i32
    return %arg0, %c0_i32 : i32, i32
  }
  func.func @transform_2(%arg0: i32) -> (i32, i32) {
    %c0_i32 = arith.constant 0 : i32
    %c0_i32_0 = arith.constant 0 : i32
    %c0_i32_1 = arith.constant 0 : i32
    return %c0_i32, %c0_i32_0 : i32, i32
  }
  func.func @transform_3(%arg0: i32) -> (i32, i32) {
    %c0_i32 = arith.constant 0 : i32
    %c0_i32_0 = arith.constant 0 : i32
    %c0_i32_1 = arith.constant 0 : i32
    return %c0_i32, %c0_i32_0 : i32, i32
  }
  func.func @transform_4(%arg0: i32) -> (i32, i32) {
    %c0_i32 = arith.constant 0 : i32
    %c0_i32_0 = arith.constant 0 : i32
    return %arg0, %c0_i32 : i32, i32
  }
}

</mosaic_0001>

<sc_bundles>
// kernel: kernel.23.cloned.1.call-start
scs
__scs_entry_jumppad:
0x0: {  	(pc) =	sbr.rel $0x88, $3  }
0x1: {  	(tag) =	ssettag $0x0;
	lr =	simm.s32 $0x1  }
0x2: {  	[smem:$0x3F99] =	sst lr;
	_ =	strace $0xD0000000  }
0x3: {  	_ = 	snop  }
0x4: {  	_ = 	snop  }
0x5: {  	_ = 	snop  }
0x6: {  	_ = 	snop  }
0x7: {  	_ = 	snop  }
__scs_overlays_trampoline_lowered:
0x8: {  	[smem:$0x3FA8] =	sst s0  }
0x9: {  	[smem:$0x3FA9] =	sst s1  }
0xa: {  	[smem:$0x3FAA] =	sst s2  }
0xb: {  	[smem:$0x3FAB] =	sst s3  }
0xc: {  	[smem:$0x3FAC] =	sst s4  }
0xd: {  	[smem:$0x3FAD] =	sst s5  }
0xe: {  	[smem:$0x3FAE] =	sst s6  }
0xf: {  	[smem:$0x3FAF] =	sst s7  }
0x10: {  	[smem:$0x3FB0] =	sst s8  }
0x11: {  	[smem:$0x3FB1] =	sst s9;
	s0 =	simm.s32 @!p0 $0x0  }
0x12: {  	s1 =	sld [smem:$0x3F97];
	s0 =	simm.s32 @p0 $0x1  }
0x13: {  	[smem:$0x3FB2] =	sst s0;
	s0 =	simm.s32 @!p1 $0x0  }
0x14: {  	s2 =	sld [smem:$0x3F96];
	s0 =	simm.s32 @p1 $0x1  }
0x15: {  	[smem:$0x3FB3] =	sst s0;
	s0 =	simm.s32 @!p2 $0x0  }
0x16: {  	s3 =	sld [smem:$0x3FDB];
	s0 =	simm.s32 @p2 $0x1  }
0x17: {  	s4 =	simm.s32 $0x1BF5;
	[smem:$0x3FB5] =	sst s0  }
0x18: {  	s0 =	sld [smem:$0x3F98];
	_ =	swait.ge [sflag:s4], $0x0  }
0x19: {  	s7 =	sld [smem:$0x3F99]  }
0x1a: {  	s8 =	sadd.s32 $0xFFFFE003, lr  }
0x1b: {  	s9 =	sadd.s32 $0xFFFFFEF7, lr;
	s5 =	simm.s32 $0xFFFFFFFF;
	p2 =	slt.u32 s8, $0xFFFFF086  }
0x1c: {  	p1 =	slt.u32 s9, $0xF7A;
	s5 =	simm.s32 @!p2 $0x0  }
0x1d: {  	s5 =	simm.s32 @p1 $0x1;
	p0 =	seq.s32 s7, s2  }
0x1e: {  	s7 =	smul.u32 @!p0 $0xF7A, s2;
	p2 =	seq.s32 @!p0 s5, $0x0  }
0x1f: {  	s9 =	smul.u32 $0xF7A, s1;
	s8 =	simm.s32 @!p0 $0x1BF5;
	p2 =	por !p2, p0  }
0x20: {  	[sflag:s8] =	ssyncset.s32 @!p0 $0xFFFFF086;
	s6 =	sadd.s32 @!p0 s3, s7;
	s7 =	simm.s32 @!p0 $0x108  }
0x21: {  	s3 =	sadd.s32 s3, s9;
	s6 =	sadd.s32 @!p0 $0x88, s6;
	s7 =	simm.s32 @p2 $0x1082  }
0x22: {  	[simem:s7], [sflag:s8] =	dma.local @!p0 [hbm:s6], $0xF7A  }
0x23: {  	s9 =	sor.u32 $0xD0000000, s2;
	s6 =	simm.s32 $0x108;
	_ =	swait.ge @!p0 [sflag:s8], $0x0  }
0x24: {  	s3 =	sadd.s32 $0x88, s3;
	s6 =	simm.s32 @!p1 $0x1082;
	[sflag:s4] =	ssyncset.s32 $0xFFFFF086  }
0x25: {  	[simem:s6], [sflag:s4] =	dma.local [hbm:s3], $0xF7A  }
0x26: {  	[smem:$0x3F99] =	sst s1;
	(tag) =	ssettag s2;
	_ =	strace s9  }
0x27: {  	s1 =	sld [smem:$0x3FA9]  }
0x28: {  	s2 =	sld [smem:$0x3FAA]  }
0x29: {  	s4 =	sld [smem:$0x3FAC]  }
0x2a: {  	p0 =	seq.s32 s5, $0x0;
	s5 =	sld [smem:$0x3FAD]  }
0x2b: {  	s6 =	sld [smem:$0x3FAE]  }
0x2c: {  	s7 =	sld [smem:$0x3FAF]  }
0x2d: {  	s3 =	simm.s32 $0x108;
	s8 =	sld [smem:$0x3FB0]  }
0x2e: {  	s3 =	simm.s32 @!p0 $0x1082;
	s9 =	sld [smem:$0x3FB1]  }
0x2f: {  	lr =	sadd.s32 s0, s3;
	s0 =	sld [smem:$0x3FA8]  }
0x30: {  	s3 =	sld [smem:$0x3FAB]  }
0x31: {  	[smem:$0x3FB4] =	sst s10  }
0x32: {  	s10 =	sld [smem:$0x3FB2];
	_ =	sdelay $0x3  }
0x33: {  	p0 =	seq.s32 s10, $0x1;
	s10 =	sld [smem:$0x3FB4];
	_ =	sdelay $0x3  }
0x34: {  	[smem:$0x3FB4] =	sst s10  }
0x35: {  	s10 =	sld [smem:$0x3FB3];
	_ =	sdelay $0x3  }
0x36: {  	p1 =	seq.s32 s10, $0x1;
	s10 =	sld [smem:$0x3FB4];
	_ =	sdelay $0x3  }
0x37: {  	[smem:$0x3FB4] =	sst s10  }
0x38: {  	s10 =	sld [smem:$0x3FB5]  }
0x39: {  	_ = 	snop;
	(pc) =	sbr.ind lr, $3  }
0x3a: {  	_ = 	snop  }
0x3b: {  	_ = 	snop  }
0x3c: {  	p2 =	seq.s32 s10, $0x1;
	s10 =	sld [smem:$0x3FB4]  }
0x3d: {  	_ =	shalt  }
0x3e: {  	_ =	shalt  }
0x3f: {  	_ =	shalt  }
0x40: {  	_ =	shalt  }
0x41: {  	_ =	shalt  }
0x42: {  	_ =	shalt  }
0x43: {  	_ =	shalt  }
0x44: {  	_ =	shalt  }
0x45: {  	_ =	shalt  }
0x46: {  	_ =	shalt  }
0x47: {  	_ =	shalt  }
0x48: {  	_ =	shalt  }
0x49: {  	_ =	shalt  }
0x4a: {  	_ =	shalt  }
0x4b: {  	_ =	shalt  }
0x4c: {  	_ =	shalt  }
0x4d: {  	_ =	shalt  }
0x4e: {  	_ =	shalt  }
0x4f: {  	_ =	shalt  }
0x50: {  	_ =	shalt  }
0x51: {  	_ =	shalt  }
0x52: {  	_ =	shalt  }
0x53: {  	_ =	shalt  }
0x54: {  	_ =	shalt  }
0x55: {  	_ =	shalt  }
0x56: {  	_ =	shalt  }
0x57: {  	_ =	shalt  }
0x58: {  	_ =	shalt  }
0x59: {  	_ =	shalt  }
0x5a: {  	_ =	shalt  }
0x5b: {  	_ =	shalt  }
0x5c: {  	_ =	shalt  }
0x5d: {  	_ =	shalt  }
0x5e: {  	_ =	shalt  }
0x5f: {  	_ =	shalt  }
0x60: {  	_ =	shalt  }
0x61: {  	_ =	shalt  }
0x62: {  	_ =	shalt  }
0x63: {  	_ =	shalt  }
0x64: {  	_ =	shalt  }
0x65: {  	_ =	shalt  }
0x66: {  	_ =	shalt  }
0x67: {  	_ =	shalt  }
0x68: {  	_ =	shalt  }
0x69: {  	_ =	shalt  }
0x6a: {  	_ =	shalt  }
0x6b: {  	_ =	shalt  }
0x6c: {  	_ =	shalt  }
0x6d: {  	_ =	shalt  }
0x6e: {  	_ =	shalt  }
0x6f: {  	_ =	shalt  }
0x70: {  	_ =	shalt  }
0x71: {  	_ =	shalt  }
0x72: {  	_ =	shalt  }
0x73: {  	_ =	shalt  }
0x74: {  	_ =	shalt  }
0x75: {  	_ =	shalt  }
0x76: {  	_ =	shalt  }
0x77: {  	_ =	shalt  }
0x78: {  	_ =	shalt  }
0x79: {  	_ =	shalt  }
0x7a: {  	_ =	shalt  }
0x7b: {  	_ =	shalt  }
0x7c: {  	_ =	shalt  }
0x7d: {  	_ =	shalt  }
0x7e: {  	_ =	shalt  }
0x7f: {  	_ =	shalt  }
0x80: {  	_ =	shalt  }
0x81: {  	_ =	shalt  }
0x82: {  	_ =	shalt  }
0x83: {  	_ =	shalt  }
0x84: {  	_ =	shalt  }
0x85: {  	_ =	shalt  }
0x86: {  	_ =	shalt  }
0x87: {  	_ =	shalt  }
.Lfunc_end0:
.L_simem_size_0:
called_computation_lowered:
.L_overlay_start_0:
0x88: {  	s2 =	sld [smem:$0x3FD9]  }
0x89: {  	s3 =	sld [smem:$0x3FFE];
	_ =	sdelay $0x1  }
0x8a: {  	s1 =	srdreg.scid  }
0x8b: {  	s0 =	sand.u32 $0x1, s1  }
0x8c: {  	s17 =	sshll.u32 s0, $0xA;
	s2 =	sadd.s32 s3, s2  }
0x8d: {  	s2 =	sadd.s32 s2, s17  }
0x8e: {  	[smem:$0x3FC0] =	sst s2  }
0x8f: {  	_ = 	snop  }
0x90: {  	s18 =	sld [smem:$0x3FD0];
	(tm) =	ssettm $0x1  }
0x91: {  	s19 =	sld [smem:$0x3FFB];
	_ =	sdelay $0x3  }
0x92: {  	_ =	strace s19  }
0x93: {  	s2 =	sld [smem:$0x3FFC];
	_ =	sdelay $0x3  }
0x94: {  	_ =	strace s2  }
0x95: {  	s2 =	sld [smem:$0x3FFD];
	_ =	sdelay $0x3  }
0x96: {  	_ =	strace s2  }
0x97: {  	_ =	strace $0x8FFFFFFF  }
0x98: {  	s20 =	sld [smem:$0x3FDB];
	_ =	sdelay $0x1  }
0x99: {  	s4 =	simm.s32 $_scs_section_size  }
0x9a: {  	s5 =	simm.s32 $_size__tile_overlayer_lowered;
	s6 =	simm.s32 $_tile_overlayer_lowered  }
0x9b: {  	s7 =	simm.s32 $0x1BFF;
	s21 =	sshll.u32 s6, $0x1;
	s4 =	sadd.s32 s4, s20  }
0x9c: {  	s22 =	simm.s32 $0x0;
	s5 =	sshll.u32 s5, $0x1;
	s6 =	sadd.s32 s21, s4  }
0x9d: {  	[timem:s22], [sflag:s7] =	dma.local [hbm:s6], s5  }
0x9e: {  	_ =	swait.ge [sflag:s7], s5  }
0x9f: {  	s5 =	ssub.s32 $0x0, s5;
	[sflag:s7] =	ssyncset.done $0x0  }
0xa0: {  	[sflag:s7] =	ssyncadd.s32 s5;
	_ =	sdelay $0x1  }
0xa1: {  	s23 =	simm.s32 $0x1B8B  }
0xa2: {  	_ =	swait.ge [sflag:s23], $0x1  }
0xa3: {  	[sflag:s23] =	ssyncset.done $0x0  }
0xa4: {  	[sflag:s23] =	ssyncadd.s32 $0xFFFFFFFF  }
0xa5: {  	s5 =	sld [smem:$0x0]  }
0xa6: {  	s6 =	sand.u32 $0xFFFFFFFE, s1  }
0xa7: {  	p0 =	sne.s32 s1, s6  }
0xa8: {  	s6 =	sshll.u32 @p0 s6, $0xE  }
0xa9: {  	s6 =	sadd.s32 @p0 $0x11B8D, s6;
	s7 =	sshll.u32 @p0 s5, $0x11  }
0xaa: {  	s6 =	sor.u32 @p0 s7, s6  }
0xab: {  	[sflag:s6] =	ssyncadd.remote.s32 @p0 $0x1;
	_ =	sdelay $0x1  }
0xac: {  	s6 =	simm.s32 @p0 $0x1B8D  }
0xad: {  	_ =	swait.eq @p0 [sflag:s6], $0x1  }
0xae: {  	[sflag:s6] =	ssyncadd.s32 @p0 $0xFFFFFFFF  }
0xaf: {  	s7 =	sshll.u32 @!p0 s1, $0xE  }
0xb0: {  	s7 =	sor.u32 @!p0 $0x4000, s7;
	s6 =	simm.s32 @!p0 $0x1B8D  }
0xb1: {  	s5 =	sshll.u32 @!p0 s5, $0x11;
	s7 =	sadd.s32 @!p0 $0x11B8D, s7;
	_ =	swait.eq @!p0 [sflag:s6], $0x1  }
0xb2: {  	s5 =	sor.u32 @!p0 s5, s7;
	[sflag:s6] =	ssyncadd.s32 @!p0 $0xFFFFFFFF  }
0xb3: {  	s25 =	simm.s32 $0x1B8E;
	s24 =	sld [smem:$0x3FFE];
	[sflag:s5] =	ssyncadd.remote.s32 @!p0 $0x1  }
0xb4: {  	s26 =	simm.s32 $execute0_lowered;
	[smem:$0x3FD2] =	sst s25  }
0xb5: {  	s6 =	sshll.u32 s26, $0x1;
	_ =	strace $0x80000049;
	[dreg:$0x1] =	wrdreg $0xFFFFFFFF  }
0xb6: {  	s28 =	simm.s32 $_size_execute0_lowered;
	s4 =	sadd.s32 s4, s6;
	[dreg:$0x0] =	wrdreg $0x0  }
0xb7: {  	s6 =	sshll.u32 s28, $0x1;
	[dreg:$0x2] =	wrdreg s4  }
0xb8: {  	[dreg:$0x3] =	wrdreg s6  }
0xb9: {  	[dreg:$0x4] =	wrdreg $0xC0  }
0xba: {  	_ =	task [dreg:s22], $0x5FFFF  }
0xbb: {  	[dreg:$0x1] =	wrdreg $0xFFFFFFFF  }
0xbc: {  	[dreg:$0x0] =	wrdreg $0x60  }
0xbd: {  	[dreg:$0x2] =	wrdreg s18  }
0xbe: {  	[dreg:$0x3] =	wrdreg s24  }
0xbf: {  	[dreg:$0x4] =	wrdreg $0x9  }
0xc0: {  	_ =	task.clear_ibuf [dreg:s22], $0x5FFFF;
	_ =	strace $0x90000049  }
0xc1: {  	s29 =	simm.s32 $0x9;
	_ =	strace $0x8000004B  }
0xc2: {  	_ =	swait.ge [sflag:s29], $0x1  }
0xc3: {  	[sflag:s29] =	ssyncadd.s32 $0xFFFFFFFF  }
0xc4: {  	_ =	strace $0x9000004B  }
0xc5: {  	_ =	sfence  }
0xc6: {  	s30 =	sld [smem:$0x0];
	_ =	sdelay $0x2  }
0xc7: {  	s31 =	sshll.u32 s1, $0xD;
	s1 =	sshrl.u32 s1, $0x2  }
0xc8: {  	s4 =	sand.u32 $0x4000, s31;
	s1 =	sadd.s32 s1, s30  }
0xc9: {  	s0 =	sor.u32 s4, s0;
	s1 =	sshll.u32 s1, $0x11  }
0xca: {  	s0 =	sor.u32 s1, s0  }
0xcb: {  	s0 =	sadd.s32 $0x8F2B, s0  }
0xcc: {  	[sflag:s0] =	ssyncadd.remote.s32 $0x1  }
0xcd: {  	_ =	sfence.sel $0xFFFF  }
0xce: {  	[dreg:$0x0] =	wrdreg $0xFFFFFFFF;
	(pc) =	sbr.abs _section_cstart, $3  }
0xcf: {  	[dreg:$0x1] =	wrdreg $0xFFFFFFFF  }
0xd0: {  	_ =	task.clear_ibuf [dreg:s22], $0x2FFFF;
	_ =	strace $0x9FFFFFFF  }
0xd1: {  	(tm) =	ssettm $0x7FFFFFFF  }
tec
execute0_lowered:
.L_overlay_start_1:
0x0: {  	(tag) =	ssettag $0x1  }
0x1: {  	s1 =	rddreg [dreg:$0x0]  }
0x2: {  	s4 =	rddreg [dreg:$0x1]  }
0x3: {  	s0 =	rddreg [dreg:$0x2];
	s5 =	srdreg.scid  }
0x4: {  	s3 =	simm.s32 $0x0;
	s2 =	stileid.u32;
	s10 =	simm.s32 $0x0  }
0x5: {  	s5 =	sand.u32 $0x1, s5;
	[smem:$0x7FF] =	sst s3;
	s6 =	sshll.u32 s2, $0xC  }
0x6: {  	s8 =	sshll.u32 s2, $0x10;
	s7 =	sshll.u32 s5, $0xB;
	_ =	strace $0x8000004A  }
0x7: {  	s31 =	ssub.s32 $0x2, s5;
	s8 =	sadd.s32 s8, s4;
	s5 =	sshll.u32 s5, $0xF  }
0x8: {  	s6 =	sor.u32 s7, s6;
	s9 =	sshrl.u32 s31, $0x1;
	s5 =	sadd.s32 s5, s8  }
0x9: {  	s8 =	simm.s32 $0x80;
	s6 =	sshrl.u32 s6, $0x3;
	s7 =	ssub.s32 s31, s9  }
0xa: {  	s5 =	sadd.s32 $0x147E00, s5;
	s9 =	simm.s32 $0x1;
	s6 =	sadd.s32 s6, s4  }
0xb: {  	s4 =	smax.u32 s7, $0x1;
	s7 =	simm.s32 $0x2;
	s6 =	sadd.s32 $0x145E00, s6  }
.LBB2_1:
0xc: {  	s11 =	sadd.s32 $0x0, s6  }
0xd: {  	[tilespmem:s3], [sflag:$0x2] =	stream.linear.gather [hbm4b:s11+s3], $0x80, $0x38;
	[tilespmem:$0x4080] =	vst v63  }
0xe: {  	_ =	swait.ge [sflag:s7], $0x80  }
0xf: {  	[sflag:s7] =	ssyncset.done $0x0  }
0x10: {  	[sflag:s7] =	ssyncadd.s32 $0xFFFFFF80  }
0x11: {  	[tilespmem:s8], [sflag:$0x1] =	stream.indirect.gather [hbm4b:s1+s8], $0x80, s3, s8, $0xb8;
	[tilespmem:$0x4080] =	vst v63  }
0x12: {  	_ =	swait.ge [sflag:s9], $0x4000  }
0x13: {  	[sflag:s9] =	ssyncset.done $0x0  }
0x14: {  	[sflag:s9] =	ssyncadd.s32 $0xFFFFC000  }
0x15: {  	[hbm4b:s5+s3] =	stream.linear.scatter [tilespmem:s8], [sflag:$0x2], $0x4000, $0x38;
	[tilespmem:$0x4080] =	vst v63  }
0x16: {  	s12 =	simm.s32 $0x10;
	_ =	swait.ge [sflag:s7], $0x4000  }
0x17: {  	s13 =	simm.s32 $0x20;
	s11 =	sadd.s32 $0x800, s5;
	[sflag:s7] =	ssyncset.done $0x0  }
.LBB2_2:
0x18: {  	s14 =	sadd.s32 s12, s6  }
0x19: {  	[sflag:s7] =	ssyncadd.s32 $0xFFFFC000;
	s12 =	smov.u32 s13;
	s15 =	sadd.s32 $0x10, s13  }
0x1a: {  	[tilespmem:s3], [sflag:$0x2] =	stream.linear.gather [hbm4b:s14+s3], $0x80, $0x38;
	[tilespmem:$0x4080] =	vst v63  }
0x1b: {  	p0 =	sne.s32 s13, $0xF0;
	_ =	swait.ge [sflag:s7], $0x80  }
0x1c: {  	[sflag:s7] =	ssyncset.done $0x0  }
0x1d: {  	[sflag:s7] =	ssyncadd.s32 $0xFFFFFF80  }
0x1e: {  	[tilespmem:s8], [sflag:$0x1] =	stream.indirect.gather [hbm4b:s1+s8], $0x80, s3, s8, $0xb8;
	[tilespmem:$0x4080] =	vst v63  }
0x1f: {  	_ =	swait.ge [sflag:s9], $0x4000  }
.Ltmp0:
0x20: {  	[sflag:s9] =	ssyncset.done $0x0;
	(pc) =	sbr.rel @p0 .LBB2_2-.Ltmp0, $4  }
0x21: {  	[sflag:s9] =	ssyncadd.s32 $0xFFFFC000  }
0x22: {  	[hbm4b:s11+s3] =	stream.linear.scatter [tilespmem:s8], [sflag:$0x2], $0x4000, $0x38;
	[tilespmem:$0x4080] =	vst v63  }
0x23: {  	_ =	swait.ge [sflag:s7], $0x4000  }
0x24: {  	s13 =	smov.u32 s15;
	s11 =	sadd.s32 $0x800, s11;
	[sflag:s7] =	ssyncset.done $0x0  }
0x25: {  	s12 =	sadd.s32 s12, s6;
	[sflag:s7] =	ssyncadd.s32 $0xFFFFC000  }
0x26: {  	[tilespmem:s3], [sflag:$0x2] =	stream.linear.gather [hbm4b:s12+s3], $0x80, $0x38;
	[tilespmem:$0x4080] =	vst v63  }
0x27: {  	_ =	swait.ge [sflag:s7], $0x80  }
0x28: {  	[sflag:s7] =	ssyncset.done $0x0  }
0x29: {  	[sflag:s7] =	ssyncadd.s32 $0xFFFFFF80  }
0x2a: {  	[tilespmem:s8], [sflag:$0x1] =	stream.indirect.gather [hbm4b:s1+s8], $0x80, s3, s8, $0xb8;
	[tilespmem:$0x4080] =	vst v63  }
0x2b: {  	s10 =	sadd.s32 $0x1, s10;
	_ =	swait.ge [sflag:s9], $0x4000  }
0x2c: {  	p0 =	sne.s32 s10, s4;
	[sflag:s9] =	ssyncset.done $0x0  }
.Ltmp1:
0x2d: {  	[sflag:s9] =	ssyncadd.s32 $0xFFFFC000;
	(pc) =	sbr.rel @p0 .LBB2_1-.Ltmp1, $4  }
0x2e: {  	[hbm4b:s11+s3] =	stream.linear.scatter [tilespmem:s8], [sflag:$0x2], $0x4000, $0x38;
	[tilespmem:$0x4080] =	vst v63  }
0x2f: {  	_ =	swait.ge [sflag:s7], $0x4000  }
0x30: {  	[sflag:s7] =	ssyncset.done $0x0  }
0x31: {  	[sflag:s7] =	ssyncadd.s32 $0xFFFFC000  }
0x32: {  	_ =	sfence.sel $0x180000  }
0x33: {  	[bflag:$0x0] =	sbarrier.arrive $0xFFFF  }
0x34: {  	p0 =	sne.s32 s2, $0x0;
	_ =	strace $0x9000004A  }
0x35: {  	s0 =	sadd.s32 @!p0 $0x100000, s0;
	[bflag:$0x2] =	sbarrier.arrive $0xFFFF  }
0x36: {  	[sflag:s0] =	ssyncadd.tile.s32 @!p0 $0x1;
	_ =	shalt  }
.Lfunc_end2:
_tile_overlayer_lowered:
.L_overlay_start_2:
0x37: {  	(tag) =	ssettag $0x2  }
0x38: {  	s0 =	rddreg [dreg:$0x0];
	s2 =	stileid.u32  }
0x39: {  	s1 =	rddreg [dreg:$0x1];
	p0 =	sne.s32 s2, $0x0  }
0x3a: {  	s3 =	rddreg [dreg:$0x2];
	[bflag:$0x3] =	sbarrier.arrive $0xFFFF;
	s2 =	simm.s32 @!p0 $0x1C02  }
0x3b: {  	[timem:s3], [sflag:s2] =	dma.local @!p0 [hbm:s0], s1  }
0x3c: {  	s0 =	simm.s32 @!p0 $0x2  }
0x3d: {  	_ =	swait.ge @!p0 [sflag:s0], s1  }
0x3e: {  	s1 =	ssub.s32 @!p0 $0x0, s1;
	[sflag:s0] =	ssyncset.done @!p0 $0x0  }
0x3f: {  	[sflag:s0] =	ssyncadd.s32 @!p0 s1  }
0x40: {  	[bflag:$0x3] =	sbarrier.arrive $0xFFFF  }
0x41: {  	_ =	shalt  }

// kernel: kernel.26.cloned.1.call-start
scs
__scs_entry_jumppad:
0x0: {  	(pc) =	sbr.rel $0x88, $3  }
0x1: {  	(tag) =	ssettag $0x0;
	lr =	simm.s32 $0x1  }
0x2: {  	[smem:$0x3F99] =	sst lr;
	_ =	strace $0xD0000000  }
0x3: {  	_ = 	snop  }
0x4: {  	_ = 	snop  }
0x5: {  	_ = 	snop  }
0x6: {  	_ = 	snop  }
0x7: {  	_ = 	snop  }
__scs_overlays_trampoline_lowered:
0x8: {  	[smem:$0x3FA8] =	sst s0  }
0x9: {  	[smem:$0x3FA9] =	sst s1  }
0xa: {  	[smem:$0x3FAA] =	sst s2  }
0xb: {  	[smem:$0x3FAB] =	sst s3  }
0xc: {  	[smem:$0x3FAC] =	sst s4  }
0xd: {  	[smem:$0x3FAD] =	sst s5  }
0xe: {  	[smem:$0x3FAE] =	sst s6  }
0xf: {  	[smem:$0x3FAF] =	sst s7  }
0x10: {  	[smem:$0x3FB0] =	sst s8  }
0x11: {  	[smem:$0x3FB1] =	sst s9;
	s0 =	simm.s32 @!p0 $0x0  }
0x12: {  	s1 =	sld [smem:$0x3F97];
	s0 =	simm.s32 @p0 $0x1  }
0x13: {  	[smem:$0x3FB2] =	sst s0;
	s0 =	simm.s32 @!p1 $0x0  }
0x14: {  	s2 =	sld [smem:$0x3F96];
	s0 =	simm.s32 @p1 $0x1  }
0x15: {  	[smem:$0x3FB3] =	sst s0;
	s0 =	simm.s32 @!p2 $0x0  }
0x16: {  	s3 =	sld [smem:$0x3FDB];
	s0 =	simm.s32 @p2 $0x1  }
0x17: {  	s4 =	simm.s32 $0x1BF5;
	[smem:$0x3FB5] =	sst s0  }
0x18: {  	s0 =	sld [smem:$0x3F98];
	_ =	swait.ge [sflag:s4], $0x0  }
0x19: {  	s7 =	sld [smem:$0x3F99]  }
0x1a: {  	s8 =	sadd.s32 $0xFFFFE003, lr  }
0x1b: {  	s9 =	sadd.s32 $0xFFFFFEF7, lr;
	s5 =	simm.s32 $0xFFFFFFFF;
	p2 =	slt.u32 s8, $0xFFFFF086  }
0x1c: {  	p1 =	slt.u32 s9, $0xF7A;
	s5 =	simm.s32 @!p2 $0x0  }
0x1d: {  	s5 =	simm.s32 @p1 $0x1;
	p0 =	seq.s32 s7, s2  }
0x1e: {  	s7 =	smul.u32 @!p0 $0xF7A, s2;
	p2 =	seq.s32 @!p0 s5, $0x0  }
0x1f: {  	s9 =	smul.u32 $0xF7A, s1;
	s8 =	simm.s32 @!p0 $0x1BF5;
	p2 =	por !p2, p0  }
0x20: {  	[sflag:s8] =	ssyncset.s32 @!p0 $0xFFFFF086;
	s6 =	sadd.s32 @!p0 s3, s7;
	s7 =	simm.s32 @!p0 $0x108  }
0x21: {  	s3 =	sadd.s32 s3, s9;
	s6 =	sadd.s32 @!p0 $0x88, s6;
	s7 =	simm.s32 @p2 $0x1082  }
0x22: {  	[simem:s7], [sflag:s8] =	dma.local @!p0 [hbm:s6], $0xF7A  }
0x23: {  	s9 =	sor.u32 $0xD0000000, s2;
	s6 =	simm.s32 $0x108;
	_ =	swait.ge @!p0 [sflag:s8], $0x0  }
0x24: {  	s3 =	sadd.s32 $0x88, s3;
	s6 =	simm.s32 @!p1 $0x1082;
	[sflag:s4] =	ssyncset.s32 $0xFFFFF086  }
0x25: {  	[simem:s6], [sflag:s4] =	dma.local [hbm:s3], $0xF7A  }
0x26: {  	[smem:$0x3F99] =	sst s1;
	(tag) =	ssettag s2;
	_ =	strace s9  }
0x27: {  	s1 =	sld [smem:$0x3FA9]  }
0x28: {  	s2 =	sld [smem:$0x3FAA]  }
0x29: {  	s4 =	sld [smem:$0x3FAC]  }
0x2a: {  	p0 =	seq.s32 s5, $0x0;
	s5 =	sld [smem:$0x3FAD]  }
0x2b: {  	s6 =	sld [smem:$0x3FAE]  }
0x2c: {  	s7 =	sld [smem:$0x3FAF]  }
0x2d: {  	s3 =	simm.s32 $0x108;
	s8 =	sld [smem:$0x3FB0]  }
0x2e: {  	s3 =	simm.s32 @!p0 $0x1082;
	s9 =	sld [smem:$0x3FB1]  }
0x2f: {  	lr =	sadd.s32 s0, s3;
	s0 =	sld [smem:$0x3FA8]  }
0x30: {  	s3 =	sld [smem:$0x3FAB]  }
0x31: {  	[smem:$0x3FB4] =	sst s10  }
0x32: {  	s10 =	sld [smem:$0x3FB2];
	_ =	sdelay $0x3  }
0x33: {  	p0 =	seq.s32 s10, $0x1;
	s10 =	sld [smem:$0x3FB4];
	_ =	sdelay $0x3  }
0x34: {  	[smem:$0x3FB4] =	sst s10  }
0x35: {  	s10 =	sld [smem:$0x3FB3];
	_ =	sdelay $0x3  }
0x36: {  	p1 =	seq.s32 s10, $0x1;
	s10 =	sld [smem:$0x3FB4];
	_ =	sdelay $0x3  }
0x37: {  	[smem:$0x3FB4] =	sst s10  }
0x38: {  	s10 =	sld [smem:$0x3FB5]  }
0x39: {  	_ = 	snop;
	(pc) =	sbr.ind lr, $3  }
0x3a: {  	_ = 	snop  }
0x3b: {  	_ = 	snop  }
0x3c: {  	p2 =	seq.s32 s10, $0x1;
	s10 =	sld [smem:$0x3FB4]  }
0x3d: {  	_ =	shalt  }
0x3e: {  	_ =	shalt  }
0x3f: {  	_ =	shalt  }
0x40: {  	_ =	shalt  }
0x41: {  	_ =	shalt  }
0x42: {  	_ =	shalt  }
0x43: {  	_ =	shalt  }
0x44: {  	_ =	shalt  }
0x45: {  	_ =	shalt  }
0x46: {  	_ =	shalt  }
0x47: {  	_ =	shalt  }
0x48: {  	_ =	shalt  }
0x49: {  	_ =	shalt  }
0x4a: {  	_ =	shalt  }
0x4b: {  	_ =	shalt  }
0x4c: {  	_ =	shalt  }
0x4d: {  	_ =	shalt  }
0x4e: {  	_ =	shalt  }
0x4f: {  	_ =	shalt  }
0x50: {  	_ =	shalt  }
0x51: {  	_ =	shalt  }
0x52: {  	_ =	shalt  }
0x53: {  	_ =	shalt  }
0x54: {  	_ =	shalt  }
0x55: {  	_ =	shalt  }
0x56: {  	_ =	shalt  }
0x57: {  	_ =	shalt  }
0x58: {  	_ =	shalt  }
0x59: {  	_ =	shalt  }
0x5a: {  	_ =	shalt  }
0x5b: {  	_ =	shalt  }
0x5c: {  	_ =	shalt  }
0x5d: {  	_ =	shalt  }
0x5e: {  	_ =	shalt  }
0x5f: {  	_ =	shalt  }
0x60: {  	_ =	shalt  }
0x61: {  	_ =	shalt  }
0x62: {  	_ =	shalt  }
0x63: {  	_ =	shalt  }
0x64: {  	_ =	shalt  }
0x65: {  	_ =	shalt  }
0x66: {  	_ =	shalt  }
0x67: {  	_ =	shalt  }
0x68: {  	_ =	shalt  }
0x69: {  	_ =	shalt  }
0x6a: {  	_ =	shalt  }
0x6b: {  	_ =	shalt  }
0x6c: {  	_ =	shalt  }
0x6d: {  	_ =	shalt  }
0x6e: {  	_ =	shalt  }
0x6f: {  	_ =	shalt  }
0x70: {  	_ =	shalt  }
0x71: {  	_ =	shalt  }
0x72: {  	_ =	shalt  }
0x73: {  	_ =	shalt  }
0x74: {  	_ =	shalt  }
0x75: {  	_ =	shalt  }
0x76: {  	_ =	shalt  }
0x77: {  	_ =	shalt  }
0x78: {  	_ =	shalt  }
0x79: {  	_ =	shalt  }
0x7a: {  	_ =	shalt  }
0x7b: {  	_ =	shalt  }
0x7c: {  	_ =	shalt  }
0x7d: {  	_ =	shalt  }
0x7e: {  	_ =	shalt  }
0x7f: {  	_ =	shalt  }
0x80: {  	_ =	shalt  }
0x81: {  	_ =	shalt  }
0x82: {  	_ =	shalt  }
0x83: {  	_ =	shalt  }
0x84: {  	_ =	shalt  }
0x85: {  	_ =	shalt  }
0x86: {  	_ =	shalt  }
0x87: {  	_ =	shalt  }
.Lfunc_end0:
.L_simem_size_0:
called_computation.1_lowered:
.L_overlay_start_0:
0x88: {  	s2 =	sld [smem:$0x3FD9]  }
0x89: {  	s3 =	sld [smem:$0x3FFE];
	_ =	sdelay $0x1  }
0x8a: {  	s1 =	srdreg.scid  }
0x8b: {  	s0 =	sand.u32 $0x1, s1  }
0x8c: {  	s17 =	sshll.u32 s0, $0xA;
	s2 =	sadd.s32 s3, s2  }
0x8d: {  	s2 =	sadd.s32 s2, s17  }
0x8e: {  	[smem:$0x3FC0] =	sst s2  }
0x8f: {  	_ = 	snop  }
0x90: {  	s2 =	sld [smem:$0x3FD0];
	(tm) =	ssettm $0x1  }
0x91: {  	s18 =	sld [smem:$0x3FFB];
	_ =	sdelay $0x3  }
0x92: {  	_ =	strace s18  }
0x93: {  	s3 =	sld [smem:$0x3FFC];
	_ =	sdelay $0x3  }
0x94: {  	_ =	strace s3  }
0x95: {  	s3 =	sld [smem:$0x3FFD];
	_ =	sdelay $0x3  }
0x96: {  	_ =	strace s3  }
0x97: {  	_ =	strace $0x8FFFFFFF  }
0x98: {  	s19 =	sld [smem:$0x3FDB];
	_ =	sdelay $0x1  }
0x99: {  	s4 =	simm.s32 $_scs_section_size  }
0x9a: {  	s5 =	simm.s32 $_size__tile_overlayer_lowered;
	s6 =	simm.s32 $_tile_overlayer_lowered  }
0x9b: {  	s22 =	simm.s32 $0x1BFF;
	s21 =	sshll.u32 s6, $0x1;
	s3 =	sadd.s32 s4, s19  }
0x9c: {  	s7 =	simm.s32 $0x0;
	s20 =	sshll.u32 s5, $0x1;
	s5 =	sadd.s32 s21, s3  }
0x9d: {  	[timem:s7], [sflag:s22] =	dma.local [hbm:s5], s20  }
0x9e: {  	_ =	swait.ge [sflag:s22], s20  }
0x9f: {  	s4 =	ssub.s32 $0x0, s20;
	[sflag:s22] =	ssyncset.done $0x0  }
0xa0: {  	[sflag:s22] =	ssyncadd.s32 s4;
	_ =	sdelay $0x1  }
0xa1: {  	s23 =	simm.s32 $0x1B8B  }
0xa2: {  	_ =	swait.ge [sflag:s23], $0x1  }
0xa3: {  	[sflag:s23] =	ssyncset.done $0x0  }
0xa4: {  	s25 =	simm.s32 $0x1B8E;
	s24 =	sld [smem:$0x3FFE];
	[sflag:s23] =	ssyncadd.s32 $0xFFFFFFFF  }
0xa5: {  	s26 =	simm.s32 $execute0_lowered;
	[smem:$0x3FD2] =	sst s25  }
0xa6: {  	s5 =	sshll.u32 s26, $0x1;
	_ =	strace $0x80000046;
	[dreg:$0x1] =	wrdreg $0xFFFFFFFF  }
0xa7: {  	s28 =	simm.s32 $_size_execute0_lowered;
	s3 =	sadd.s32 s3, s5;
	[dreg:$0x0] =	wrdreg $0x0  }
0xa8: {  	s5 =	sshll.u32 s28, $0x1;
	[dreg:$0x2] =	wrdreg s3  }
0xa9: {  	[dreg:$0x3] =	wrdreg s5  }
0xaa: {  	[dreg:$0x4] =	wrdreg $0xC0  }
0xab: {  	_ =	task [dreg:s7], $0x5FFFF  }
0xac: {  	[dreg:$0x1] =	wrdreg $0xFFFFFFFF  }
0xad: {  	[dreg:$0x0] =	wrdreg $0x60  }
0xae: {  	[dreg:$0x2] =	wrdreg s2  }
0xaf: {  	[dreg:$0x3] =	wrdreg s24  }
0xb0: {  	[dreg:$0x4] =	wrdreg $0xA  }
0xb1: {  	_ =	task.clear_ibuf [dreg:s7], $0x5FFFF;
	_ =	strace $0x90000046  }
0xb2: {  	s29 =	simm.s32 $0xA;
	_ =	strace $0x80000048  }
0xb3: {  	_ =	swait.ge [sflag:s29], $0x1  }
0xb4: {  	[sflag:s29] =	ssyncadd.s32 $0xFFFFFFFF  }
0xb5: {  	_ =	strace $0x90000048  }
0xb6: {  	_ =	sfence  }
0xb7: {  	s30 =	sld [smem:$0x0];
	_ =	sdelay $0x2  }
0xb8: {  	s31 =	sshll.u32 s1, $0xD;
	s1 =	sshrl.u32 s1, $0x2  }
0xb9: {  	s3 =	sand.u32 $0x4000, s31;
	s1 =	sadd.s32 s1, s30  }
0xba: {  	s0 =	sor.u32 s3, s0;
	s1 =	sshll.u32 s1, $0x11  }
0xbb: {  	s0 =	sor.u32 s1, s0  }
0xbc: {  	s0 =	sadd.s32 $0x8F2B, s0  }
0xbd: {  	[sflag:s0] =	ssyncadd.remote.s32 $0x1  }
0xbe: {  	_ =	sfence.sel $0xFFFF  }
0xbf: {  	[dreg:$0x0] =	wrdreg $0xFFFFFFFF;
	(pc) =	sbr.abs _section_cstart, $3  }
0xc0: {  	[dreg:$0x1] =	wrdreg $0xFFFFFFFF  }
0xc1: {  	_ =	task.clear_ibuf [dreg:s7], $0x2FFFF;
	_ =	strace $0x9FFFFFFF  }
0xc2: {  	(tm) =	ssettm $0x7FFFFFFF  }
0xc3: {  	_ =	shalt  }
tec
execute0_lowered:
.L_overlay_start_1:
0x0: {  	(tag) =	ssettag $0x1  }
0x1: {  	s1 =	rddreg [dreg:$0x0]  }
0x2: {  	s4 =	rddreg [dreg:$0x1]  }
0x3: {  	s0 =	rddreg [dreg:$0x2];
	s5 =	srdreg.scid  }
0x4: {  	s3 =	simm.s32 $0x0;
	s2 =	stileid.u32;
	s10 =	simm.s32 $0x0  }
0x5: {  	s5 =	sand.u32 $0x1, s5;
	[smem:$0x7FF] =	sst s3;
	s6 =	sshll.u32 s2, $0xC  }
0x6: {  	s8 =	sshll.u32 s2, $0x10;
	s7 =	sshll.u32 s5, $0xB;
	_ =	strace $0x80000047  }
0x7: {  	s31 =	ssub.s32 $0x2, s5;
	s8 =	sadd.s32 s8, s4;
	s5 =	sshll.u32 s5, $0xF  }
0x8: {  	s6 =	sor.u32 s7, s6;
	s9 =	sshrl.u32 s31, $0x1;
	s5 =	sadd.s32 s5, s8  }
0x9: {  	s8 =	simm.s32 $0x80;
	s6 =	sshrl.u32 s6, $0x3;
	s7 =	ssub.s32 s31, s9  }
0xa: {  	s5 =	sadd.s32 $0x45E00, s5;
	s9 =	simm.s32 $0x1;
	s6 =	sadd.s32 s6, s4  }
0xb: {  	s4 =	smax.u32 s7, $0x1;
	s7 =	simm.s32 $0x2;
	s6 =	sadd.s32 $0x43E00, s6  }
.LBB2_1:
0xc: {  	s11 =	sadd.s32 $0x0, s6  }
0xd: {  	[tilespmem:s3], [sflag:$0x2] =	stream.linear.gather [hbm4b:s11+s3], $0x80, $0x38;
	[tilespmem:$0x4080] =	vst v63  }
0xe: {  	_ =	swait.ge [sflag:s7], $0x80  }
0xf: {  	[sflag:s7] =	ssyncset.done $0x0  }
0x10: {  	[sflag:s7] =	ssyncadd.s32 $0xFFFFFF80  }
0x11: {  	[tilespmem:s8], [sflag:$0x1] =	stream.indirect.gather [hbm4b:s1+s8], $0x80, s3, s8, $0xb8;
	[tilespmem:$0x4080] =	vst v63  }
0x12: {  	_ =	swait.ge [sflag:s9], $0x4000  }
0x13: {  	[sflag:s9] =	ssyncset.done $0x0  }
0x14: {  	[sflag:s9] =	ssyncadd.s32 $0xFFFFC000  }
0x15: {  	[hbm4b:s5+s3] =	stream.linear.scatter [tilespmem:s8], [sflag:$0x2], $0x4000, $0x38;
	[tilespmem:$0x4080] =	vst v63  }
0x16: {  	s12 =	simm.s32 $0x10;
	_ =	swait.ge [sflag:s7], $0x4000  }
0x17: {  	s13 =	simm.s32 $0x20;
	s11 =	sadd.s32 $0x800, s5;
	[sflag:s7] =	ssyncset.done $0x0  }
.LBB2_2:
0x18: {  	s14 =	sadd.s32 s12, s6  }
0x19: {  	[sflag:s7] =	ssyncadd.s32 $0xFFFFC000;
	s12 =	smov.u32 s13;
	s15 =	sadd.s32 $0x10, s13  }
0x1a: {  	[tilespmem:s3], [sflag:$0x2] =	stream.linear.gather [hbm4b:s14+s3], $0x80, $0x38;
	[tilespmem:$0x4080] =	vst v63  }
0x1b: {  	p0 =	sne.s32 s13, $0xF0;
	_ =	swait.ge [sflag:s7], $0x80  }
0x1c: {  	[sflag:s7] =	ssyncset.done $0x0  }
0x1d: {  	[sflag:s7] =	ssyncadd.s32 $0xFFFFFF80  }
0x1e: {  	[tilespmem:s8], [sflag:$0x1] =	stream.indirect.gather [hbm4b:s1+s8], $0x80, s3, s8, $0xb8;
	[tilespmem:$0x4080] =	vst v63  }
0x1f: {  	_ =	swait.ge [sflag:s9], $0x4000  }
.Ltmp0:
0x20: {  	[sflag:s9] =	ssyncset.done $0x0;
	(pc) =	sbr.rel @p0 .LBB2_2-.Ltmp0, $4  }
0x21: {  	[sflag:s9] =	ssyncadd.s32 $0xFFFFC000  }
0x22: {  	[hbm4b:s11+s3] =	stream.linear.scatter [tilespmem:s8], [sflag:$0x2], $0x4000, $0x38;
	[tilespmem:$0x4080] =	vst v63  }
0x23: {  	_ =	swait.ge [sflag:s7], $0x4000  }
0x24: {  	s13 =	smov.u32 s15;
	s11 =	sadd.s32 $0x800, s11;
	[sflag:s7] =	ssyncset.done $0x0  }
0x25: {  	s12 =	sadd.s32 s12, s6;
	[sflag:s7] =	ssyncadd.s32 $0xFFFFC000  }
0x26: {  	[tilespmem:s3], [sflag:$0x2] =	stream.linear.gather [hbm4b:s12+s3], $0x80, $0x38;
	[tilespmem:$0x4080] =	vst v63  }
0x27: {  	_ =	swait.ge [sflag:s7], $0x80  }
0x28: {  	[sflag:s7] =	ssyncset.done $0x0  }
0x29: {  	[sflag:s7] =	ssyncadd.s32 $0xFFFFFF80  }
0x2a: {  	[tilespmem:s8], [sflag:$0x1] =	stream.indirect.gather [hbm4b:s1+s8], $0x80, s3, s8, $0xb8;
	[tilespmem:$0x4080] =	vst v63  }
0x2b: {  	s10 =	sadd.s32 $0x1, s10;
	_ =	swait.ge [sflag:s9], $0x4000  }
0x2c: {  	p0 =	sne.s32 s10, s4;
	[sflag:s9] =	ssyncset.done $0x0  }
.Ltmp1:
0x2d: {  	[sflag:s9] =	ssyncadd.s32 $0xFFFFC000;
	(pc) =	sbr.rel @p0 .LBB2_1-.Ltmp1, $4  }
0x2e: {  	[hbm4b:s11+s3] =	stream.linear.scatter [tilespmem:s8], [sflag:$0x2], $0x4000, $0x38;
	[tilespmem:$0x4080] =	vst v63  }
0x2f: {  	_ =	swait.ge [sflag:s7], $0x4000  }
0x30: {  	[sflag:s7] =	ssyncset.done $0x0  }
0x31: {  	[sflag:s7] =	ssyncadd.s32 $0xFFFFC000  }
0x32: {  	_ =	sfence.sel $0x180000  }
0x33: {  	[bflag:$0x0] =	sbarrier.arrive $0xFFFF  }
0x34: {  	p0 =	sne.s32 s2, $0x0;
	_ =	strace $0x90000047  }
0x35: {  	s0 =	sadd.s32 @!p0 $0x100000, s0;
	[bflag:$0x2] =	sbarrier.arrive $0xFFFF  }
0x36: {  	[sflag:s0] =	ssyncadd.tile.s32 @!p0 $0x1;
	_ =	shalt  }
.Lfunc_end2:
_tile_overlayer_lowered:
.L_overlay_start_2:
0x37: {  	(tag) =	ssettag $0x2  }
0x38: {  	s0 =	rddreg [dreg:$0x0];
	s2 =	stileid.u32  }
0x39: {  	s1 =	rddreg [dreg:$0x1];
	p0 =	sne.s32 s2, $0x0  }
0x3a: {  	s3 =	rddreg [dreg:$0x2];
	[bflag:$0x3] =	sbarrier.arrive $0xFFFF;
	s2 =	simm.s32 @!p0 $0x1C02  }
0x3b: {  	[timem:s3], [sflag:s2] =	dma.local @!p0 [hbm:s0], s1  }
0x3c: {  	s0 =	simm.s32 @!p0 $0x2  }
0x3d: {  	_ =	swait.ge @!p0 [sflag:s0], s1  }
0x3e: {  	s1 =	ssub.s32 @!p0 $0x0, s1;
	[sflag:s0] =	ssyncset.done @!p0 $0x0  }
0x3f: {  	[sflag:s0] =	ssyncadd.s32 @!p0 s1  }
0x40: {  	[bflag:$0x3] =	sbarrier.arrive $0xFFFF  }
0x41: {  	_ =	shalt  }

// kernel: kernel.29.cloned.1.call-start
scs
__scs_entry_jumppad:
0x0: {  	(pc) =	sbr.rel $0x88, $3  }
0x1: {  	(tag) =	ssettag $0x0;
	lr =	simm.s32 $0x1  }
0x2: {  	[smem:$0x3F99] =	sst lr;
	_ =	strace $0xD0000000  }
0x3: {  	_ = 	snop  }
0x4: {  	_ = 	snop  }
0x5: {  	_ = 	snop  }
0x6: {  	_ = 	snop  }
0x7: {  	_ = 	snop  }
__scs_overlays_trampoline_lowered:
0x8: {  	[smem:$0x3FA8] =	sst s0  }
0x9: {  	[smem:$0x3FA9] =	sst s1  }
0xa: {  	[smem:$0x3FAA] =	sst s2  }
0xb: {  	[smem:$0x3FAB] =	sst s3  }
0xc: {  	[smem:$0x3FAC] =	sst s4  }
0xd: {  	[smem:$0x3FAD] =	sst s5  }
0xe: {  	[smem:$0x3FAE] =	sst s6  }
0xf: {  	[smem:$0x3FAF] =	sst s7  }
0x10: {  	[smem:$0x3FB0] =	sst s8  }
0x11: {  	[smem:$0x3FB1] =	sst s9;
	s0 =	simm.s32 @!p0 $0x0  }
0x12: {  	s1 =	sld [smem:$0x3F97];
	s0 =	simm.s32 @p0 $0x1  }
0x13: {  	[smem:$0x3FB2] =	sst s0;
	s0 =	simm.s32 @!p1 $0x0  }
0x14: {  	s2 =	sld [smem:$0x3F96];
	s0 =	simm.s32 @p1 $0x1  }
0x15: {  	[smem:$0x3FB3] =	sst s0;
	s0 =	simm.s32 @!p2 $0x0  }
0x16: {  	s3 =	sld [smem:$0x3FDB];
	s0 =	simm.s32 @p2 $0x1  }
0x17: {  	s4 =	simm.s32 $0x1BF5;
	[smem:$0x3FB5] =	sst s0  }
0x18: {  	s0 =	sld [smem:$0x3F98];
	_ =	swait.ge [sflag:s4], $0x0  }
0x19: {  	s7 =	sld [smem:$0x3F99]  }
0x1a: {  	s8 =	sadd.s32 $0xFFFFE003, lr  }
0x1b: {  	s9 =	sadd.s32 $0xFFFFFEF7, lr;
	s5 =	simm.s32 $0xFFFFFFFF;
	p2 =	slt.u32 s8, $0xFFFFF086  }
0x1c: {  	p1 =	slt.u32 s9, $0xF7A;
	s5 =	simm.s32 @!p2 $0x0  }
0x1d: {  	s5 =	simm.s32 @p1 $0x1;
	p0 =	seq.s32 s7, s2  }
0x1e: {  	s7 =	smul.u32 @!p0 $0xF7A, s2;
	p2 =	seq.s32 @!p0 s5, $0x0  }
0x1f: {  	s9 =	smul.u32 $0xF7A, s1;
	s8 =	simm.s32 @!p0 $0x1BF5;
	p2 =	por !p2, p0  }
0x20: {  	[sflag:s8] =	ssyncset.s32 @!p0 $0xFFFFF086;
	s6 =	sadd.s32 @!p0 s3, s7;
	s7 =	simm.s32 @!p0 $0x108  }
0x21: {  	s3 =	sadd.s32 s3, s9;
	s6 =	sadd.s32 @!p0 $0x88, s6;
	s7 =	simm.s32 @p2 $0x1082  }
0x22: {  	[simem:s7], [sflag:s8] =	dma.local @!p0 [hbm:s6], $0xF7A  }
0x23: {  	s9 =	sor.u32 $0xD0000000, s2;
	s6 =	simm.s32 $0x108;
	_ =	swait.ge @!p0 [sflag:s8], $0x0  }
0x24: {  	s3 =	sadd.s32 $0x88, s3;
	s6 =	simm.s32 @!p1 $0x1082;
	[sflag:s4] =	ssyncset.s32 $0xFFFFF086  }
0x25: {  	[simem:s6], [sflag:s4] =	dma.local [hbm:s3], $0xF7A  }
0x26: {  	[smem:$0x3F99] =	sst s1;
	(tag) =	ssettag s2;
	_ =	strace s9  }
0x27: {  	s1 =	sld [smem:$0x3FA9]  }
0x28: {  	s2 =	sld [smem:$0x3FAA]  }
0x29: {  	s4 =	sld [smem:$0x3FAC]  }
0x2a: {  	p0 =	seq.s32 s5, $0x0;
	s5 =	sld [smem:$0x3FAD]  }
0x2b: {  	s6 =	sld [smem:$0x3FAE]  }
0x2c: {  	s7 =	sld [smem:$0x3FAF]  }
0x2d: {  	s3 =	simm.s32 $0x108;
	s8 =	sld [smem:$0x3FB0]  }
0x2e: {  	s3 =	simm.s32 @!p0 $0x1082;
	s9 =	sld [smem:$0x3FB1]  }
0x2f: {  	lr =	sadd.s32 s0, s3;
	s0 =	sld [smem:$0x3FA8]  }
0x30: {  	s3 =	sld [smem:$0x3FAB]  }
0x31: {  	[smem:$0x3FB4] =	sst s10  }
0x32: {  	s10 =	sld [smem:$0x3FB2];
	_ =	sdelay $0x3  }
0x33: {  	p0 =	seq.s32 s10, $0x1;
	s10 =	sld [smem:$0x3FB4];
	_ =	sdelay $0x3  }
0x34: {  	[smem:$0x3FB4] =	sst s10  }
0x35: {  	s10 =	sld [smem:$0x3FB3];
	_ =	sdelay $0x3  }
0x36: {  	p1 =	seq.s32 s10, $0x1;
	s10 =	sld [smem:$0x3FB4];
	_ =	sdelay $0x3  }
0x37: {  	[smem:$0x3FB4] =	sst s10  }
0x38: {  	s10 =	sld [smem:$0x3FB5]  }
0x39: {  	_ = 	snop;
	(pc) =	sbr.ind lr, $3  }
0x3a: {  	_ = 	snop  }
0x3b: {  	_ = 	snop  }
0x3c: {  	p2 =	seq.s32 s10, $0x1;
	s10 =	sld [smem:$0x3FB4]  }
0x3d: {  	_ =	shalt  }
0x3e: {  	_ =	shalt  }
0x3f: {  	_ =	shalt  }
0x40: {  	_ =	shalt  }
0x41: {  	_ =	shalt  }
0x42: {  	_ =	shalt  }
0x43: {  	_ =	shalt  }
0x44: {  	_ =	shalt  }
0x45: {  	_ =	shalt  }
0x46: {  	_ =	shalt  }
0x47: {  	_ =	shalt  }
0x48: {  	_ =	shalt  }
0x49: {  	_ =	shalt  }
0x4a: {  	_ =	shalt  }
0x4b: {  	_ =	shalt  }
0x4c: {  	_ =	shalt  }
0x4d: {  	_ =	shalt  }
0x4e: {  	_ =	shalt  }
0x4f: {  	_ =	shalt  }
0x50: {  	_ =	shalt  }
0x51: {  	_ =	shalt  }
0x52: {  	_ =	shalt  }
0x53: {  	_ =	shalt  }
0x54: {  	_ =	shalt  }
0x55: {  	_ =	shalt  }
0x56: {  	_ =	shalt  }
0x57: {  	_ =	shalt  }
0x58: {  	_ =	shalt  }
0x59: {  	_ =	shalt  }
0x5a: {  	_ =	shalt  }
0x5b: {  	_ =	shalt  }
0x5c: {  	_ =	shalt  }
0x5d: {  	_ =	shalt  }
0x5e: {  	_ =	shalt  }
0x5f: {  	_ =	shalt  }
0x60: {  	_ =	shalt  }
0x61: {  	_ =	shalt  }
0x62: {  	_ =	shalt  }
0x63: {  	_ =	shalt  }
0x64: {  	_ =	shalt  }
0x65: {  	_ =	shalt  }
0x66: {  	_ =	shalt  }
0x67: {  	_ =	shalt  }
0x68: {  	_ =	shalt  }
0x69: {  	_ =	shalt  }
0x6a: {  	_ =	shalt  }
0x6b: {  	_ =	shalt  }
0x6c: {  	_ =	shalt  }
0x6d: {  	_ =	shalt  }
0x6e: {  	_ =	shalt  }
0x6f: {  	_ =	shalt  }
0x70: {  	_ =	shalt  }
0x71: {  	_ =	shalt  }
0x72: {  	_ =	shalt  }
0x73: {  	_ =	shalt  }
0x74: {  	_ =	shalt  }
0x75: {  	_ =	shalt  }
0x76: {  	_ =	shalt  }
0x77: {  	_ =	shalt  }
0x78: {  	_ =	shalt  }
0x79: {  	_ =	shalt  }
0x7a: {  	_ =	shalt  }
0x7b: {  	_ =	shalt  }
0x7c: {  	_ =	shalt  }
0x7d: {  	_ =	shalt  }
0x7e: {  	_ =	shalt  }
0x7f: {  	_ =	shalt  }
0x80: {  	_ =	shalt  }
0x81: {  	_ =	shalt  }
0x82: {  	_ =	shalt  }
0x83: {  	_ =	shalt  }
0x84: {  	_ =	shalt  }
0x85: {  	_ =	shalt  }
0x86: {  	_ =	shalt  }
0x87: {  	_ =	shalt  }
.Lfunc_end0:
.L_simem_size_0:
called_computation.2_lowered:
.L_overlay_start_0:
0x88: {  	s2 =	sld [smem:$0x3FD9]  }
0x89: {  	s3 =	sld [smem:$0x3FFE];
	_ =	sdelay $0x1  }
0x8a: {  	s1 =	srdreg.scid  }
0x8b: {  	s0 =	sand.u32 $0x1, s1  }
0x8c: {  	s17 =	sshll.u32 s0, $0xA;
	s2 =	sadd.s32 s3, s2  }
0x8d: {  	s2 =	sadd.s32 s2, s17  }
0x8e: {  	[smem:$0x3FC0] =	sst s2  }
0x8f: {  	_ = 	snop  }
0x90: {  	s18 =	sld [smem:$0x3FD0];
	(tm) =	ssettm $0x1  }
0x91: {  	s19 =	sld [smem:$0x3FFB];
	_ =	sdelay $0x3  }
0x92: {  	_ =	strace s19  }
0x93: {  	s2 =	sld [smem:$0x3FFC];
	_ =	sdelay $0x3  }
0x94: {  	_ =	strace s2  }
0x95: {  	s2 =	sld [smem:$0x3FFD];
	_ =	sdelay $0x3  }
0x96: {  	_ =	strace s2  }
0x97: {  	_ =	strace $0x8FFFFFFF  }
0x98: {  	s20 =	sld [smem:$0x3FDB];
	_ =	sdelay $0x1  }
0x99: {  	s4 =	simm.s32 $_scs_section_size  }
0x9a: {  	s5 =	simm.s32 $_size__tile_overlayer_lowered;
	s6 =	simm.s32 $_tile_overlayer_lowered  }
0x9b: {  	s7 =	simm.s32 $0x1BFF;
	s21 =	sshll.u32 s6, $0x1;
	s4 =	sadd.s32 s4, s20  }
0x9c: {  	s22 =	simm.s32 $0x0;
	s5 =	sshll.u32 s5, $0x1;
	s6 =	sadd.s32 s21, s4  }
0x9d: {  	[timem:s22], [sflag:s7] =	dma.local [hbm:s6], s5  }
0x9e: {  	_ =	swait.ge [sflag:s7], s5  }
0x9f: {  	s5 =	ssub.s32 $0x0, s5;
	[sflag:s7] =	ssyncset.done $0x0  }
0xa0: {  	[sflag:s7] =	ssyncadd.s32 s5;
	_ =	sdelay $0x1  }
0xa1: {  	s23 =	simm.s32 $0x1B8B  }
0xa2: {  	_ =	swait.ge [sflag:s23], $0x1  }
0xa3: {  	[sflag:s23] =	ssyncset.done $0x0  }
0xa4: {  	[sflag:s23] =	ssyncadd.s32 $0xFFFFFFFF  }
0xa5: {  	s5 =	sld [smem:$0x0]  }
0xa6: {  	s6 =	sand.u32 $0xFFFFFFFE, s1  }
0xa7: {  	p0 =	sne.s32 s1, s6  }
0xa8: {  	s6 =	sshll.u32 @p0 s6, $0xE  }
0xa9: {  	s6 =	sadd.s32 @p0 $0x11B8D, s6;
	s7 =	sshll.u32 @p0 s5, $0x11  }
0xaa: {  	s6 =	sor.u32 @p0 s7, s6  }
0xab: {  	[sflag:s6] =	ssyncadd.remote.s32 @p0 $0x1;
	_ =	sdelay $0x1  }
0xac: {  	s6 =	simm.s32 @p0 $0x1B8D  }
0xad: {  	_ =	swait.eq @p0 [sflag:s6], $0x1  }
0xae: {  	[sflag:s6] =	ssyncadd.s32 @p0 $0xFFFFFFFF  }
0xaf: {  	s7 =	sshll.u32 @!p0 s1, $0xE  }
0xb0: {  	s7 =	sor.u32 @!p0 $0x4000, s7;
	s6 =	simm.s32 @!p0 $0x1B8D  }
0xb1: {  	s5 =	sshll.u32 @!p0 s5, $0x11;
	s7 =	sadd.s32 @!p0 $0x11B8D, s7;
	_ =	swait.eq @!p0 [sflag:s6], $0x1  }
0xb2: {  	s5 =	sor.u32 @!p0 s5, s7;
	[sflag:s6] =	ssyncadd.s32 @!p0 $0xFFFFFFFF  }
0xb3: {  	s25 =	simm.s32 $0x1B8E;
	s24 =	sld [smem:$0x3FFE];
	[sflag:s5] =	ssyncadd.remote.s32 @!p0 $0x1  }
0xb4: {  	s26 =	simm.s32 $execute0_lowered;
	[smem:$0x3FD2] =	sst s25  }
0xb5: {  	s6 =	sshll.u32 s26, $0x1;
	_ =	strace $0x8000004C;
	[dreg:$0x1] =	wrdreg $0xFFFFFFFF  }
0xb6: {  	s28 =	simm.s32 $_size_execute0_lowered;
	s4 =	sadd.s32 s4, s6;
	[dreg:$0x0] =	wrdreg $0x0  }
0xb7: {  	s6 =	sshll.u32 s28, $0x1;
	[dreg:$0x2] =	wrdreg s4  }
0xb8: {  	[dreg:$0x3] =	wrdreg s6  }
0xb9: {  	[dreg:$0x4] =	wrdreg $0xC0  }
0xba: {  	_ =	task [dreg:s22], $0x5FFFF  }
0xbb: {  	[dreg:$0x1] =	wrdreg $0xFFFFFFFF  }
0xbc: {  	[dreg:$0x0] =	wrdreg $0x60  }
0xbd: {  	[dreg:$0x2] =	wrdreg s18  }
0xbe: {  	[dreg:$0x3] =	wrdreg s24  }
0xbf: {  	[dreg:$0x4] =	wrdreg $0xB  }
0xc0: {  	_ =	task.clear_ibuf [dreg:s22], $0x5FFFF;
	_ =	strace $0x9000004C  }
0xc1: {  	s29 =	simm.s32 $0xB;
	_ =	strace $0x8000004E  }
0xc2: {  	_ =	swait.ge [sflag:s29], $0x1  }
0xc3: {  	[sflag:s29] =	ssyncadd.s32 $0xFFFFFFFF  }
0xc4: {  	_ =	strace $0x9000004E  }
0xc5: {  	_ =	sfence  }
0xc6: {  	s30 =	sld [smem:$0x0];
	_ =	sdelay $0x2  }
0xc7: {  	s31 =	sshll.u32 s1, $0xD;
	s1 =	sshrl.u32 s1, $0x2  }
0xc8: {  	s4 =	sand.u32 $0x4000, s31;
	s1 =	sadd.s32 s1, s30  }
0xc9: {  	s0 =	sor.u32 s4, s0;
	s1 =	sshll.u32 s1, $0x11  }
0xca: {  	s0 =	sor.u32 s1, s0  }
0xcb: {  	s0 =	sadd.s32 $0x8F2B, s0  }
0xcc: {  	[sflag:s0] =	ssyncadd.remote.s32 $0x1  }
0xcd: {  	_ =	sfence.sel $0xFFFF  }
0xce: {  	[dreg:$0x0] =	wrdreg $0xFFFFFFFF;
	(pc) =	sbr.abs _section_cstart, $3  }
0xcf: {  	[dreg:$0x1] =	wrdreg $0xFFFFFFFF  }
0xd0: {  	_ =	task.clear_ibuf [dreg:s22], $0x2FFFF;
	_ =	strace $0x9FFFFFFF  }
0xd1: {  	(tm) =	ssettm $0x7FFFFFFF  }
tec
execute0_lowered:
.L_overlay_start_1:
0x0: {  	(tag) =	ssettag $0x1  }
0x1: {  	s1 =	rddreg [dreg:$0x0]  }
0x2: {  	s4 =	rddreg [dreg:$0x1]  }
0x3: {  	s0 =	rddreg [dreg:$0x2];
	s5 =	srdreg.scid  }
0x4: {  	s3 =	simm.s32 $0x0;
	s2 =	stileid.u32;
	s10 =	simm.s32 $0x0  }
0x5: {  	s5 =	sand.u32 $0x1, s5;
	[smem:$0x7FF] =	sst s3;
	s6 =	sshll.u32 s2, $0xC  }
0x6: {  	s8 =	sshll.u32 s2, $0x10;
	s7 =	sshll.u32 s5, $0xB;
	_ =	strace $0x8000004D  }
0x7: {  	s31 =	ssub.s32 $0x2, s5;
	s8 =	sadd.s32 s8, s4;
	s5 =	sshll.u32 s5, $0xF  }
0x8: {  	s6 =	sor.u32 s7, s6;
	s9 =	sshrl.u32 s31, $0x1;
	s5 =	sadd.s32 s5, s8  }
0x9: {  	s8 =	simm.s32 $0x80;
	s6 =	sshrl.u32 s6, $0x3;
	s7 =	ssub.s32 s31, s9  }
0xa: {  	s5 =	sadd.s32 $0x249E00, s5;
	s9 =	simm.s32 $0x1;
	s6 =	sadd.s32 s6, s4  }
0xb: {  	s4 =	smax.u32 s7, $0x1;
	s7 =	simm.s32 $0x2;
	s6 =	sadd.s32 $0x247E00, s6  }
.LBB2_1:
0xc: {  	s11 =	sadd.s32 $0x0, s6  }
0xd: {  	[tilespmem:s3], [sflag:$0x2] =	stream.linear.gather [hbm4b:s11+s3], $0x80, $0x38;
	[tilespmem:$0x4080] =	vst v63  }
0xe: {  	_ =	swait.ge [sflag:s7], $0x80  }
0xf: {  	[sflag:s7] =	ssyncset.done $0x0  }
0x10: {  	[sflag:s7] =	ssyncadd.s32 $0xFFFFFF80  }
0x11: {  	[tilespmem:s8], [sflag:$0x1] =	stream.indirect.gather [hbm4b:s1+s8], $0x80, s3, s8, $0xb8;
	[tilespmem:$0x4080] =	vst v63  }
0x12: {  	_ =	swait.ge [sflag:s9], $0x4000  }
0x13: {  	[sflag:s9] =	ssyncset.done $0x0  }
0x14: {  	[sflag:s9] =	ssyncadd.s32 $0xFFFFC000  }
0x15: {  	[hbm4b:s5+s3] =	stream.linear.scatter [tilespmem:s8], [sflag:$0x2], $0x4000, $0x38;
	[tilespmem:$0x4080] =	vst v63  }
0x16: {  	s12 =	simm.s32 $0x10;
	_ =	swait.ge [sflag:s7], $0x4000  }
0x17: {  	s13 =	simm.s32 $0x20;
	s11 =	sadd.s32 $0x800, s5;
	[sflag:s7] =	ssyncset.done $0x0  }
.LBB2_2:
0x18: {  	s14 =	sadd.s32 s12, s6  }
0x19: {  	[sflag:s7] =	ssyncadd.s32 $0xFFFFC000;
	s12 =	smov.u32 s13;
	s15 =	sadd.s32 $0x10, s13  }
0x1a: {  	[tilespmem:s3], [sflag:$0x2] =	stream.linear.gather [hbm4b:s14+s3], $0x80, $0x38;
	[tilespmem:$0x4080] =	vst v63  }
0x1b: {  	p0 =	sne.s32 s13, $0xF0;
	_ =	swait.ge [sflag:s7], $0x80  }
0x1c: {  	[sflag:s7] =	ssyncset.done $0x0  }
0x1d: {  	[sflag:s7] =	ssyncadd.s32 $0xFFFFFF80  }
0x1e: {  	[tilespmem:s8], [sflag:$0x1] =	stream.indirect.gather [hbm4b:s1+s8], $0x80, s3, s8, $0xb8;
	[tilespmem:$0x4080] =	vst v63  }
0x1f: {  	_ =	swait.ge [sflag:s9], $0x4000  }
.Ltmp0:
0x20: {  	[sflag:s9] =	ssyncset.done $0x0;
	(pc) =	sbr.rel @p0 .LBB2_2-.Ltmp0, $4  }
0x21: {  	[sflag:s9] =	ssyncadd.s32 $0xFFFFC000  }
0x22: {  	[hbm4b:s11+s3] =	stream.linear.scatter [tilespmem:s8], [sflag:$0x2], $0x4000, $0x38;
	[tilespmem:$0x4080] =	vst v63  }
0x23: {  	_ =	swait.ge [sflag:s7], $0x4000  }
0x24: {  	s13 =	smov.u32 s15;
	s11 =	sadd.s32 $0x800, s11;
	[sflag:s7] =	ssyncset.done $0x0  }
0x25: {  	s12 =	sadd.s32 s12, s6;
	[sflag:s7] =	ssyncadd.s32 $0xFFFFC000  }
0x26: {  	[tilespmem:s3], [sflag:$0x2] =	stream.linear.gather [hbm4b:s12+s3], $0x80, $0x38;
	[tilespmem:$0x4080] =	vst v63  }
0x27: {  	_ =	swait.ge [sflag:s7], $0x80  }
0x28: {  	[sflag:s7] =	ssyncset.done $0x0  }
0x29: {  	[sflag:s7] =	ssyncadd.s32 $0xFFFFFF80  }
0x2a: {  	[tilespmem:s8], [sflag:$0x1] =	stream.indirect.gather [hbm4b:s1+s8], $0x80, s3, s8, $0xb8;
	[tilespmem:$0x4080] =	vst v63  }
0x2b: {  	s10 =	sadd.s32 $0x1, s10;
	_ =	swait.ge [sflag:s9], $0x4000  }
0x2c: {  	p0 =	sne.s32 s10, s4;
	[sflag:s9] =	ssyncset.done $0x0  }
.Ltmp1:
0x2d: {  	[sflag:s9] =	ssyncadd.s32 $0xFFFFC000;
	(pc) =	sbr.rel @p0 .LBB2_1-.Ltmp1, $4  }
0x2e: {  	[hbm4b:s11+s3] =	stream.linear.scatter [tilespmem:s8], [sflag:$0x2], $0x4000, $0x38;
	[tilespmem:$0x4080] =	vst v63  }
0x2f: {  	_ =	swait.ge [sflag:s7], $0x4000  }
0x30: {  	[sflag:s7] =	ssyncset.done $0x0  }
0x31: {  	[sflag:s7] =	ssyncadd.s32 $0xFFFFC000  }
0x32: {  	_ =	sfence.sel $0x180000  }
0x33: {  	[bflag:$0x0] =	sbarrier.arrive $0xFFFF  }
0x34: {  	p0 =	sne.s32 s2, $0x0;
	_ =	strace $0x9000004D  }
0x35: {  	s0 =	sadd.s32 @!p0 $0x100000, s0;
	[bflag:$0x2] =	sbarrier.arrive $0xFFFF  }
0x36: {  	[sflag:s0] =	ssyncadd.tile.s32 @!p0 $0x1;
	_ =	shalt  }
.Lfunc_end2:
_tile_overlayer_lowered:
.L_overlay_start_2:
0x37: {  	(tag) =	ssettag $0x2  }
0x38: {  	s0 =	rddreg [dreg:$0x0];
	s2 =	stileid.u32  }
0x39: {  	s1 =	rddreg [dreg:$0x1];
	p0 =	sne.s32 s2, $0x0  }
0x3a: {  	s3 =	rddreg [dreg:$0x2];
	[bflag:$0x3] =	sbarrier.arrive $0xFFFF;
	s2 =	simm.s32 @!p0 $0x1C02  }
0x3b: {  	[timem:s3], [sflag:s2] =	dma.local @!p0 [hbm:s0], s1  }
0x3c: {  	s0 =	simm.s32 @!p0 $0x2  }
0x3d: {  	_ =	swait.ge @!p0 [sflag:s0], s1  }
0x3e: {  	s1 =	ssub.s32 @!p0 $0x0, s1;
	[sflag:s0] =	ssyncset.done @!p0 $0x0  }
0x3f: {  	[sflag:s0] =	ssyncadd.s32 @!p0 s1  }
0x40: {  	[bflag:$0x3] =	sbarrier.arrive $0xFFFF  }
0x41: {  	_ =	shalt  }

// kernel: kernel.32.cloned.1.call-start
scs
__scs_entry_jumppad:
0x0: {  	(pc) =	sbr.rel $0x88, $3  }
0x1: {  	(tag) =	ssettag $0x0;
	lr =	simm.s32 $0x1  }
0x2: {  	[smem:$0x3F99] =	sst lr;
	_ =	strace $0xD0000000  }
0x3: {  	_ = 	snop  }
0x4: {  	_ = 	snop  }
0x5: {  	_ = 	snop  }
0x6: {  	_ = 	snop  }
0x7: {  	_ = 	snop  }
__scs_overlays_trampoline_lowered:
0x8: {  	[smem:$0x3FA8] =	sst s0  }
0x9: {  	[smem:$0x3FA9] =	sst s1  }
0xa: {  	[smem:$0x3FAA] =	sst s2  }
0xb: {  	[smem:$0x3FAB] =	sst s3  }
0xc: {  	[smem:$0x3FAC] =	sst s4  }
0xd: {  	[smem:$0x3FAD] =	sst s5  }
0xe: {  	[smem:$0x3FAE] =	sst s6  }
0xf: {  	[smem:$0x3FAF] =	sst s7  }
0x10: {  	[smem:$0x3FB0] =	sst s8  }
0x11: {  	[smem:$0x3FB1] =	sst s9;
	s0 =	simm.s32 @!p0 $0x0  }
0x12: {  	s1 =	sld [smem:$0x3F97];
	s0 =	simm.s32 @p0 $0x1  }
0x13: {  	[smem:$0x3FB2] =	sst s0;
	s0 =	simm.s32 @!p1 $0x0  }
0x14: {  	s2 =	sld [smem:$0x3F96];
	s0 =	simm.s32 @p1 $0x1  }
0x15: {  	[smem:$0x3FB3] =	sst s0;
	s0 =	simm.s32 @!p2 $0x0  }
0x16: {  	s3 =	sld [smem:$0x3FDB];
	s0 =	simm.s32 @p2 $0x1  }
0x17: {  	s4 =	simm.s32 $0x1BF5;
	[smem:$0x3FB5] =	sst s0  }
0x18: {  	s0 =	sld [smem:$0x3F98];
	_ =	swait.ge [sflag:s4], $0x0  }
0x19: {  	s7 =	sld [smem:$0x3F99]  }
0x1a: {  	s8 =	sadd.s32 $0xFFFFE003, lr  }
0x1b: {  	s9 =	sadd.s32 $0xFFFFFEF7, lr;
	s5 =	simm.s32 $0xFFFFFFFF;
	p2 =	slt.u32 s8, $0xFFFFF086  }
0x1c: {  	p1 =	slt.u32 s9, $0xF7A;
	s5 =	simm.s32 @!p2 $0x0  }
0x1d: {  	s5 =	simm.s32 @p1 $0x1;
	p0 =	seq.s32 s7, s2  }
0x1e: {  	s7 =	smul.u32 @!p0 $0xF7A, s2;
	p2 =	seq.s32 @!p0 s5, $0x0  }
0x1f: {  	s9 =	smul.u32 $0xF7A, s1;
	s8 =	simm.s32 @!p0 $0x1BF5;
	p2 =	por !p2, p0  }
0x20: {  	[sflag:s8] =	ssyncset.s32 @!p0 $0xFFFFF086;
	s6 =	sadd.s32 @!p0 s3, s7;
	s7 =	simm.s32 @!p0 $0x108  }
0x21: {  	s3 =	sadd.s32 s3, s9;
	s6 =	sadd.s32 @!p0 $0x88, s6;
	s7 =	simm.s32 @p2 $0x1082  }
0x22: {  	[simem:s7], [sflag:s8] =	dma.local @!p0 [hbm:s6], $0xF7A  }
0x23: {  	s9 =	sor.u32 $0xD0000000, s2;
	s6 =	simm.s32 $0x108;
	_ =	swait.ge @!p0 [sflag:s8], $0x0  }
0x24: {  	s3 =	sadd.s32 $0x88, s3;
	s6 =	simm.s32 @!p1 $0x1082;
	[sflag:s4] =	ssyncset.s32 $0xFFFFF086  }
0x25: {  	[simem:s6], [sflag:s4] =	dma.local [hbm:s3], $0xF7A  }
0x26: {  	[smem:$0x3F99] =	sst s1;
	(tag) =	ssettag s2;
	_ =	strace s9  }
0x27: {  	s1 =	sld [smem:$0x3FA9]  }
0x28: {  	s2 =	sld [smem:$0x3FAA]  }
0x29: {  	s4 =	sld [smem:$0x3FAC]  }
0x2a: {  	p0 =	seq.s32 s5, $0x0;
	s5 =	sld [smem:$0x3FAD]  }
0x2b: {  	s6 =	sld [smem:$0x3FAE]  }
0x2c: {  	s7 =	sld [smem:$0x3FAF]  }
0x2d: {  	s3 =	simm.s32 $0x108;
	s8 =	sld [smem:$0x3FB0]  }
0x2e: {  	s3 =	simm.s32 @!p0 $0x1082;
	s9 =	sld [smem:$0x3FB1]  }
0x2f: {  	lr =	sadd.s32 s0, s3;
	s0 =	sld [smem:$0x3FA8]  }
0x30: {  	s3 =	sld [smem:$0x3FAB]  }
0x31: {  	[smem:$0x3FB4] =	sst s10  }
0x32: {  	s10 =	sld [smem:$0x3FB2];
	_ =	sdelay $0x3  }
0x33: {  	p0 =	seq.s32 s10, $0x1;
	s10 =	sld [smem:$0x3FB4];
	_ =	sdelay $0x3  }
0x34: {  	[smem:$0x3FB4] =	sst s10  }
0x35: {  	s10 =	sld [smem:$0x3FB3];
	_ =	sdelay $0x3  }
0x36: {  	p1 =	seq.s32 s10, $0x1;
	s10 =	sld [smem:$0x3FB4];
	_ =	sdelay $0x3  }
0x37: {  	[smem:$0x3FB4] =	sst s10  }
0x38: {  	s10 =	sld [smem:$0x3FB5]  }
0x39: {  	_ = 	snop;
	(pc) =	sbr.ind lr, $3  }
0x3a: {  	_ = 	snop  }
0x3b: {  	_ = 	snop  }
0x3c: {  	p2 =	seq.s32 s10, $0x1;
	s10 =	sld [smem:$0x3FB4]  }
0x3d: {  	_ =	shalt  }
0x3e: {  	_ =	shalt  }
0x3f: {  	_ =	shalt  }
0x40: {  	_ =	shalt  }
0x41: {  	_ =	shalt  }
0x42: {  	_ =	shalt  }
0x43: {  	_ =	shalt  }
0x44: {  	_ =	shalt  }
0x45: {  	_ =	shalt  }
0x46: {  	_ =	shalt  }
0x47: {  	_ =	shalt  }
0x48: {  	_ =	shalt  }
0x49: {  	_ =	shalt  }
0x4a: {  	_ =	shalt  }
0x4b: {  	_ =	shalt  }
0x4c: {  	_ =	shalt  }
0x4d: {  	_ =	shalt  }
0x4e: {  	_ =	shalt  }
0x4f: {  	_ =	shalt  }
0x50: {  	_ =	shalt  }
0x51: {  	_ =	shalt  }
0x52: {  	_ =	shalt  }
0x53: {  	_ =	shalt  }
0x54: {  	_ =	shalt  }
0x55: {  	_ =	shalt  }
0x56: {  	_ =	shalt  }
0x57: {  	_ =	shalt  }
0x58: {  	_ =	shalt  }
0x59: {  	_ =	shalt  }
0x5a: {  	_ =	shalt  }
0x5b: {  	_ =	shalt  }
0x5c: {  	_ =	shalt  }
0x5d: {  	_ =	shalt  }
0x5e: {  	_ =	shalt  }
0x5f: {  	_ =	shalt  }
0x60: {  	_ =	shalt  }
0x61: {  	_ =	shalt  }
0x62: {  	_ =	shalt  }
0x63: {  	_ =	shalt  }
0x64: {  	_ =	shalt  }
0x65: {  	_ =	shalt  }
0x66: {  	_ =	shalt  }
0x67: {  	_ =	shalt  }
0x68: {  	_ =	shalt  }
0x69: {  	_ =	shalt  }
0x6a: {  	_ =	shalt  }
0x6b: {  	_ =	shalt  }
0x6c: {  	_ =	shalt  }
0x6d: {  	_ =	shalt  }
0x6e: {  	_ =	shalt  }
0x6f: {  	_ =	shalt  }
0x70: {  	_ =	shalt  }
0x71: {  	_ =	shalt  }
0x72: {  	_ =	shalt  }
0x73: {  	_ =	shalt  }
0x74: {  	_ =	shalt  }
0x75: {  	_ =	shalt  }
0x76: {  	_ =	shalt  }
0x77: {  	_ =	shalt  }
0x78: {  	_ =	shalt  }
0x79: {  	_ =	shalt  }
0x7a: {  	_ =	shalt  }
0x7b: {  	_ =	shalt  }
0x7c: {  	_ =	shalt  }
0x7d: {  	_ =	shalt  }
0x7e: {  	_ =	shalt  }
0x7f: {  	_ =	shalt  }
0x80: {  	_ =	shalt  }
0x81: {  	_ =	shalt  }
0x82: {  	_ =	shalt  }
0x83: {  	_ =	shalt  }
0x84: {  	_ =	shalt  }
0x85: {  	_ =	shalt  }
0x86: {  	_ =	shalt  }
0x87: {  	_ =	shalt  }
.Lfunc_end0:
.L_simem_size_0:
called_computation.3_lowered:
.L_overlay_start_0:
0x88: {  	s2 =	sld [smem:$0x3FD9]  }
0x89: {  	s3 =	sld [smem:$0x3FFE];
	_ =	sdelay $0x1  }
0x8a: {  	s1 =	srdreg.scid  }
0x8b: {  	s0 =	sand.u32 $0x1, s1  }
0x8c: {  	s17 =	sshll.u32 s0, $0xA;
	s2 =	sadd.s32 s3, s2  }
0x8d: {  	s2 =	sadd.s32 s2, s17  }
0x8e: {  	[smem:$0x3FC0] =	sst s2  }
0x8f: {  	_ = 	snop  }
0x90: {  	s18 =	sld [smem:$0x3FD0];
	(tm) =	ssettm $0x1  }
0x91: {  	s19 =	sld [smem:$0x3FFB];
	_ =	sdelay $0x3  }
0x92: {  	_ =	strace s19  }
0x93: {  	s2 =	sld [smem:$0x3FFC];
	_ =	sdelay $0x3  }
0x94: {  	_ =	strace s2  }
0x95: {  	s2 =	sld [smem:$0x3FFD];
	_ =	sdelay $0x3  }
0x96: {  	_ =	strace s2  }
0x97: {  	_ =	strace $0x8FFFFFFF  }
0x98: {  	s20 =	sld [smem:$0x3FDB];
	_ =	sdelay $0x1  }
0x99: {  	s4 =	simm.s32 $_scs_section_size  }
0x9a: {  	s5 =	simm.s32 $_size__tile_overlayer_lowered;
	s6 =	simm.s32 $_tile_overlayer_lowered  }
0x9b: {  	s7 =	simm.s32 $0x1BFF;
	s21 =	sshll.u32 s6, $0x1;
	s4 =	sadd.s32 s4, s20  }
0x9c: {  	s22 =	simm.s32 $0x0;
	s5 =	sshll.u32 s5, $0x1;
	s6 =	sadd.s32 s21, s4  }
0x9d: {  	[timem:s22], [sflag:s7] =	dma.local [hbm:s6], s5  }
0x9e: {  	_ =	swait.ge [sflag:s7], s5  }
0x9f: {  	s5 =	ssub.s32 $0x0, s5;
	[sflag:s7] =	ssyncset.done $0x0  }
0xa0: {  	[sflag:s7] =	ssyncadd.s32 s5;
	_ =	sdelay $0x1  }
0xa1: {  	s23 =	simm.s32 $0x1B8B  }
0xa2: {  	_ =	swait.ge [sflag:s23], $0x1  }
0xa3: {  	[sflag:s23] =	ssyncset.done $0x0  }
0xa4: {  	[sflag:s23] =	ssyncadd.s32 $0xFFFFFFFF  }
0xa5: {  	s5 =	sld [smem:$0x0]  }
0xa6: {  	s6 =	sand.u32 $0xFFFFFFFE, s1  }
0xa7: {  	p0 =	sne.s32 s1, s6  }
0xa8: {  	s6 =	sshll.u32 @p0 s6, $0xE  }
0xa9: {  	s6 =	sadd.s32 @p0 $0x11B8D, s6;
	s7 =	sshll.u32 @p0 s5, $0x11  }
0xaa: {  	s6 =	sor.u32 @p0 s7, s6  }
0xab: {  	[sflag:s6] =	ssyncadd.remote.s32 @p0 $0x1;
	_ =	sdelay $0x1  }
0xac: {  	s6 =	simm.s32 @p0 $0x1B8D  }
0xad: {  	_ =	swait.eq @p0 [sflag:s6], $0x1  }
0xae: {  	[sflag:s6] =	ssyncadd.s32 @p0 $0xFFFFFFFF  }
0xaf: {  	s7 =	sshll.u32 @!p0 s1, $0xE  }
0xb0: {  	s7 =	sor.u32 @!p0 $0x4000, s7;
	s6 =	simm.s32 @!p0 $0x1B8D  }
0xb1: {  	s5 =	sshll.u32 @!p0 s5, $0x11;
	s7 =	sadd.s32 @!p0 $0x11B8D, s7;
	_ =	swait.eq @!p0 [sflag:s6], $0x1  }
0xb2: {  	s5 =	sor.u32 @!p0 s5, s7;
	[sflag:s6] =	ssyncadd.s32 @!p0 $0xFFFFFFFF  }
0xb3: {  	s25 =	simm.s32 $0x1B8E;
	s24 =	sld [smem:$0x3FFE];
	[sflag:s5] =	ssyncadd.remote.s32 @!p0 $0x1  }
0xb4: {  	s26 =	simm.s32 $execute0_lowered;
	[smem:$0x3FD2] =	sst s25  }
0xb5: {  	s6 =	sshll.u32 s26, $0x1;
	_ =	strace $0x8000004F;
	[dreg:$0x1] =	wrdreg $0xFFFFFFFF  }
0xb6: {  	s28 =	simm.s32 $_size_execute0_lowered;
	s4 =	sadd.s32 s4, s6;
	[dreg:$0x0] =	wrdreg $0x0  }
0xb7: {  	s6 =	sshll.u32 s28, $0x1;
	[dreg:$0x2] =	wrdreg s4  }
0xb8: {  	[dreg:$0x3] =	wrdreg s6  }
0xb9: {  	[dreg:$0x4] =	wrdreg $0xC0  }
0xba: {  	_ =	task [dreg:s22], $0x5FFFF  }
0xbb: {  	[dreg:$0x1] =	wrdreg $0xFFFFFFFF  }
0xbc: {  	[dreg:$0x0] =	wrdreg $0x60  }
0xbd: {  	[dreg:$0x2] =	wrdreg s18  }
0xbe: {  	[dreg:$0x3] =	wrdreg s24  }
0xbf: {  	[dreg:$0x4] =	wrdreg $0xC  }
0xc0: {  	_ =	task.clear_ibuf [dreg:s22], $0x5FFFF;
	_ =	strace $0x9000004F  }
0xc1: {  	s29 =	simm.s32 $0xC;
	_ =	strace $0x80000051  }
0xc2: {  	_ =	swait.ge [sflag:s29], $0x1  }
0xc3: {  	[sflag:s29] =	ssyncadd.s32 $0xFFFFFFFF  }
0xc4: {  	_ =	strace $0x90000051  }
0xc5: {  	_ =	sfence  }
0xc6: {  	s30 =	sld [smem:$0x0];
	_ =	sdelay $0x2  }
0xc7: {  	s31 =	sshll.u32 s1, $0xD;
	s1 =	sshrl.u32 s1, $0x2  }
0xc8: {  	s4 =	sand.u32 $0x4000, s31;
	s1 =	sadd.s32 s1, s30  }
0xc9: {  	s0 =	sor.u32 s4, s0;
	s1 =	sshll.u32 s1, $0x11  }
0xca: {  	s0 =	sor.u32 s1, s0  }
0xcb: {  	s0 =	sadd.s32 $0x8F2B, s0  }
0xcc: {  	[sflag:s0] =	ssyncadd.remote.s32 $0x1  }
0xcd: {  	_ =	sfence.sel $0xFFFF  }
0xce: {  	[dreg:$0x0] =	wrdreg $0xFFFFFFFF;
	(pc) =	sbr.abs _section_cstart, $3  }
0xcf: {  	[dreg:$0x1] =	wrdreg $0xFFFFFFFF  }
0xd0: {  	_ =	task.clear_ibuf [dreg:s22], $0x2FFFF;
	_ =	strace $0x9FFFFFFF  }
0xd1: {  	(tm) =	ssettm $0x7FFFFFFF  }
tec
execute0_lowered:
.L_overlay_start_1:
0x0: {  	(tag) =	ssettag $0x1  }
0x1: {  	s1 =	rddreg [dreg:$0x0]  }
0x2: {  	s4 =	rddreg [dreg:$0x1]  }
0x3: {  	s0 =	rddreg [dreg:$0x2];
	s5 =	srdreg.scid  }
0x4: {  	s3 =	simm.s32 $0x0;
	s2 =	stileid.u32;
	s10 =	simm.s32 $0x0  }
0x5: {  	s5 =	sand.u32 $0x1, s5;
	[smem:$0x7FF] =	sst s3;
	s6 =	sshll.u32 s2, $0xC  }
0x6: {  	s8 =	sshll.u32 s2, $0x10;
	s7 =	sshll.u32 s5, $0xB;
	_ =	strace $0x80000050  }
0x7: {  	s31 =	ssub.s32 $0x2, s5;
	s8 =	sadd.s32 s8, s4;
	s5 =	sshll.u32 s5, $0xF  }
0x8: {  	s6 =	sor.u32 s7, s6;
	s9 =	sshrl.u32 s31, $0x1;
	s5 =	sadd.s32 s5, s8  }
0x9: {  	s8 =	simm.s32 $0x80;
	s6 =	sshrl.u32 s6, $0x3;
	s7 =	ssub.s32 s31, s9  }
0xa: {  	s5 =	sadd.s32 $0x34BE00, s5;
	s9 =	simm.s32 $0x1;
	s6 =	sadd.s32 s6, s4  }
0xb: {  	s4 =	smax.u32 s7, $0x1;
	s7 =	simm.s32 $0x2;
	s6 =	sadd.s32 $0x349E00, s6  }
.LBB2_1:
0xc: {  	s11 =	sadd.s32 $0x0, s6  }
0xd: {  	[tilespmem:s3], [sflag:$0x2] =	stream.linear.gather [hbm4b:s11+s3], $0x80, $0x38;
	[tilespmem:$0x4080] =	vst v63  }
0xe: {  	_ =	swait.ge [sflag:s7], $0x80  }
0xf: {  	[sflag:s7] =	ssyncset.done $0x0  }
0x10: {  	[sflag:s7] =	ssyncadd.s32 $0xFFFFFF80  }
0x11: {  	[tilespmem:s8], [sflag:$0x1] =	stream.indirect.gather [hbm4b:s1+s8], $0x80, s3, s8, $0xb8;
	[tilespmem:$0x4080] =	vst v63  }
0x12: {  	_ =	swait.ge [sflag:s9], $0x4000  }
0x13: {  	[sflag:s9] =	ssyncset.done $0x0  }
0x14: {  	[sflag:s9] =	ssyncadd.s32 $0xFFFFC000  }
0x15: {  	[hbm4b:s5+s3] =	stream.linear.scatter [tilespmem:s8], [sflag:$0x2], $0x4000, $0x38;
	[tilespmem:$0x4080] =	vst v63  }
0x16: {  	s12 =	simm.s32 $0x10;
	_ =	swait.ge [sflag:s7], $0x4000  }
0x17: {  	s13 =	simm.s32 $0x20;
	s11 =	sadd.s32 $0x800, s5;
	[sflag:s7] =	ssyncset.done $0x0  }
.LBB2_2:
0x18: {  	s14 =	sadd.s32 s12, s6  }
0x19: {  	[sflag:s7] =	ssyncadd.s32 $0xFFFFC000;
	s12 =	smov.u32 s13;
	s15 =	sadd.s32 $0x10, s13  }
0x1a: {  	[tilespmem:s3], [sflag:$0x2] =	stream.linear.gather [hbm4b:s14+s3], $0x80, $0x38;
	[tilespmem:$0x4080] =	vst v63  }
0x1b: {  	p0 =	sne.s32 s13, $0xF0;
	_ =	swait.ge [sflag:s7], $0x80  }
0x1c: {  	[sflag:s7] =	ssyncset.done $0x0  }
0x1d: {  	[sflag:s7] =	ssyncadd.s32 $0xFFFFFF80  }
0x1e: {  	[tilespmem:s8], [sflag:$0x1] =	stream.indirect.gather [hbm4b:s1+s8], $0x80, s3, s8, $0xb8;
	[tilespmem:$0x4080] =	vst v63  }
0x1f: {  	_ =	swait.ge [sflag:s9], $0x4000  }
.Ltmp0:
0x20: {  	[sflag:s9] =	ssyncset.done $0x0;
	(pc) =	sbr.rel @p0 .LBB2_2-.Ltmp0, $4  }
0x21: {  	[sflag:s9] =	ssyncadd.s32 $0xFFFFC000  }
0x22: {  	[hbm4b:s11+s3] =	stream.linear.scatter [tilespmem:s8], [sflag:$0x2], $0x4000, $0x38;
	[tilespmem:$0x4080] =	vst v63  }
0x23: {  	_ =	swait.ge [sflag:s7], $0x4000  }
0x24: {  	s13 =	smov.u32 s15;
	s11 =	sadd.s32 $0x800, s11;
	[sflag:s7] =	ssyncset.done $0x0  }
0x25: {  	s12 =	sadd.s32 s12, s6;
	[sflag:s7] =	ssyncadd.s32 $0xFFFFC000  }
0x26: {  	[tilespmem:s3], [sflag:$0x2] =	stream.linear.gather [hbm4b:s12+s3], $0x80, $0x38;
	[tilespmem:$0x4080] =	vst v63  }
0x27: {  	_ =	swait.ge [sflag:s7], $0x80  }
0x28: {  	[sflag:s7] =	ssyncset.done $0x0  }
0x29: {  	[sflag:s7] =	ssyncadd.s32 $0xFFFFFF80  }
0x2a: {  	[tilespmem:s8], [sflag:$0x1] =	stream.indirect.gather [hbm4b:s1+s8], $0x80, s3, s8, $0xb8;
	[tilespmem:$0x4080] =	vst v63  }
0x2b: {  	s10 =	sadd.s32 $0x1, s10;
	_ =	swait.ge [sflag:s9], $0x4000  }
0x2c: {  	p0 =	sne.s32 s10, s4;
	[sflag:s9] =	ssyncset.done $0x0  }
.Ltmp1:
0x2d: {  	[sflag:s9] =	ssyncadd.s32 $0xFFFFC000;
	(pc) =	sbr.rel @p0 .LBB2_1-.Ltmp1, $4  }
0x2e: {  	[hbm4b:s11+s3] =	stream.linear.scatter [tilespmem:s8], [sflag:$0x2], $0x4000, $0x38;
	[tilespmem:$0x4080] =	vst v63  }
0x2f: {  	_ =	swait.ge [sflag:s7], $0x4000  }
0x30: {  	[sflag:s7] =	ssyncset.done $0x0  }
0x31: {  	[sflag:s7] =	ssyncadd.s32 $0xFFFFC000  }
0x32: {  	_ =	sfence.sel $0x180000  }
0x33: {  	[bflag:$0x0] =	sbarrier.arrive $0xFFFF  }
0x34: {  	p0 =	sne.s32 s2, $0x0;
	_ =	strace $0x90000050  }
0x35: {  	s0 =	sadd.s32 @!p0 $0x100000, s0;
	[bflag:$0x2] =	sbarrier.arrive $0xFFFF  }
0x36: {  	[sflag:s0] =	ssyncadd.tile.s32 @!p0 $0x1;
	_ =	shalt  }
.Lfunc_end2:
_tile_overlayer_lowered:
.L_overlay_start_2:
0x37: {  	(tag) =	ssettag $0x2  }
0x38: {  	s0 =	rddreg [dreg:$0x0];
	s2 =	stileid.u32  }
0x39: {  	s1 =	rddreg [dreg:$0x1];
	p0 =	sne.s32 s2, $0x0  }
0x3a: {  	s3 =	rddreg [dreg:$0x2];
	[bflag:$0x3] =	sbarrier.arrive $0xFFFF;
	s2 =	simm.s32 @!p0 $0x1C02  }
0x3b: {  	[timem:s3], [sflag:s2] =	dma.local @!p0 [hbm:s0], s1  }
0x3c: {  	s0 =	simm.s32 @!p0 $0x2  }
0x3d: {  	_ =	swait.ge @!p0 [sflag:s0], s1  }
0x3e: {  	s1 =	ssub.s32 @!p0 $0x0, s1;
	[sflag:s0] =	ssyncset.done @!p0 $0x0  }
0x3f: {  	[sflag:s0] =	ssyncadd.s32 @!p0 s1  }
0x40: {  	[bflag:$0x3] =	sbarrier.arrive $0xFFFF  }
0x41: {  	_ =	shalt  }

</sc_bundles>
